<compile_context>
chip_gen: v7x
topology: tpu7x:2x2x1
jax: 0.10.2.dev20260603
libtpu: 0.0.44.dev20260713+nightly
codegen_flags: <defaults>
</compile_context>

<pallas_src>
import functools
import numpy as np
import jax
import jax.numpy as jnp
from jax.experimental import pallas as pl
from jax.experimental.pallas import tpu as pltpu
from jax.experimental.pallas import tpu_sc as plsc

HIDDEN = 128
N_HEADS = 16
HEAD_DIM = HIDDEN // N_HEADS
KNN = 16
NUM_RG = 20
R_MAX = 10.0

_off = np.linspace(0.0, R_MAX, NUM_RG)
_COEFF = -0.5 / float(_off[1] - _off[0]) ** 2
_OFFS = _off.reshape(1, NUM_RG).astype(np.float32)
_INV_SQRT_HD = 1.0 / float(np.sqrt(HEAD_DIM))

_SUMHD = np.zeros((HIDDEN, N_HEADS), np.float32)
for _d in range(HIDDEN):
    _SUMHD[_d, _d // HEAD_DIM] = 1.0
_EXPHD = _SUMHD.T.copy()

_f32 = jnp.float32


def _pick_bn(n):
    for b in (200, 100, 40, 8):
        if n % b == 0:
            return b
    return n


def _rep(a, bn, reps):
    return jnp.broadcast_to(a[:, None, :], (bn, reps, a.shape[1])).reshape(
        bn * reps, a.shape[1])


def _gred(a, bn, reps, op):
    a3 = a.reshape(bn, reps, a.shape[1])
    acc = a3[:, 0, :]
    for j in range(1, reps):
        acc = op(acc, a3[:, j, :])
    return acc


def _ln_relu(h, g, be):
    mu = jnp.mean(h, axis=-1, keepdims=True)
    d = h - mu
    var = jnp.mean(d * d, axis=-1, keepdims=True)
    nh = d * jax.lax.rsqrt(var + 1e-5) * g + be
    return jnp.maximum(nh, 0.0)


def _dot(a, b):
    return jnp.dot(a, b, preferred_element_type=jnp.float32)


def _edge_geom(t_node, t_src, offs, bn):
    tn = t_node[...]
    tr = _rep(tn, bn, KNN)
    ts = t_src[...]
    rel = tr[:, 0:3] - ts[:, 0:3]
    mld = tr[:, 3:4]
    mls = ts[:, 3:4]
    dist = jnp.sqrt(jnp.sum(rel * rel, axis=-1, keepdims=True))
    smear = jnp.exp(_COEFF * (dist - offs[...]) ** 2)
    et = [mls * mld, mls * (1.0 - mld), (1.0 - mls) * mld,
          (1.0 - mls) * (1.0 - mld)]
    df = jnp.concatenate(et + [e * smear for e in et], axis=1)
    return rel, smear, df, mld, tn


def _attn_alpha(q_node, k, bn, sumhd):
    qr = _rep(q_node, bn, KNN)
    sc = _dot(qr * k, sumhd[...])
    m = _gred(sc, bn, KNN, jnp.maximum)
    ex = jnp.exp(sc - _rep(m, bn, KNN))
    den = _gred(ex, bn, KNN, jnp.add)
    return ex / (_rep(den, bn, KNN) + 1e-16)


def _xh_body(compute_ew, bn, *refs):
    i = iter(refs)
    t_node, t_src, h_node, h_src = next(i), next(i), next(i), next(i)
    ew_in = None if compute_ew else next(i)
    offs = next(i)
    if compute_ew:
        wew1, bew1, gew1, beew1, wew2, bew2 = (next(i) for _ in range(6))
    (W_edf, W_hd, W_hs, b1, g1, be1, w2k, b2k, w2v, b2v,
     wq1, bq1, gq1, beq1, wq2, bq2,
     wo1a, wo1h, bo1, go1, beo1, wo2, bo2, sumhd, exphd) = (
        next(i) for _ in range(25))
    h_out = next(i)
    ew_out = next(i) if compute_ew else None

    rel, smear, df, mld, tn = _edge_geom(t_node, t_src, offs, bn)

    if compute_ew:
        hew = _ln_relu(_dot(smear, wew1[...]) + bew1[...], gew1[...],
                       beew1[...])
        ew = jax.nn.sigmoid(_dot(hew, wew2[...]) + bew2[...])
        ew_out[...] = ew
    else:
        ew = ew_in[...]

    hn = h_node[...]
    pd = _dot(hn, W_hd[...])
    hid = (_dot(df, W_edf[...]) + _rep(pd, bn, KNN)
           + _dot(h_src[...], W_hs[...]) + b1[...])
    hk = _ln_relu(hid[:, :HIDDEN], g1[:, :HIDDEN], be1[:, :HIDDEN])
    hv = _ln_relu(hid[:, HIDDEN:], g1[:, HIDDEN:], be1[:, HIDDEN:])
    k = _dot(hk, w2k[...]) + b2k[...]
    v = (_dot(hv, w2v[...]) + b2v[...]) * ew

    hq = _ln_relu(_dot(hn, wq1[...]) + bq1[...], gq1[...], beq1[...])
    q = (_dot(hq, wq2[...]) + bq2[...]) * _INV_SQRT_HD

    alpha = _attn_alpha(q, k, bn, sumhd)
    av = _dot(alpha, exphd[...]) * v
    agg = _gred(av, bn, KNN, jnp.add)

    ho = _ln_relu(_dot(agg, wo1a[...]) + _dot(hn, wo1h[...]) + bo1[...],
                  go1[...], beo1[...])
    h_out[...] = _dot(ho, wo2[...]) + bo2[...] + hn


def _hx_body(bn, *refs):
    i = iter(refs)
    t_node, t_src, h_node, h_src, ew_in, offs = (next(i) for _ in range(6))
    (W_edf, W_hd, W_hs, b1, g1, be1, w2k, b2k, w2v, b2v,
     wq1, bq1, gq1, beq1, wq2, bq2, sumhd) = (next(i) for _ in range(17))
    x_out = next(i)

    rel, smear, df, mld, tn = _edge_geom(t_node, t_src, offs, bn)
    ew = ew_in[...]

    hn = h_node[...]
    pd = _dot(hn, W_hd[...])
    hid = (_dot(df, W_edf[...]) + _rep(pd, bn, KNN)
           + _dot(h_src[...], W_hs[...]) + b1[...])
    hk = _ln_relu(hid[:, :HIDDEN], g1[:, :HIDDEN], be1[:, :HIDDEN])
    hv = _ln_relu(hid[:, HIDDEN:], g1[:, HIDDEN:], be1[:, HIDDEN:])
    k = _dot(hk, w2k[...]) + b2k[...]
    v16 = (_dot(hv, w2v[...]) + b2v[...]) * ew

    hq = _ln_relu(_dot(hn, wq1[...]) + bq1[...], gq1[...], beq1[...])
    q = (_dot(hq, wq2[...]) + bq2[...]) * _INV_SQRT_HD

    alpha = _attn_alpha(q, k, bn, sumhd)
    s = jnp.sum(alpha * v16, axis=-1, keepdims=True) * (1.0 / N_HEADS)
    delta = _gred(s * rel, bn, KNN, jnp.add)
    x_out[...] = tn[:, 0:3] + delta * tn[:, 3:4]


def _full(shape):
    nd = len(shape)
    return pl.BlockSpec(shape, lambda i: (0,) * nd)


def _split_mlp(p):
    return (p['w1'], p['b1'][None], p['g1'][None], p['be1'][None],
            p['w2'], p['b2'][None])


def _xh_call(N, compute_ew, t_tab, t_src, h, h_src, ew, lp, ew_p):
    bn = _pick_bn(N)
    be = bn * KNN
    grid = (N // bn,)
    hk, hv, hq, out = lp['hk'], lp['hv'], lp['hq'], lp['out']
    W_edf = jnp.concatenate([hk['w1'][:84], hv['w1'][:84]], axis=1)
    W_hd = jnp.concatenate([hk['w1'][84:212], hv['w1'][84:212]], axis=1)
    W_hs = jnp.concatenate([hk['w1'][212:], hv['w1'][212:]], axis=1)
    b1 = jnp.concatenate([hk['b1'], hv['b1']])[None]
    g1 = jnp.concatenate([hk['g1'], hv['g1']])[None]
    be1 = jnp.concatenate([hk['be1'], hv['be1']])[None]
    weights = [jnp.asarray(_OFFS)]
    if compute_ew:
        weights += list(_split_mlp(ew_p))
    weights += [W_edf, W_hd, W_hs, b1, g1, be1,
                hk['w2'], hk['b2'][None], hv['w2'], hv['b2'][None],
                hq['w1'], hq['b1'][None], hq['g1'][None], hq['be1'][None],
                hq['w2'], hq['b2'][None],
                out['w1'][:HIDDEN], out['w1'][HIDDEN:], out['b1'][None],
                out['g1'][None], out['be1'][None], out['w2'], out['b2'][None],
                jnp.asarray(_SUMHD), jnp.asarray(_EXPHD)]
    data = [t_tab, t_src, h, h_src]
    in_specs = [pl.BlockSpec((bn, 16), lambda i: (i, 0)),
                pl.BlockSpec((be, 16), lambda i: (i, 0)),
                pl.BlockSpec((bn, HIDDEN), lambda i: (i, 0)),
                pl.BlockSpec((be, HIDDEN), lambda i: (i, 0))]
    if not compute_ew:
        data.append(ew)
        in_specs.append(pl.BlockSpec((be, 1), lambda i: (i, 0)))
    in_specs += [_full(w.shape) for w in weights]
    out_shape = [jax.ShapeDtypeStruct((N, HIDDEN), _f32)]
    out_specs = [pl.BlockSpec((bn, HIDDEN), lambda i: (i, 0))]
    if compute_ew:
        out_shape.append(jax.ShapeDtypeStruct((N * KNN, 1), _f32))
        out_specs.append(pl.BlockSpec((be, 1), lambda i: (i, 0)))
    fn = pl.pallas_call(
        functools.partial(_xh_body, compute_ew, bn),
        grid=grid, in_specs=in_specs, out_specs=out_specs,
        out_shape=out_shape,
        compiler_params=pltpu.CompilerParams(
            dimension_semantics=("arbitrary",)),
    )
    res = fn(*data, *weights)
    return (res[0], res[1]) if compute_ew else (res[0], ew)


def _hx_call(N, t_tab, t_src, h, h_src, ew, lp):
    bn = _pick_bn(N)
    be = bn * KNN
    grid = (N // bn,)
    xk, xv, xq = lp['xk'], lp['xv'], lp['xq']
    W_edf = jnp.concatenate([xk['w1'][:84], xv['w1'][:84]], axis=1)
    W_hd = jnp.concatenate([xk['w1'][84:212], xv['w1'][84:212]], axis=1)
    W_hs = jnp.concatenate([xk['w1'][212:], xv['w1'][212:]], axis=1)
    b1 = jnp.concatenate([xk['b1'], xv['b1']])[None]
    g1 = jnp.concatenate([xk['g1'], xv['g1']])[None]
    be1 = jnp.concatenate([xk['be1'], xv['be1']])[None]
    weights = [jnp.asarray(_OFFS), W_edf, W_hd, W_hs, b1, g1, be1,
               xk['w2'], xk['b2'][None], xv['w2'], xv['b2'][None],
               xq['w1'], xq['b1'][None], xq['g1'][None], xq['be1'][None],
               xq['w2'], xq['b2'][None], jnp.asarray(_SUMHD)]
    data = [t_tab, t_src, h, h_src, ew]
    in_specs = [pl.BlockSpec((bn, 16), lambda i: (i, 0)),
                pl.BlockSpec((be, 16), lambda i: (i, 0)),
                pl.BlockSpec((bn, HIDDEN), lambda i: (i, 0)),
                pl.BlockSpec((be, HIDDEN), lambda i: (i, 0)),
                pl.BlockSpec((be, 1), lambda i: (i, 0))]
    in_specs += [_full(w.shape) for w in weights]
    fn = pl.pallas_call(
        functools.partial(_hx_body, bn),
        grid=grid, in_specs=in_specs,
        out_specs=[pl.BlockSpec((bn, 3), lambda i: (i, 0))],
        out_shape=[jax.ShapeDtypeStruct((N, 3), _f32)],
        compiler_params=pltpu.CompilerParams(
            dimension_semantics=("arbitrary",)),
    )
    return fn(*data, *weights)[0]


def _gather_rows(table, idx):
    V, D = table.shape
    (B,) = idx.shape
    try:
        info = plsc.get_sparse_core_info()
        NC, NS, L = info.num_cores, info.num_subcores, info.num_lanes
    except Exception:
        return table[idx]
    NW = NC * NS
    if B % NW or D % 128:
        return table[idx]
    bpw = B // NW
    if bpw % 8:
        return table[idx]
    C = 0
    for c in range(bpw, 7, -1):
        if bpw % c == 0 and c % 8 == 0 and c * (D + 1) * 4 <= 420_000:
            C = c
            break
    if C == 0:
        return table[idx]
    n_chunks = bpw // C
    mesh = plsc.VectorSubcoreMesh(core_axis_name="c", subcore_axis_name="s")

    @functools.partial(
        pl.kernel, mesh=mesh,
        out_type=jax.ShapeDtypeStruct((B, D), table.dtype),
        scratch_types=[
            pltpu.VMEM((C,), jnp.int32),
            pltpu.VMEM((C, D), table.dtype),
            pltpu.SemaphoreType.DMA,
        ],
    )
    def gk(table_hbm, idx_hbm, out_hbm, idx_v, rows_v, sem):
        wid = jax.lax.axis_index("s") * NC + jax.lax.axis_index("c")
        base = wid * bpw

        def chunk(ci, carry):
            off = base + ci * C
            pltpu.sync_copy(idx_hbm.at[pl.ds(off, C)], idx_v)
            pltpu.async_copy(table_hbm.at[idx_v], rows_v, sem).wait()
            pltpu.sync_copy(rows_v, out_hbm.at[pl.ds(off, C)])
            return carry

        jax.lax.fori_loop(0, n_chunks, chunk, 0)

    return gk(table, idx.astype(jnp.int32))


def kernel(h, x, mask_ligand, batch, params):
    N = h.shape[0]
    xs = jax.lax.stop_gradient(x)
    sq = (xs * xs).sum(-1)
    d2 = sq[:, None] + sq[None, :] - 2.0 * (xs @ xs.T)
    invalid = (batch[:, None] != batch[None, :]) | jnp.eye(N, dtype=bool)
    d2 = jnp.where(invalid, jnp.inf, d2)
    _, nbr = jax.lax.top_k(-d2, KNN)
    src = nbr.reshape(-1)

    ml = (mask_ligand == 1).astype(_f32)[:, None]
    zpad = jnp.zeros((N, 12), _f32)

    ew = None
    for li, lp in enumerate(params['layers']):
        t_tab = jnp.concatenate([x, ml, zpad], axis=1)
        t_src = _gather_rows(t_tab, src)
        h_src = _gather_rows(h, src)
        h, ew = _xh_call(N, li == 0, t_tab, t_src, h, h_src, ew,
                         lp['x2h'], params['edge_pred'])
        h_src = _gather_rows(h, src)
        x = _hx_call(N, t_tab, t_src, h, h_src, ew, lp['h2x'])
    return x, h

# --- scband reference (transcript-rebuilt; emitter-appended) ---
"""Pipeline reference for scband-uni-transformer-o2-two-update-general-23424751632830 (READ-ONLY COPY).

The authoritative reference and input builder live on the scoring server;
editing this copy changes nothing except your own understanding.
"""

import jax, jax.numpy as jnp
import numpy as np

N_NODES = 10000
HIDDEN = 128
N_HEADS = 16
HEAD_DIM = HIDDEN // N_HEADS
KNN = 16
NUM_RG = 20
NUM_LAYERS = 2
R_MAX = 10.0
N_GRAPHS = 32

_off = np.linspace(0.0, R_MAX, NUM_RG)
OFFSET = jnp.asarray(_off, dtype=jnp.float32)
COEFF = -0.5 / float(_off[1] - _off[0]) ** 2

def mk_mlp(key, din, dh, dout):
    k1, k2 = jax.random.split(key)
    return {'w1': jax.random.normal(k1, (din, dh), dtype=jnp.float32) / np.sqrt(din),
            'b1': jnp.zeros((dh,), jnp.float32),
            'g1': jnp.ones((dh,), jnp.float32),
            'be1': jnp.zeros((dh,), jnp.float32),
            'w2': jax.random.normal(k2, (dh, dout), dtype=jnp.float32) / np.sqrt(dh),
            'b2': jnp.zeros((dout,), jnp.float32)}

def mlp(p, x):
    h = x @ p['w1'] + p['b1']
    mu = jnp.mean(h, axis=-1, keepdims=True)
    var = jnp.var(h, axis=-1, keepdims=True)
    h = (h - mu) / jnp.sqrt(var + 1e-5) * p['g1'] + p['be1']
    h = jax.nn.relu(h)
    return h @ p['w2'] + p['b2']

def gaussian_smearing(dist):
    d = dist.reshape(-1, 1) - OFFSET.reshape(1, -1)
    return jnp.exp(COEFF * d ** 2)

def outer_product(a, b):
    out = a[:, :, None] * b[:, None, :]
    return out.reshape(out.shape[0], -1)

def scatter_softmax(src_vals, index, num_segments):
    seg_max = jax.ops.segment_max(src_vals, index, num_segments=num_segments)
    seg_max = jax.lax.stop_gradient(seg_max)
    ex = jnp.exp(src_vals - seg_max[index])
    denom = jax.ops.segment_sum(ex, index, num_segments=num_segments)
    return ex / (denom[index] + 1e-16)

def x2h_layer(p, h, r_feat, edge_feat, src, dst, e_w):
    N = h.shape[0]
    kv = jnp.concatenate([edge_feat, r_feat, h[dst], h[src]], axis=-1)
    k = mlp(p['hk'], kv).reshape(-1, N_HEADS, HEAD_DIM)
    v = mlp(p['hv'], kv)
    v = v * e_w
    v = v.reshape(-1, N_HEADS, HEAD_DIM)
    q = mlp(p['hq'], h).reshape(-1, N_HEADS, HEAD_DIM)
    scores = (q[dst] * k / np.sqrt(HEAD_DIM)).sum(-1)
    alpha = scatter_softmax(scores, dst, N)
    m = alpha[..., None] * v
    out = jax.ops.segment_sum(m, dst, num_segments=N).reshape(N, HIDDEN)
    out = mlp(p['out'], jnp.concatenate([out, h], axis=-1))
    return out + h

def h2x_layer(p, h, rel_x, r_feat, edge_feat, src, dst, e_w):
    N = h.shape[0]
    kv = jnp.concatenate([edge_feat, r_feat, h[dst], h[src]], axis=-1)
    k = mlp(p['xk'], kv).reshape(-1, N_HEADS, HEAD_DIM)
    v = mlp(p['xv'], kv)
    v = v * e_w
    v = v[..., None] * rel_x[:, None, :]
    q = mlp(p['xq'], h).reshape(-1, N_HEADS, HEAD_DIM)
    scores = (q[dst] * k / np.sqrt(HEAD_DIM)).sum(-1)
    alpha = scatter_softmax(scores, dst, N)
    m = alpha[..., None] * v
    out = jax.ops.segment_sum(m, dst, num_segments=N)
    return out.mean(axis=1)

def attention_block_layer(p, h, x, edge_type, src, dst, mask_ligand, e_w):
    rel_x = x[dst] - x[src]
    dist = jnp.linalg.norm(rel_x, axis=-1, keepdims=True)
    dist_feat = outer_product(edge_type, gaussian_smearing(dist))
    h = x2h_layer(p['x2h'], h, dist_feat, edge_type, src, dst, e_w)
    dist_feat = outer_product(edge_type, gaussian_smearing(dist))
    delta_x = h2x_layer(p['h2x'], h, rel_x, dist_feat, edge_type, src, dst, e_w)
    x = x + delta_x * mask_ligand[:, None].astype(x.dtype)
    return h, x

def knn_edges(x, batch):
    N = x.shape[0]
    sq = (x * x).sum(-1)
    d2 = sq[:, None] + sq[None, :] - 2.0 * (x @ x.T)
    invalid = (batch[:, None] != batch[None, :]) | jnp.eye(N, dtype=bool)
    d2 = jnp.where(invalid, jnp.inf, d2)
    _, nbr = jax.lax.top_k(-d2, KNN)
    dst = jnp.repeat(jnp.arange(N), KNN)
    src = nbr.reshape(-1)
    return src, dst

def forward(h, x, mask_ligand, batch, params):
    src, dst = knn_edges(jax.lax.stop_gradient(x), batch)
    n_src = mask_ligand[src] == 1
    n_dst = mask_ligand[dst] == 1
    edge_type = jnp.stack([n_src & n_dst, n_src & (~n_dst), (~n_src) & n_dst, (~n_src) & (~n_dst)], axis=-1).astype(jnp.float32)
    dist = jnp.linalg.norm(x[dst] - x[src], axis=-1, keepdims=True)
    e_w = jax.nn.sigmoid(mlp(params['edge_pred'], gaussian_smearing(dist)))
    for lp in params['layers']:
        h, x = attention_block_layer(lp, h, x, edge_type, src, dst, mask_ligand, e_w)
    return x, h

def setup_inputs(seed: int = 0):
    key = jax.random.key(seed)
    ks = jax.random.split(key, 8)
    h = jax.random.normal(ks[0], (N_NODES, HIDDEN), dtype=jnp.float32)
    x = jax.random.normal(ks[1], (N_NODES, 3), dtype=jnp.float32) * 3.0
    mask_ligand = jax.random.randint(ks[2], (N_NODES,), 0, 2)
    batch = jnp.sort(jax.random.randint(ks[3], (N_NODES,), 0, N_GRAPHS))
    kv_in = 4 + 4 * NUM_RG + 2 * HIDDEN
    layers = []
    for i in range(NUM_LAYERS):
        lk = jax.random.fold_in(key, 100 + i)
        k1, k2, k3, k4, k5, k6, k7 = jax.random.split(lk, 7)
        layers.append({'x2h': {'hk': mk_mlp(k1, kv_in, HIDDEN, HIDDEN),
                               'hv': mk_mlp(k2, kv_in, HIDDEN, HIDDEN),
                               'hq': mk_mlp(k3, HIDDEN, HIDDEN, HIDDEN),
                               'out': mk_mlp(k4, 2 * HIDDEN, HIDDEN, HIDDEN)},
                       'h2x': {'xk': mk_mlp(k5, kv_in, HIDDEN, HIDDEN),
                               'xv': mk_mlp(k6, kv_in, HIDDEN, N_HEADS),
                               'xq': mk_mlp(k7, HIDDEN, HIDDEN, HIDDEN)}})
    params = {'edge_pred': mk_mlp(ks[4], NUM_RG, HIDDEN, 1), 'layers': layers}
    return {'h': h, 'x': x, 'mask_ligand': mask_ligand, 'batch': batch, 'params': params}

def reference(h, x, mask_ligand, batch, params):
    return forward(h, x, mask_ligand, batch, params)

if __name__ == "__main__":
    import jax
    _d = setup_inputs()
    print(jax.jit(kernel)(*tuple(_d.values())))

</pallas_src>

<mosaic_0001>
#map = affine_map<(d0, d1) -> (0, 0)>
#map1 = affine_map<(d0, d1) -> (0)>
module attributes {stable_mosaic.version = 14 : i64} {
  func.func @gk(%arg0: i32, %arg1: i32, %arg2: memref<10000x128xf32, #tpu.memory_space<hbm>>, %arg3: memref<160000xi32, #tpu.memory_space<hbm>>, %arg4: memref<160000x128xf32, #tpu.memory_space<hbm>>, %arg5: memref<200xi32, #tpu.memory_space<vmem>>, %arg6: memref<200x128xf32, #tpu.memory_space<vmem>>, %arg7: memref<!tpu.dma_semaphore, #tpu.memory_space<semaphore_mem>>) attributes {dimension_semantics = [#tpu.dimension_semantics<core_parallel>, #tpu.dimension_semantics<subcore_parallel>], iteration_bounds = array<i64: 2, 16>, scalar_prefetch = 0 : i64, scratch_operands = 3 : i64, tpu.core_type = #tpu.core_type<sc_vector_subcore>, window_params = [{transform_indices = #map}, {transform_indices = #map1}, {transform_indices = #map}]} {
    %mul3A = arith.constant 2 : i32
    %mul3A_0 = arith.muli %arg1, %mul3A : i32
    %add3A = arith.addi %mul3A_0, %arg0 : i32
    %mul3A_1 = arith.constant 5000 : i32
    %mul3A_2 = arith.muli %add3A, %mul3A_1 : i32
    %scan3A = arith.constant 0 : i32
    %scan3A_3 = arith.constant 0 : i32
    %scan3A_4 = arith.constant 25 : i32
    %scan3A_5 = arith.addi %scan3A_3, %scan3A_4 : i32
    %scan3A_6 = arith.constant 1 : i32
    scf.for %scan3A_8 = %scan3A_3 to %scan3A_5 step %scan3A_6  : i32 {
      %mul3A_9 = arith.constant 200 : i32
      %mul3A_10 = arith.muli %scan3A_8, %mul3A_9 : i32
      %add3A_11 = arith.addi %mul3A_2, %mul3A_10 : i32
      "tpu.region"() ({
        %run_scoped3A = tpu.sem_alloc : memref<!tpu.dma_semaphore, #tpu.memory_space<semaphore_mem>>
        %dma_start3A_16 = tpu.memref_slice %arg3[%add3A_11] : memref<160000xi32, #tpu.memory_space<hbm>> -> memref<200xi32, #tpu.memory_space<hbm>>
        %dma_start3A_17 = tpu.memref_slice %arg3[%add3A_11] : memref<160000xi32, #tpu.memory_space<hbm>> -> memref<200xi32, #tpu.memory_space<hbm>>
        tpu.enqueue_dma source(%dma_start3A_17 : memref<200xi32, #tpu.memory_space<hbm>>) target(%arg5 : memref<200xi32, #tpu.memory_space<vmem>>) target_semaphore(%run_scoped3A : memref<!tpu.dma_semaphore, #tpu.memory_space<semaphore_mem>>)
        %dma_wait3A_18 = tpu.memref_slice %arg3[%add3A_11] : memref<160000xi32, #tpu.memory_space<hbm>> -> memref<200xi32, #tpu.memory_space<hbm>>
        %dma_wait3A_19 = tpu.memref_slice %arg3[%add3A_11] : memref<160000xi32, #tpu.memory_space<hbm>> -> memref<200xi32, #tpu.memory_space<hbm>>
        tpu.wait_dma2 semaphore(%run_scoped3A : memref<!tpu.dma_semaphore, #tpu.memory_space<semaphore_mem>>) src(%dma_wait3A_19 : memref<200xi32, #tpu.memory_space<hbm>>) dst(%arg5 : memref<200xi32, #tpu.memory_space<vmem>>)
        tpu.yield
      }) : () -> ()
      %dma_start3A = arith.constant 0 : i32
      %dma_start3A_12 = arith.constant 0 : i32
      %dma_start3A_13 = tpu.memref_slice %arg2[%dma_start3A, %dma_start3A_12] : memref<10000x128xf32, #tpu.memory_space<hbm>> -> memref<10000x128xf32, #tpu.memory_space<hbm>>
      tpu.enqueue_indirect_dma source(%dma_start3A_13 : memref<10000x128xf32, #tpu.memory_space<hbm>>) target(%arg6 : memref<200x128xf32, #tpu.memory_space<vmem>>) offsets(%arg5 : memref<200xi32, #tpu.memory_space<vmem>>) semaphore(%arg7 : memref<!tpu.dma_semaphore, #tpu.memory_space<semaphore_mem>>)
      %dma_wait3A = arith.constant 0 : i32
      %dma_wait3A_14 = arith.constant 0 : i32
      %dma_wait3A_15 = tpu.memref_slice %arg2[%dma_wait3A, %dma_wait3A_14] : memref<10000x128xf32, #tpu.memory_space<hbm>> -> memref<10000x128xf32, #tpu.memory_space<hbm>>
      tpu.wait_indirect_dma semaphore(%arg7 : memref<!tpu.dma_semaphore, #tpu.memory_space<semaphore_mem>>) src(%dma_wait3A_15 : memref<10000x128xf32, #tpu.memory_space<hbm>>) dst(%arg6 : memref<200x128xf32, #tpu.memory_space<vmem>>)
      "tpu.region"() ({
        %run_scoped3A = tpu.sem_alloc : memref<!tpu.dma_semaphore, #tpu.memory_space<semaphore_mem>>
        %dma_start3A_16 = arith.constant 0 : i32
        %dma_start3A_17 = tpu.memref_slice %arg4[%add3A_11, %dma_start3A_16] : memref<160000x128xf32, #tpu.memory_space<hbm>> -> memref<200x128xf32, #tpu.memory_space<hbm>>
        %dma_start3A_18 = arith.constant 0 : i32
        %dma_start3A_19 = tpu.memref_slice %arg4[%add3A_11, %dma_start3A_18] : memref<160000x128xf32, #tpu.memory_space<hbm>> -> memref<200x128xf32, #tpu.memory_space<hbm>>
        tpu.enqueue_dma source(%arg6 : memref<200x128xf32, #tpu.memory_space<vmem>>) target(%dma_start3A_19 : memref<200x128xf32, #tpu.memory_space<hbm>>) target_semaphore(%run_scoped3A : memref<!tpu.dma_semaphore, #tpu.memory_space<semaphore_mem>>)
        %dma_wait3A_20 = arith.constant 0 : i32
        %dma_wait3A_21 = tpu.memref_slice %arg4[%add3A_11, %dma_wait3A_20] : memref<160000x128xf32, #tpu.memory_space<hbm>> -> memref<200x128xf32, #tpu.memory_space<hbm>>
        %dma_wait3A_22 = arith.constant 0 : i32
        %dma_wait3A_23 = tpu.memref_slice %arg4[%add3A_11, %dma_wait3A_22] : memref<160000x128xf32, #tpu.memory_space<hbm>> -> memref<200x128xf32, #tpu.memory_space<hbm>>
        tpu.wait_dma2 semaphore(%run_scoped3A : memref<!tpu.dma_semaphore, #tpu.memory_space<semaphore_mem>>) src(%arg6 : memref<200x128xf32, #tpu.memory_space<vmem>>) dst(%dma_wait3A_23 : memref<200x128xf32, #tpu.memory_space<hbm>>)
        tpu.yield
      }) : () -> ()
    }
    %scan3A_7 = arith.constant 25 : i32
    return
  }
}

#map = affine_map<(d0, d1) -> (0, 0)>
#map1 = affine_map<(d0, d1) -> (0)>
module attributes {stable_mosaic.version = 14 : i64} {
  func.func @gk(%arg0: i32, %arg1: i32, %arg2: memref<10000x128xf32, #tpu.memory_space<hbm>>, %arg3: memref<160000xi32, #tpu.memory_space<hbm>>, %arg4: memref<160000x128xf32, #tpu.memory_space<hbm>>, %arg5: memref<200xi32, #tpu.memory_space<vmem>>, %arg6: memref<200x128xf32, #tpu.memory_space<vmem>>, %arg7: memref<!tpu.dma_semaphore, #tpu.memory_space<semaphore_mem>>) attributes {dimension_semantics = [#tpu.dimension_semantics<core_parallel>, #tpu.dimension_semantics<subcore_parallel>], iteration_bounds = array<i64: 2, 16>, scalar_prefetch = 0 : i64, scratch_operands = 3 : i64, tpu.core_type = #tpu.core_type<sc_vector_subcore>, window_params = [{transform_indices = #map}, {transform_indices = #map1}, {transform_indices = #map}]} {
    %mul3A = arith.constant 2 : i32
    %mul3A_0 = arith.muli %arg1, %mul3A : i32
    %add3A = arith.addi %mul3A_0, %arg0 : i32
    %mul3A_1 = arith.constant 5000 : i32
    %mul3A_2 = arith.muli %add3A, %mul3A_1 : i32
    %scan3A = arith.constant 0 : i32
    %scan3A_3 = arith.constant 0 : i32
    %scan3A_4 = arith.constant 25 : i32
    %scan3A_5 = arith.addi %scan3A_3, %scan3A_4 : i32
    %scan3A_6 = arith.constant 1 : i32
    scf.for %scan3A_8 = %scan3A_3 to %scan3A_5 step %scan3A_6  : i32 {
      %mul3A_9 = arith.constant 200 : i32
      %mul3A_10 = arith.muli %scan3A_8, %mul3A_9 : i32
      %add3A_11 = arith.addi %mul3A_2, %mul3A_10 : i32
      "tpu.region"() ({
        %run_scoped3A = tpu.sem_alloc : memref<!tpu.dma_semaphore, #tpu.memory_space<semaphore_mem>>
        %dma_start3A_16 = tpu.memref_slice %arg3[%add3A_11] : memref<160000xi32, #tpu.memory_space<hbm>> -> memref<200xi32, #tpu.memory_space<hbm>>
        %dma_start3A_17 = tpu.memref_slice %arg3[%add3A_11] : memref<160000xi32, #tpu.memory_space<hbm>> -> memref<200xi32, #tpu.memory_space<hbm>>
        tpu.enqueue_dma source(%dma_start3A_17 : memref<200xi32, #tpu.memory_space<hbm>>) target(%arg5 : memref<200xi32, #tpu.memory_space<vmem>>) target_semaphore(%run_scoped3A : memref<!tpu.dma_semaphore, #tpu.memory_space<semaphore_mem>>)
        %dma_wait3A_18 = tpu.memref_slice %arg3[%add3A_11] : memref<160000xi32, #tpu.memory_space<hbm>> -> memref<200xi32, #tpu.memory_space<hbm>>
        %dma_wait3A_19 = tpu.memref_slice %arg3[%add3A_11] : memref<160000xi32, #tpu.memory_space<hbm>> -> memref<200xi32, #tpu.memory_space<hbm>>
        tpu.wait_dma2 semaphore(%run_scoped3A : memref<!tpu.dma_semaphore, #tpu.memory_space<semaphore_mem>>) src(%dma_wait3A_19 : memref<200xi32, #tpu.memory_space<hbm>>) dst(%arg5 : memref<200xi32, #tpu.memory_space<vmem>>)
        tpu.yield
      }) : () -> ()
      %dma_start3A = arith.constant 0 : i32
      %dma_start3A_12 = arith.constant 0 : i32
      %dma_start3A_13 = tpu.memref_slice %arg2[%dma_start3A, %dma_start3A_12] : memref<10000x128xf32, #tpu.memory_space<hbm>> -> memref<10000x128xf32, #tpu.memory_space<hbm>>
      tpu.enqueue_indirect_dma source(%dma_start3A_13 : memref<10000x128xf32, #tpu.memory_space<hbm>>) target(%arg6 : memref<200x128xf32, #tpu.memory_space<vmem>>) offsets(%arg5 : memref<200xi32, #tpu.memory_space<vmem>>) semaphore(%arg7 : memref<!tpu.dma_semaphore, #tpu.memory_space<semaphore_mem>>)
      %dma_wait3A = arith.constant 0 : i32
      %dma_wait3A_14 = arith.constant 0 : i32
      %dma_wait3A_15 = tpu.memref_slice %arg2[%dma_wait3A, %dma_wait3A_14] : memref<10000x128xf32, #tpu.memory_space<hbm>> -> memref<10000x128xf32, #tpu.memory_space<hbm>>
      tpu.wait_indirect_dma semaphore(%arg7 : memref<!tpu.dma_semaphore, #tpu.memory_space<semaphore_mem>>) src(%dma_wait3A_15 : memref<10000x128xf32, #tpu.memory_space<hbm>>) dst(%arg6 : memref<200x128xf32, #tpu.memory_space<vmem>>)
      "tpu.region"() ({
        %run_scoped3A = tpu.sem_alloc : memref<!tpu.dma_semaphore, #tpu.memory_space<semaphore_mem>>
        %dma_start3A_16 = arith.constant 0 : i32
        %dma_start3A_17 = tpu.memref_slice %arg4[%add3A_11, %dma_start3A_16] : memref<160000x128xf32, #tpu.memory_space<hbm>> -> memref<200x128xf32, #tpu.memory_space<hbm>>
        %dma_start3A_18 = arith.constant 0 : i32
        %dma_start3A_19 = tpu.memref_slice %arg4[%add3A_11, %dma_start3A_18] : memref<160000x128xf32, #tpu.memory_space<hbm>> -> memref<200x128xf32, #tpu.memory_space<hbm>>
        tpu.enqueue_dma source(%arg6 : memref<200x128xf32, #tpu.memory_space<vmem>>) target(%dma_start3A_19 : memref<200x128xf32, #tpu.memory_space<hbm>>) target_semaphore(%run_scoped3A : memref<!tpu.dma_semaphore, #tpu.memory_space<semaphore_mem>>)
        %dma_wait3A_20 = arith.constant 0 : i32
        %dma_wait3A_21 = tpu.memref_slice %arg4[%add3A_11, %dma_wait3A_20] : memref<160000x128xf32, #tpu.memory_space<hbm>> -> memref<200x128xf32, #tpu.memory_space<hbm>>
        %dma_wait3A_22 = arith.constant 0 : i32
        %dma_wait3A_23 = tpu.memref_slice %arg4[%add3A_11, %dma_wait3A_22] : memref<160000x128xf32, #tpu.memory_space<hbm>> -> memref<200x128xf32, #tpu.memory_space<hbm>>
        tpu.wait_dma2 semaphore(%run_scoped3A : memref<!tpu.dma_semaphore, #tpu.memory_space<semaphore_mem>>) src(%arg6 : memref<200x128xf32, #tpu.memory_space<vmem>>) dst(%dma_wait3A_23 : memref<200x128xf32, #tpu.memory_space<hbm>>)
        tpu.yield
      }) : () -> ()
    }
    %scan3A_7 = arith.constant 25 : i32
    return
  }
}

#map = affine_map<(d0, d1) -> (0, 0)>
#map1 = affine_map<(d0, d1) -> (0)>
module attributes {stable_mosaic.version = 14 : i64} {
  func.func @gk(%arg0: i32, %arg1: i32, %arg2: memref<10000x128xf32, #tpu.memory_space<hbm>>, %arg3: memref<160000xi32, #tpu.memory_space<hbm>>, %arg4: memref<160000x128xf32, #tpu.memory_space<hbm>>, %arg5: memref<200xi32, #tpu.memory_space<vmem>>, %arg6: memref<200x128xf32, #tpu.memory_space<vmem>>, %arg7: memref<!tpu.dma_semaphore, #tpu.memory_space<semaphore_mem>>) attributes {dimension_semantics = [#tpu.dimension_semantics<core_parallel>, #tpu.dimension_semantics<subcore_parallel>], iteration_bounds = array<i64: 2, 16>, scalar_prefetch = 0 : i64, scratch_operands = 3 : i64, tpu.core_type = #tpu.core_type<sc_vector_subcore>, window_params = [{transform_indices = #map}, {transform_indices = #map1}, {transform_indices = #map}]} {
    %mul3A = arith.constant 2 : i32
    %mul3A_0 = arith.muli %arg1, %mul3A : i32
    %add3A = arith.addi %mul3A_0, %arg0 : i32
    %mul3A_1 = arith.constant 5000 : i32
    %mul3A_2 = arith.muli %add3A, %mul3A_1 : i32
    %scan3A = arith.constant 0 : i32
    %scan3A_3 = arith.constant 0 : i32
    %scan3A_4 = arith.constant 25 : i32
    %scan3A_5 = arith.addi %scan3A_3, %scan3A_4 : i32
    %scan3A_6 = arith.constant 1 : i32
    scf.for %scan3A_8 = %scan3A_3 to %scan3A_5 step %scan3A_6  : i32 {
      %mul3A_9 = arith.constant 200 : i32
      %mul3A_10 = arith.muli %scan3A_8, %mul3A_9 : i32
      %add3A_11 = arith.addi %mul3A_2, %mul3A_10 : i32
      "tpu.region"() ({
        %run_scoped3A = tpu.sem_alloc : memref<!tpu.dma_semaphore, #tpu.memory_space<semaphore_mem>>
        %dma_start3A_16 = tpu.memref_slice %arg3[%add3A_11] : memref<160000xi32, #tpu.memory_space<hbm>> -> memref<200xi32, #tpu.memory_space<hbm>>
        %dma_start3A_17 = tpu.memref_slice %arg3[%add3A_11] : memref<160000xi32, #tpu.memory_space<hbm>> -> memref<200xi32, #tpu.memory_space<hbm>>
        tpu.enqueue_dma source(%dma_start3A_17 : memref<200xi32, #tpu.memory_space<hbm>>) target(%arg5 : memref<200xi32, #tpu.memory_space<vmem>>) target_semaphore(%run_scoped3A : memref<!tpu.dma_semaphore, #tpu.memory_space<semaphore_mem>>)
        %dma_wait3A_18 = tpu.memref_slice %arg3[%add3A_11] : memref<160000xi32, #tpu.memory_space<hbm>> -> memref<200xi32, #tpu.memory_space<hbm>>
        %dma_wait3A_19 = tpu.memref_slice %arg3[%add3A_11] : memref<160000xi32, #tpu.memory_space<hbm>> -> memref<200xi32, #tpu.memory_space<hbm>>
        tpu.wait_dma2 semaphore(%run_scoped3A : memref<!tpu.dma_semaphore, #tpu.memory_space<semaphore_mem>>) src(%dma_wait3A_19 : memref<200xi32, #tpu.memory_space<hbm>>) dst(%arg5 : memref<200xi32, #tpu.memory_space<vmem>>)
        tpu.yield
      }) : () -> ()
      %dma_start3A = arith.constant 0 : i32
      %dma_start3A_12 = arith.constant 0 : i32
      %dma_start3A_13 = tpu.memref_slice %arg2[%dma_start3A, %dma_start3A_12] : memref<10000x128xf32, #tpu.memory_space<hbm>> -> memref<10000x128xf32, #tpu.memory_space<hbm>>
      tpu.enqueue_indirect_dma source(%dma_start3A_13 : memref<10000x128xf32, #tpu.memory_space<hbm>>) target(%arg6 : memref<200x128xf32, #tpu.memory_space<vmem>>) offsets(%arg5 : memref<200xi32, #tpu.memory_space<vmem>>) semaphore(%arg7 : memref<!tpu.dma_semaphore, #tpu.memory_space<semaphore_mem>>)
      %dma_wait3A = arith.constant 0 : i32
      %dma_wait3A_14 = arith.constant 0 : i32
      %dma_wait3A_15 = tpu.memref_slice %arg2[%dma_wait3A, %dma_wait3A_14] : memref<10000x128xf32, #tpu.memory_space<hbm>> -> memref<10000x128xf32, #tpu.memory_space<hbm>>
      tpu.wait_indirect_dma semaphore(%arg7 : memref<!tpu.dma_semaphore, #tpu.memory_space<semaphore_mem>>) src(%dma_wait3A_15 : memref<10000x128xf32, #tpu.memory_space<hbm>>) dst(%arg6 : memref<200x128xf32, #tpu.memory_space<vmem>>)
      "tpu.region"() ({
        %run_scoped3A = tpu.sem_alloc : memref<!tpu.dma_semaphore, #tpu.memory_space<semaphore_mem>>
        %dma_start3A_16 = arith.constant 0 : i32
        %dma_start3A_17 = tpu.memref_slice %arg4[%add3A_11, %dma_start3A_16] : memref<160000x128xf32, #tpu.memory_space<hbm>> -> memref<200x128xf32, #tpu.memory_space<hbm>>
        %dma_start3A_18 = arith.constant 0 : i32
        %dma_start3A_19 = tpu.memref_slice %arg4[%add3A_11, %dma_start3A_18] : memref<160000x128xf32, #tpu.memory_space<hbm>> -> memref<200x128xf32, #tpu.memory_space<hbm>>
        tpu.enqueue_dma source(%arg6 : memref<200x128xf32, #tpu.memory_space<vmem>>) target(%dma_start3A_19 : memref<200x128xf32, #tpu.memory_space<hbm>>) target_semaphore(%run_scoped3A : memref<!tpu.dma_semaphore, #tpu.memory_space<semaphore_mem>>)
        %dma_wait3A_20 = arith.constant 0 : i32
        %dma_wait3A_21 = tpu.memref_slice %arg4[%add3A_11, %dma_wait3A_20] : memref<160000x128xf32, #tpu.memory_space<hbm>> -> memref<200x128xf32, #tpu.memory_space<hbm>>
        %dma_wait3A_22 = arith.constant 0 : i32
        %dma_wait3A_23 = tpu.memref_slice %arg4[%add3A_11, %dma_wait3A_22] : memref<160000x128xf32, #tpu.memory_space<hbm>> -> memref<200x128xf32, #tpu.memory_space<hbm>>
        tpu.wait_dma2 semaphore(%run_scoped3A : memref<!tpu.dma_semaphore, #tpu.memory_space<semaphore_mem>>) src(%arg6 : memref<200x128xf32, #tpu.memory_space<vmem>>) dst(%dma_wait3A_23 : memref<200x128xf32, #tpu.memory_space<hbm>>)
        tpu.yield
      }) : () -> ()
    }
    %scan3A_7 = arith.constant 25 : i32
    return
  }
}

module attributes {stable_mosaic.version = 14 : i64} {
  func.func @_xh_body(%arg0: i32, %arg1: memref<200x16xf32, #tpu.memory_space<vmem>>, %arg2: memref<3200x16xf32, #tpu.memory_space<vmem>>, %arg3: memref<200x128xf32, #tpu.memory_space<vmem>>, %arg4: memref<3200x128xf32, #tpu.memory_space<vmem>>, %arg5: memref<1x20xf32, #tpu.memory_space<vmem>>, %arg6: memref<20x128xf32, #tpu.memory_space<vmem>>, %arg7: memref<1x128xf32, #tpu.memory_space<vmem>>, %arg8: memref<1x128xf32, #tpu.memory_space<vmem>>, %arg9: memref<1x128xf32, #tpu.memory_space<vmem>>, %arg10: memref<128x1xf32, #tpu.memory_space<vmem>>, %arg11: memref<1x1xf32, #tpu.memory_space<vmem>>, %arg12: memref<84x256xf32, #tpu.memory_space<vmem>>, %arg13: memref<128x256xf32, #tpu.memory_space<vmem>>, %arg14: memref<128x256xf32, #tpu.memory_space<vmem>>, %arg15: memref<1x256xf32, #tpu.memory_space<vmem>>, %arg16: memref<1x256xf32, #tpu.memory_space<vmem>>, %arg17: memref<1x256xf32, #tpu.memory_space<vmem>>, %arg18: memref<128x128xf32, #tpu.memory_space<vmem>>, %arg19: memref<1x128xf32, #tpu.memory_space<vmem>>, %arg20: memref<128x128xf32, #tpu.memory_space<vmem>>, %arg21: memref<1x128xf32, #tpu.memory_space<vmem>>, %arg22: memref<128x128xf32, #tpu.memory_space<vmem>>, %arg23: memref<1x128xf32, #tpu.memory_space<vmem>>, %arg24: memref<1x128xf32, #tpu.memory_space<vmem>>, %arg25: memref<1x128xf32, #tpu.memory_space<vmem>>, %arg26: memref<128x128xf32, #tpu.memory_space<vmem>>, %arg27: memref<1x128xf32, #tpu.memory_space<vmem>>, %arg28: memref<128x128xf32, #tpu.memory_space<vmem>>, %arg29: memref<128x128xf32, #tpu.memory_space<vmem>>, %arg30: memref<1x128xf32, #tpu.memory_space<vmem>>, %arg31: memref<1x128xf32, #tpu.memory_space<vmem>>, %arg32: memref<1x128xf32, #tpu.memory_space<vmem>>, %arg33: memref<128x128xf32, #tpu.memory_space<vmem>>, %arg34: memref<1x128xf32, #tpu.memory_space<vmem>>, %arg35: memref<128x16xf32, #tpu.memory_space<vmem>>, %arg36: memref<16x128xf32, #tpu.memory_space<vmem>>, %arg37: memref<200x128xf32, #tpu.memory_space<vmem>>, %arg38: memref<3200x1xf32, #tpu.memory_space<vmem>>) attributes {dimension_semantics = [#tpu.dimension_semantics<arbitrary>], iteration_bounds = array<i64: 50>, scalar_prefetch = 0 : i64, scratch_operands = 0 : i64, tpu.core_type = #tpu.core_type<tc>, window_params = [{transform_indices = @transform_0, window_bounds = array<i64: 200, 16>}, {transform_indices = @transform_1, window_bounds = array<i64: 3200, 16>}, {transform_indices = @transform_2, window_bounds = array<i64: 200, 128>}, {transform_indices = @transform_3, window_bounds = array<i64: 3200, 128>}, {pipeline_mode = #tpu.pipeline_mode<synchronous>, transform_indices = @transform_4, window_bounds = array<i64: 1, 20>}, {pipeline_mode = #tpu.pipeline_mode<synchronous>, transform_indices = @transform_5, window_bounds = array<i64: 20, 128>}, {pipeline_mode = #tpu.pipeline_mode<synchronous>, transform_indices = @transform_6, window_bounds = array<i64: 1, 128>}, {pipeline_mode = #tpu.pipeline_mode<synchronous>, transform_indices = @transform_7, window_bounds = array<i64: 1, 128>}, {pipeline_mode = #tpu.pipeline_mode<synchronous>, transform_indices = @transform_8, window_bounds = array<i64: 1, 128>}, {pipeline_mode = #tpu.pipeline_mode<synchronous>, transform_indices = @transform_9, window_bounds = array<i64: 128, 1>}, {pipeline_mode = #tpu.pipeline_mode<synchronous>, transform_indices = @transform_10, window_bounds = array<i64: 1, 1>}, {pipeline_mode = #tpu.pipeline_mode<synchronous>, transform_indices = @transform_11, window_bounds = array<i64: 84, 256>}, {pipeline_mode = #tpu.pipeline_mode<synchronous>, transform_indices = @transform_12, window_bounds = array<i64: 128, 256>}, {pipeline_mode = #tpu.pipeline_mode<synchronous>, transform_indices = @transform_13, window_bounds = array<i64: 128, 256>}, {pipeline_mode = #tpu.pipeline_mode<synchronous>, transform_indices = @transform_14, window_bounds = array<i64: 1, 256>}, {pipeline_mode = #tpu.pipeline_mode<synchronous>, transform_indices = @transform_15, window_bounds = array<i64: 1, 256>}, {pipeline_mode = #tpu.pipeline_mode<synchronous>, transform_indices = @transform_16, window_bounds = array<i64: 1, 256>}, {pipeline_mode = #tpu.pipeline_mode<synchronous>, transform_indices = @transform_17, window_bounds = array<i64: 128, 128>}, {pipeline_mode = #tpu.pipeline_mode<synchronous>, transform_indices = @transform_18, window_bounds = array<i64: 1, 128>}, {pipeline_mode = #tpu.pipeline_mode<synchronous>, transform_indices = @transform_19, window_bounds = array<i64: 128, 128>}, {pipeline_mode = #tpu.pipeline_mode<synchronous>, transform_indices = @transform_20, window_bounds = array<i64: 1, 128>}, {pipeline_mode = #tpu.pipeline_mode<synchronous>, transform_indices = @transform_21, window_bounds = array<i64: 128, 128>}, {pipeline_mode = #tpu.pipeline_mode<synchronous>, transform_indices = @transform_22, window_bounds = array<i64: 1, 128>}, {pipeline_mode = #tpu.pipeline_mode<synchronous>, transform_indices = @transform_23, window_bounds = array<i64: 1, 128>}, {pipeline_mode = #tpu.pipeline_mode<synchronous>, transform_indices = @transform_24, window_bounds = array<i64: 1, 128>}, {pipeline_mode = #tpu.pipeline_mode<synchronous>, transform_indices = @transform_25, window_bounds = array<i64: 128, 128>}, {pipeline_mode = #tpu.pipeline_mode<synchronous>, transform_indices = @transform_26, window_bounds = array<i64: 1, 128>}, {pipeline_mode = #tpu.pipeline_mode<synchronous>, transform_indices = @transform_27, window_bounds = array<i64: 128, 128>}, {pipeline_mode = #tpu.pipeline_mode<synchronous>, transform_indices = @transform_28, window_bounds = array<i64: 128, 128>}, {pipeline_mode = #tpu.pipeline_mode<synchronous>, transform_indices = @transform_29, window_bounds = array<i64: 1, 128>}, {pipeline_mode = #tpu.pipeline_mode<synchronous>, transform_indices = @transform_30, window_bounds = array<i64: 1, 128>}, {pipeline_mode = #tpu.pipeline_mode<synchronous>, transform_indices = @transform_31, window_bounds = array<i64: 1, 128>}, {pipeline_mode = #tpu.pipeline_mode<synchronous>, transform_indices = @transform_32, window_bounds = array<i64: 128, 128>}, {pipeline_mode = #tpu.pipeline_mode<synchronous>, transform_indices = @transform_33, window_bounds = array<i64: 1, 128>}, {pipeline_mode = #tpu.pipeline_mode<synchronous>, transform_indices = @transform_34, window_bounds = array<i64: 128, 16>}, {pipeline_mode = #tpu.pipeline_mode<synchronous>, transform_indices = @transform_35, window_bounds = array<i64: 16, 128>}, {transform_indices = @transform_36, window_bounds = array<i64: 200, 128>}, {transform_indices = @transform_37, window_bounds = array<i64: 3200, 1>}]} {
    %get3A = arith.constant 0 : index
    %get3A_0 = arith.constant 0 : index
    %get3A_1 = vector.load %arg1[%get3A, %get3A_0] : memref<200x16xf32, #tpu.memory_space<vmem>>, vector<200x16xf32>
    %broadcast_in_dim3A = vector.shape_cast %get3A_1 : vector<200x16xf32> to vector<200x1x16xf32>
    %broadcast_in_dim3A_2 = vector.shape_cast %broadcast_in_dim3A : vector<200x1x16xf32> to vector<200x1x16xf32>
    %broadcast_in_dim3A_3 = vector.broadcast %broadcast_in_dim3A_2 : vector<200x1x16xf32> to vector<200x16x16xf32>
    %reshape3A = vector.shape_cast %broadcast_in_dim3A_3 : vector<200x16x16xf32> to vector<3200x16xf32>
    %get3A_4 = arith.constant 0 : index
    %get3A_5 = arith.constant 0 : index
    %get3A_6 = vector.load %arg2[%get3A_4, %get3A_5] : memref<3200x16xf32, #tpu.memory_space<vmem>>, vector<3200x16xf32>
    %slice3A = vector.extract_strided_slice %reshape3A {offsets = [0, 0], sizes = [3200, 3], strides = [1, 1]} : vector<3200x16xf32> to vector<3200x3xf32>
    %slice3A_7 = vector.extract_strided_slice %get3A_6 {offsets = [0, 0], sizes = [3200, 3], strides = [1, 1]} : vector<3200x16xf32> to vector<3200x3xf32>
    %sub3A = arith.subf %slice3A, %slice3A_7 : vector<3200x3xf32>
    %slice3A_8 = vector.extract_strided_slice %reshape3A {offsets = [0, 3], sizes = [3200, 1], strides = [1, 1]} : vector<3200x16xf32> to vector<3200x1xf32>
    %slice3A_9 = vector.extract_strided_slice %get3A_6 {offsets = [0, 3], sizes = [3200, 1], strides = [1, 1]} : vector<3200x16xf32> to vector<3200x1xf32>
    %mul3A = arith.mulf %sub3A, %sub3A : vector<3200x3xf32>
    %reduce_sum3A = arith.constant dense<0.000000e+00> : vector<3200xf32>
    %reduce_sum3A_10 = vector.multi_reduction <add>, %mul3A, %reduce_sum3A [1] : vector<3200x3xf32> to vector<3200xf32>
    %broadcast_in_dim3A_11 = vector.shape_cast %reduce_sum3A_10 : vector<3200xf32> to vector<3200x1xf32>
    %sqrt3A = math.sqrt %broadcast_in_dim3A_11 : vector<3200x1xf32>
    %get3A_12 = arith.constant 0 : index
    %get3A_13 = arith.constant 0 : index
    %get3A_14 = vector.load %arg5[%get3A_12, %get3A_13] : memref<1x20xf32, #tpu.memory_space<vmem>>, vector<1x20xf32>
    %sub3A_15 = vector.broadcast %sqrt3A : vector<3200x1xf32> to vector<3200x20xf32>
    %sub3A_16 = vector.broadcast %get3A_14 : vector<1x20xf32> to vector<3200x20xf32>
    %sub3A_17 = arith.subf %sub3A_15, %sub3A_16 : vector<3200x20xf32>
    %integer_pow3A = arith.mulf %sub3A_17, %sub3A_17 : vector<3200x20xf32>
    %mul3A_18 = arith.constant -1.805000e+00 : f32
    %mul3A_19 = vector.broadcast %mul3A_18 : f32 to vector<3200x20xf32>
    %mul3A_20 = arith.mulf %mul3A_19, %integer_pow3A : vector<3200x20xf32>
    %exp3A = math.exp %mul3A_20 : vector<3200x20xf32>
    %mul3A_21 = arith.mulf %slice3A_9, %slice3A_8 : vector<3200x1xf32>
    %sub3A_22 = arith.constant 1.000000e+00 : f32
    %sub3A_23 = vector.broadcast %sub3A_22 : f32 to vector<3200x1xf32>
    %sub3A_24 = arith.subf %sub3A_23, %slice3A_8 : vector<3200x1xf32>
    %mul3A_25 = arith.mulf %slice3A_9, %sub3A_24 : vector<3200x1xf32>
    %sub3A_26 = arith.constant 1.000000e+00 : f32
    %sub3A_27 = vector.broadcast %sub3A_26 : f32 to vector<3200x1xf32>
    %sub3A_28 = arith.subf %sub3A_27, %slice3A_9 : vector<3200x1xf32>
    %mul3A_29 = arith.mulf %sub3A_28, %slice3A_8 : vector<3200x1xf32>
    %sub3A_30 = arith.constant 1.000000e+00 : f32
    %sub3A_31 = vector.broadcast %sub3A_30 : f32 to vector<3200x1xf32>
    %sub3A_32 = arith.subf %sub3A_31, %slice3A_9 : vector<3200x1xf32>
    %sub3A_33 = arith.constant 1.000000e+00 : f32
    %sub3A_34 = vector.broadcast %sub3A_33 : f32 to vector<3200x1xf32>
    %sub3A_35 = arith.subf %sub3A_34, %slice3A_8 : vector<3200x1xf32>
    %mul3A_36 = arith.mulf %sub3A_32, %sub3A_35 : vector<3200x1xf32>
    %mul3A_37 = vector.broadcast %mul3A_21 : vector<3200x1xf32> to vector<3200x20xf32>
    %mul3A_38 = arith.mulf %mul3A_37, %exp3A : vector<3200x20xf32>
    %mul3A_39 = vector.broadcast %mul3A_25 : vector<3200x1xf32> to vector<3200x20xf32>
    %mul3A_40 = arith.mulf %mul3A_39, %exp3A : vector<3200x20xf32>
    %mul3A_41 = vector.broadcast %mul3A_29 : vector<3200x1xf32> to vector<3200x20xf32>
    %mul3A_42 = arith.mulf %mul3A_41, %exp3A : vector<3200x20xf32>
    %mul3A_43 = vector.broadcast %mul3A_36 : vector<3200x1xf32> to vector<3200x20xf32>
    %mul3A_44 = arith.mulf %mul3A_43, %exp3A : vector<3200x20xf32>
    %concatenate3A = tpu.concatenate %mul3A_21, %mul3A_25, %mul3A_29, %mul3A_36, %mul3A_38, %mul3A_40, %mul3A_42, %mul3A_44 in 1 : vector<3200x1xf32>, vector<3200x1xf32>, vector<3200x1xf32>, vector<3200x1xf32>, vector<3200x20xf32>, vector<3200x20xf32>, vector<3200x20xf32>, vector<3200x20xf32> -> vector<3200x84xf32>
    %get3A_45 = arith.constant 0 : index
    %get3A_46 = arith.constant 0 : index
    %get3A_47 = vector.load %arg6[%get3A_45, %get3A_46] : memref<20x128xf32, #tpu.memory_space<vmem>>, vector<20x128xf32>
    %dot_general3A = arith.constant dense<0.000000e+00> : vector<3200x128xf32>
    %dot_general3A_48 = tpu.matmul %exp3A, %get3A_47, %dot_general3A {dimension_numbers = #tpu.dot_dimension_numbers<[1], [0], [0], [1], [0, 0, 1, 1], [], []>, transpose_lhs_hint = false} : vector<3200x20xf32>, vector<20x128xf32>, vector<3200x128xf32> -> vector<3200x128xf32>
    %get3A_49 = arith.constant 0 : index
    %get3A_50 = arith.constant 0 : index
    %get3A_51 = vector.load %arg7[%get3A_49, %get3A_50] : memref<1x128xf32, #tpu.memory_space<vmem>>, vector<1x128xf32>
    %add3A = vector.broadcast %get3A_51 : vector<1x128xf32> to vector<3200x128xf32>
    %add3A_52 = arith.addf %dot_general3A_48, %add3A : vector<3200x128xf32>
    %get3A_53 = arith.constant 0 : index
    %get3A_54 = arith.constant 0 : index
    %get3A_55 = vector.load %arg8[%get3A_53, %get3A_54] : memref<1x128xf32, #tpu.memory_space<vmem>>, vector<1x128xf32>
    %get3A_56 = arith.constant 0 : index
    %get3A_57 = arith.constant 0 : index
    %get3A_58 = vector.load %arg9[%get3A_56, %get3A_57] : memref<1x128xf32, #tpu.memory_space<vmem>>, vector<1x128xf32>
    %reduce_sum3A_59 = arith.constant dense<0.000000e+00> : vector<3200xf32>
    %reduce_sum3A_60 = vector.multi_reduction <add>, %add3A_52, %reduce_sum3A_59 [1] : vector<3200x128xf32> to vector<3200xf32>
    %broadcast_in_dim3A_61 = vector.shape_cast %reduce_sum3A_60 : vector<3200xf32> to vector<3200x1xf32>
    %div3A = arith.constant 1.280000e+02 : f32
    %div3A_62 = vector.broadcast %div3A : f32 to vector<3200x1xf32>
    %div3A_63 = arith.divf %broadcast_in_dim3A_61, %div3A_62 : vector<3200x1xf32>
    %sub3A_64 = vector.broadcast %div3A_63 : vector<3200x1xf32> to vector<3200x128xf32>
    %sub3A_65 = arith.subf %add3A_52, %sub3A_64 : vector<3200x128xf32>
    %mul3A_66 = arith.mulf %sub3A_65, %sub3A_65 : vector<3200x128xf32>
    %reduce_sum3A_67 = arith.constant dense<0.000000e+00> : vector<3200xf32>
    %reduce_sum3A_68 = vector.multi_reduction <add>, %mul3A_66, %reduce_sum3A_67 [1] : vector<3200x128xf32> to vector<3200xf32>
    %broadcast_in_dim3A_69 = vector.shape_cast %reduce_sum3A_68 : vector<3200xf32> to vector<3200x1xf32>
    %div3A_70 = arith.constant 1.280000e+02 : f32
    %div3A_71 = vector.broadcast %div3A_70 : f32 to vector<3200x1xf32>
    %div3A_72 = arith.divf %broadcast_in_dim3A_69, %div3A_71 : vector<3200x1xf32>
    %add3A_73 = arith.constant 9.99999974E-6 : f32
    %add3A_74 = vector.broadcast %add3A_73 : f32 to vector<3200x1xf32>
    %add3A_75 = arith.addf %div3A_72, %add3A_74 : vector<3200x1xf32>
    %rsqrt3A = math.rsqrt %add3A_75 : vector<3200x1xf32>
    %mul3A_76 = vector.broadcast %rsqrt3A : vector<3200x1xf32> to vector<3200x128xf32>
    %mul3A_77 = arith.mulf %sub3A_65, %mul3A_76 : vector<3200x128xf32>
    %mul3A_78 = vector.broadcast %get3A_55 : vector<1x128xf32> to vector<3200x128xf32>
    %mul3A_79 = arith.mulf %mul3A_77, %mul3A_78 : vector<3200x128xf32>
    %add3A_80 = vector.broadcast %get3A_58 : vector<1x128xf32> to vector<3200x128xf32>
    %add3A_81 = arith.addf %mul3A_79, %add3A_80 : vector<3200x128xf32>
    %max3A = arith.constant 0.000000e+00 : f32
    %max3A_82 = vector.broadcast %max3A : f32 to vector<3200x128xf32>
    %max3A_83 = arith.maximumf %add3A_81, %max3A_82 : vector<3200x128xf32>
    %get3A_84 = arith.constant 0 : index
    %get3A_85 = arith.constant 0 : index
    %get3A_86 = vector.load %arg10[%get3A_84, %get3A_85] : memref<128x1xf32, #tpu.memory_space<vmem>>, vector<128x1xf32>
    %dot_general3A_87 = arith.constant dense<0.000000e+00> : vector<3200x1xf32>
    %dot_general3A_88 = tpu.matmul %max3A_83, %get3A_86, %dot_general3A_87 {dimension_numbers = #tpu.dot_dimension_numbers<[1], [0], [0], [1], [0, 0, 1, 1], [], []>, transpose_lhs_hint = false} : vector<3200x128xf32>, vector<128x1xf32>, vector<3200x1xf32> -> vector<3200x1xf32>
    %get3A_89 = arith.constant 0 : index
    %get3A_90 = arith.constant 0 : index
    %get3A_91 = vector.load %arg11[%get3A_89, %get3A_90] : memref<1x1xf32, #tpu.memory_space<vmem>>, vector<1x1xf32>
    %add3A_92 = vector.broadcast %get3A_91 : vector<1x1xf32> to vector<3200x1xf32>
    %add3A_93 = arith.addf %dot_general3A_88, %add3A_92 : vector<3200x1xf32>
    %logistic3A = arith.negf %add3A_93 : vector<3200x1xf32>
    %logistic3A_94 = math.exp %logistic3A : vector<3200x1xf32>
    %logistic3A_95 = arith.constant 1.000000e+00 : f32
    %logistic3A_96 = vector.broadcast %logistic3A_95 : f32 to vector<3200x1xf32>
    %logistic3A_97 = arith.addf %logistic3A_96, %logistic3A_94 : vector<3200x1xf32>
    %logistic3A_98 = arith.divf %logistic3A_96, %logistic3A_97 : vector<3200x1xf32>
    %swap3A = arith.constant 0 : index
    %swap3A_99 = arith.constant 0 : index
    %swap3A_100 = vector.load %arg38[%swap3A, %swap3A_99] : memref<3200x1xf32, #tpu.memory_space<vmem>>, vector<3200x1xf32>
    tpu.vector_store %arg38[%swap3A, %swap3A_99], %logistic3A_98 {strides = array<i32>} : memref<3200x1xf32, #tpu.memory_space<vmem>>, vector<3200x1xf32>,
    %get3A_101 = arith.constant 0 : index
    %get3A_102 = arith.constant 0 : index
    %get3A_103 = vector.load %arg3[%get3A_101, %get3A_102] : memref<200x128xf32, #tpu.memory_space<vmem>>, vector<200x128xf32>
    %get3A_104 = arith.constant 0 : index
    %get3A_105 = arith.constant 0 : index
    %get3A_106 = vector.load %arg13[%get3A_104, %get3A_105] : memref<128x256xf32, #tpu.memory_space<vmem>>, vector<128x256xf32>
    %dot_general3A_107 = arith.constant dense<0.000000e+00> : vector<200x256xf32>
    %dot_general3A_108 = tpu.matmul %get3A_103, %get3A_106, %dot_general3A_107 {dimension_numbers = #tpu.dot_dimension_numbers<[1], [0], [0], [1], [0, 0, 1, 1], [], []>, transpose_lhs_hint = false} : vector<200x128xf32>, vector<128x256xf32>, vector<200x256xf32> -> vector<200x256xf32>
    %get3A_109 = arith.constant 0 : index
    %get3A_110 = arith.constant 0 : index
    %get3A_111 = vector.load %arg12[%get3A_109, %get3A_110] : memref<84x256xf32, #tpu.memory_space<vmem>>, vector<84x256xf32>
    %dot_general3A_112 = arith.constant dense<0.000000e+00> : vector<3200x256xf32>
    %dot_general3A_113 = tpu.matmul %concatenate3A, %get3A_111, %dot_general3A_112 {dimension_numbers = #tpu.dot_dimension_numbers<[1], [0], [0], [1], [0, 0, 1, 1], [], []>, transpose_lhs_hint = false} : vector<3200x84xf32>, vector<84x256xf32>, vector<3200x256xf32> -> vector<3200x256xf32>
    %broadcast_in_dim3A_114 = vector.shape_cast %dot_general3A_108 : vector<200x256xf32> to vector<200x1x256xf32>
    %broadcast_in_dim3A_115 = vector.shape_cast %broadcast_in_dim3A_114 : vector<200x1x256xf32> to vector<200x1x256xf32>
    %broadcast_in_dim3A_116 = vector.broadcast %broadcast_in_dim3A_115 : vector<200x1x256xf32> to vector<200x16x256xf32>
    %reshape3A_117 = vector.shape_cast %broadcast_in_dim3A_116 : vector<200x16x256xf32> to vector<3200x256xf32>
    %add3A_118 = arith.addf %dot_general3A_113, %reshape3A_117 : vector<3200x256xf32>
    %get3A_119 = arith.constant 0 : index
    %get3A_120 = arith.constant 0 : index
    %get3A_121 = vector.load %arg4[%get3A_119, %get3A_120] : memref<3200x128xf32, #tpu.memory_space<vmem>>, vector<3200x128xf32>
    %get3A_122 = arith.constant 0 : index
    %get3A_123 = arith.constant 0 : index
    %get3A_124 = vector.load %arg14[%get3A_122, %get3A_123] : memref<128x256xf32, #tpu.memory_space<vmem>>, vector<128x256xf32>
    %dot_general3A_125 = arith.constant dense<0.000000e+00> : vector<3200x256xf32>
    %dot_general3A_126 = tpu.matmul %get3A_121, %get3A_124, %dot_general3A_125 {dimension_numbers = #tpu.dot_dimension_numbers<[1], [0], [0], [1], [0, 0, 1, 1], [], []>, transpose_lhs_hint = false} : vector<3200x128xf32>, vector<128x256xf32>, vector<3200x256xf32> -> vector<3200x256xf32>
    %add3A_127 = arith.addf %add3A_118, %dot_general3A_126 : vector<3200x256xf32>
    %get3A_128 = arith.constant 0 : index
    %get3A_129 = arith.constant 0 : index
    %get3A_130 = vector.load %arg15[%get3A_128, %get3A_129] : memref<1x256xf32, #tpu.memory_space<vmem>>, vector<1x256xf32>
    %add3A_131 = vector.broadcast %get3A_130 : vector<1x256xf32> to vector<3200x256xf32>
    %add3A_132 = arith.addf %add3A_127, %add3A_131 : vector<3200x256xf32>
    %slice3A_133 = vector.extract_strided_slice %add3A_132 {offsets = [0, 0], sizes = [3200, 128], strides = [1, 1]} : vector<3200x256xf32> to vector<3200x128xf32>
    %get3A_134 = arith.constant 0 : index
    %get3A_135 = arith.constant 0 : index
    %get3A_136 = vector.load %arg16[%get3A_134, %get3A_135] : memref<1x256xf32, #tpu.memory_space<vmem>>, vector<1x128xf32>
    %get3A_137 = arith.constant 0 : index
    %get3A_138 = arith.constant 0 : index
    %get3A_139 = vector.load %arg17[%get3A_137, %get3A_138] : memref<1x256xf32, #tpu.memory_space<vmem>>, vector<1x128xf32>
    %reduce_sum3A_140 = arith.constant dense<0.000000e+00> : vector<3200xf32>
    %reduce_sum3A_141 = vector.multi_reduction <add>, %slice3A_133, %reduce_sum3A_140 [1] : vector<3200x128xf32> to vector<3200xf32>
    %broadcast_in_dim3A_142 = vector.shape_cast %reduce_sum3A_141 : vector<3200xf32> to vector<3200x1xf32>
    %div3A_143 = arith.constant 1.280000e+02 : f32
    %div3A_144 = vector.broadcast %div3A_143 : f32 to vector<3200x1xf32>
    %div3A_145 = arith.divf %broadcast_in_dim3A_142, %div3A_144 : vector<3200x1xf32>
    %sub3A_146 = vector.broadcast %div3A_145 : vector<3200x1xf32> to vector<3200x128xf32>
    %sub3A_147 = arith.subf %slice3A_133, %sub3A_146 : vector<3200x128xf32>
    %mul3A_148 = arith.mulf %sub3A_147, %sub3A_147 : vector<3200x128xf32>
    %reduce_sum3A_149 = arith.constant dense<0.000000e+00> : vector<3200xf32>
    %reduce_sum3A_150 = vector.multi_reduction <add>, %mul3A_148, %reduce_sum3A_149 [1] : vector<3200x128xf32> to vector<3200xf32>
    %broadcast_in_dim3A_151 = vector.shape_cast %reduce_sum3A_150 : vector<3200xf32> to vector<3200x1xf32>
    %div3A_152 = arith.constant 1.280000e+02 : f32
    %div3A_153 = vector.broadcast %div3A_152 : f32 to vector<3200x1xf32>
    %div3A_154 = arith.divf %broadcast_in_dim3A_151, %div3A_153 : vector<3200x1xf32>
    %add3A_155 = arith.constant 9.99999974E-6 : f32
    %add3A_156 = vector.broadcast %add3A_155 : f32 to vector<3200x1xf32>
    %add3A_157 = arith.addf %div3A_154, %add3A_156 : vector<3200x1xf32>
    %rsqrt3A_158 = math.rsqrt %add3A_157 : vector<3200x1xf32>
    %mul3A_159 = vector.broadcast %rsqrt3A_158 : vector<3200x1xf32> to vector<3200x128xf32>
    %mul3A_160 = arith.mulf %sub3A_147, %mul3A_159 : vector<3200x128xf32>
    %mul3A_161 = vector.broadcast %get3A_136 : vector<1x128xf32> to vector<3200x128xf32>
    %mul3A_162 = arith.mulf %mul3A_160, %mul3A_161 : vector<3200x128xf32>
    %add3A_163 = vector.broadcast %get3A_139 : vector<1x128xf32> to vector<3200x128xf32>
    %add3A_164 = arith.addf %mul3A_162, %add3A_163 : vector<3200x128xf32>
    %max3A_165 = arith.constant 0.000000e+00 : f32
    %max3A_166 = vector.broadcast %max3A_165 : f32 to vector<3200x128xf32>
    %max3A_167 = arith.maximumf %add3A_164, %max3A_166 : vector<3200x128xf32>
    %slice3A_168 = vector.extract_strided_slice %add3A_132 {offsets = [0, 128], sizes = [3200, 128], strides = [1, 1]} : vector<3200x256xf32> to vector<3200x128xf32>
    %get3A_169 = arith.constant 0 : index
    %get3A_170 = arith.constant 128 : index
    %get3A_171 = vector.load %arg16[%get3A_169, %get3A_170] : memref<1x256xf32, #tpu.memory_space<vmem>>, vector<1x128xf32>
    %get3A_172 = arith.constant 0 : index
    %get3A_173 = arith.constant 128 : index
    %get3A_174 = vector.load %arg17[%get3A_172, %get3A_173] : memref<1x256xf32, #tpu.memory_space<vmem>>, vector<1x128xf32>
    %reduce_sum3A_175 = arith.constant dense<0.000000e+00> : vector<3200xf32>
    %reduce_sum3A_176 = vector.multi_reduction <add>, %slice3A_168, %reduce_sum3A_175 [1] : vector<3200x128xf32> to vector<3200xf32>
    %broadcast_in_dim3A_177 = vector.shape_cast %reduce_sum3A_176 : vector<3200xf32> to vector<3200x1xf32>
    %div3A_178 = arith.constant 1.280000e+02 : f32
    %div3A_179 = vector.broadcast %div3A_178 : f32 to vector<3200x1xf32>
    %div3A_180 = arith.divf %broadcast_in_dim3A_177, %div3A_179 : vector<3200x1xf32>
    %sub3A_181 = vector.broadcast %div3A_180 : vector<3200x1xf32> to vector<3200x128xf32>
    %sub3A_182 = arith.subf %slice3A_168, %sub3A_181 : vector<3200x128xf32>
    %mul3A_183 = arith.mulf %sub3A_182, %sub3A_182 : vector<3200x128xf32>
    %reduce_sum3A_184 = arith.constant dense<0.000000e+00> : vector<3200xf32>
    %reduce_sum3A_185 = vector.multi_reduction <add>, %mul3A_183, %reduce_sum3A_184 [1] : vector<3200x128xf32> to vector<3200xf32>
    %broadcast_in_dim3A_186 = vector.shape_cast %reduce_sum3A_185 : vector<3200xf32> to vector<3200x1xf32>
    %div3A_187 = arith.constant 1.280000e+02 : f32
    %div3A_188 = vector.broadcast %div3A_187 : f32 to vector<3200x1xf32>
    %div3A_189 = arith.divf %broadcast_in_dim3A_186, %div3A_188 : vector<3200x1xf32>
    %add3A_190 = arith.constant 9.99999974E-6 : f32
    %add3A_191 = vector.broadcast %add3A_190 : f32 to vector<3200x1xf32>
    %add3A_192 = arith.addf %div3A_189, %add3A_191 : vector<3200x1xf32>
    %rsqrt3A_193 = math.rsqrt %add3A_192 : vector<3200x1xf32>
    %mul3A_194 = vector.broadcast %rsqrt3A_193 : vector<3200x1xf32> to vector<3200x128xf32>
    %mul3A_195 = arith.mulf %sub3A_182, %mul3A_194 : vector<3200x128xf32>
    %mul3A_196 = vector.broadcast %get3A_171 : vector<1x128xf32> to vector<3200x128xf32>
    %mul3A_197 = arith.mulf %mul3A_195, %mul3A_196 : vector<3200x128xf32>
    %add3A_198 = vector.broadcast %get3A_174 : vector<1x128xf32> to vector<3200x128xf32>
    %add3A_199 = arith.addf %mul3A_197, %add3A_198 : vector<3200x128xf32>
    %max3A_200 = arith.constant 0.000000e+00 : f32
    %max3A_201 = vector.broadcast %max3A_200 : f32 to vector<3200x128xf32>
    %max3A_202 = arith.maximumf %add3A_199, %max3A_201 : vector<3200x128xf32>
    %get3A_203 = arith.constant 0 : index
    %get3A_204 = arith.constant 0 : index
    %get3A_205 = vector.load %arg18[%get3A_203, %get3A_204] : memref<128x128xf32, #tpu.memory_space<vmem>>, vector<128x128xf32>
    %dot_general3A_206 = arith.constant dense<0.000000e+00> : vector<3200x128xf32>
    %dot_general3A_207 = tpu.matmul %max3A_167, %get3A_205, %dot_general3A_206 {dimension_numbers = #tpu.dot_dimension_numbers<[1], [0], [0], [1], [0, 0, 1, 1], [], []>, transpose_lhs_hint = false} : vector<3200x128xf32>, vector<128x128xf32>, vector<3200x128xf32> -> vector<3200x128xf32>
    %get3A_208 = arith.constant 0 : index
    %get3A_209 = arith.constant 0 : index
    %get3A_210 = vector.load %arg19[%get3A_208, %get3A_209] : memref<1x128xf32, #tpu.memory_space<vmem>>, vector<1x128xf32>
    %add3A_211 = vector.broadcast %get3A_210 : vector<1x128xf32> to vector<3200x128xf32>
    %add3A_212 = arith.addf %dot_general3A_207, %add3A_211 : vector<3200x128xf32>
    %get3A_213 = arith.constant 0 : index
    %get3A_214 = arith.constant 0 : index
    %get3A_215 = vector.load %arg20[%get3A_213, %get3A_214] : memref<128x128xf32, #tpu.memory_space<vmem>>, vector<128x128xf32>
    %dot_general3A_216 = arith.constant dense<0.000000e+00> : vector<3200x128xf32>
    %dot_general3A_217 = tpu.matmul %max3A_202, %get3A_215, %dot_general3A_216 {dimension_numbers = #tpu.dot_dimension_numbers<[1], [0], [0], [1], [0, 0, 1, 1], [], []>, transpose_lhs_hint = false} : vector<3200x128xf32>, vector<128x128xf32>, vector<3200x128xf32> -> vector<3200x128xf32>
    %get3A_218 = arith.constant 0 : index
    %get3A_219 = arith.constant 0 : index
    %get3A_220 = vector.load %arg21[%get3A_218, %get3A_219] : memref<1x128xf32, #tpu.memory_space<vmem>>, vector<1x128xf32>
    %add3A_221 = vector.broadcast %get3A_220 : vector<1x128xf32> to vector<3200x128xf32>
    %add3A_222 = arith.addf %dot_general3A_217, %add3A_221 : vector<3200x128xf32>
    %mul3A_223 = vector.broadcast %logistic3A_98 : vector<3200x1xf32> to vector<3200x128xf32>
    %mul3A_224 = arith.mulf %add3A_222, %mul3A_223 : vector<3200x128xf32>
    %get3A_225 = arith.constant 0 : index
    %get3A_226 = arith.constant 0 : index
    %get3A_227 = vector.load %arg22[%get3A_225, %get3A_226] : memref<128x128xf32, #tpu.memory_space<vmem>>, vector<128x128xf32>
    %dot_general3A_228 = arith.constant dense<0.000000e+00> : vector<200x128xf32>
    %dot_general3A_229 = tpu.matmul %get3A_103, %get3A_227, %dot_general3A_228 {dimension_numbers = #tpu.dot_dimension_numbers<[1], [0], [0], [1], [0, 0, 1, 1], [], []>, transpose_lhs_hint = false} : vector<200x128xf32>, vector<128x128xf32>, vector<200x128xf32> -> vector<200x128xf32>
    %get3A_230 = arith.constant 0 : index
    %get3A_231 = arith.constant 0 : index
    %get3A_232 = vector.load %arg23[%get3A_230, %get3A_231] : memref<1x128xf32, #tpu.memory_space<vmem>>, vector<1x128xf32>
    %add3A_233 = vector.broadcast %get3A_232 : vector<1x128xf32> to vector<200x128xf32>
    %add3A_234 = arith.addf %dot_general3A_229, %add3A_233 : vector<200x128xf32>
    %get3A_235 = arith.constant 0 : index
    %get3A_236 = arith.constant 0 : index
    %get3A_237 = vector.load %arg24[%get3A_235, %get3A_236] : memref<1x128xf32, #tpu.memory_space<vmem>>, vector<1x128xf32>
    %get3A_238 = arith.constant 0 : index
    %get3A_239 = arith.constant 0 : index
    %get3A_240 = vector.load %arg25[%get3A_238, %get3A_239] : memref<1x128xf32, #tpu.memory_space<vmem>>, vector<1x128xf32>
    %reduce_sum3A_241 = arith.constant dense<0.000000e+00> : vector<200xf32>
    %reduce_sum3A_242 = vector.multi_reduction <add>, %add3A_234, %reduce_sum3A_241 [1] : vector<200x128xf32> to vector<200xf32>
    %broadcast_in_dim3A_243 = vector.shape_cast %reduce_sum3A_242 : vector<200xf32> to vector<200x1xf32>
    %div3A_244 = arith.constant 1.280000e+02 : f32
    %div3A_245 = vector.broadcast %div3A_244 : f32 to vector<200x1xf32>
    %div3A_246 = arith.divf %broadcast_in_dim3A_243, %div3A_245 : vector<200x1xf32>
    %sub3A_247 = vector.broadcast %div3A_246 : vector<200x1xf32> to vector<200x128xf32>
    %sub3A_248 = arith.subf %add3A_234, %sub3A_247 : vector<200x128xf32>
    %mul3A_249 = arith.mulf %sub3A_248, %sub3A_248 : vector<200x128xf32>
    %reduce_sum3A_250 = arith.constant dense<0.000000e+00> : vector<200xf32>
    %reduce_sum3A_251 = vector.multi_reduction <add>, %mul3A_249, %reduce_sum3A_250 [1] : vector<200x128xf32> to vector<200xf32>
    %broadcast_in_dim3A_252 = vector.shape_cast %reduce_sum3A_251 : vector<200xf32> to vector<200x1xf32>
    %div3A_253 = arith.constant 1.280000e+02 : f32
    %div3A_254 = vector.broadcast %div3A_253 : f32 to vector<200x1xf32>
    %div3A_255 = arith.divf %broadcast_in_dim3A_252, %div3A_254 : vector<200x1xf32>
    %add3A_256 = arith.constant 9.99999974E-6 : f32
    %add3A_257 = vector.broadcast %add3A_256 : f32 to vector<200x1xf32>
    %add3A_258 = arith.addf %div3A_255, %add3A_257 : vector<200x1xf32>
    %rsqrt3A_259 = math.rsqrt %add3A_258 : vector<200x1xf32>
    %mul3A_260 = vector.broadcast %rsqrt3A_259 : vector<200x1xf32> to vector<200x128xf32>
    %mul3A_261 = arith.mulf %sub3A_248, %mul3A_260 : vector<200x128xf32>
    %mul3A_262 = vector.broadcast %get3A_237 : vector<1x128xf32> to vector<200x128xf32>
    %mul3A_263 = arith.mulf %mul3A_261, %mul3A_262 : vector<200x128xf32>
    %add3A_264 = vector.broadcast %get3A_240 : vector<1x128xf32> to vector<200x128xf32>
    %add3A_265 = arith.addf %mul3A_263, %add3A_264 : vector<200x128xf32>
    %max3A_266 = arith.constant 0.000000e+00 : f32
    %max3A_267 = vector.broadcast %max3A_266 : f32 to vector<200x128xf32>
    %max3A_268 = arith.maximumf %add3A_265, %max3A_267 : vector<200x128xf32>
    %get3A_269 = arith.constant 0 : index
    %get3A_270 = arith.constant 0 : index
    %get3A_271 = vector.load %arg26[%get3A_269, %get3A_270] : memref<128x128xf32, #tpu.memory_space<vmem>>, vector<128x128xf32>
    %dot_general3A_272 = arith.constant dense<0.000000e+00> : vector<200x128xf32>
    %dot_general3A_273 = tpu.matmul %max3A_268, %get3A_271, %dot_general3A_272 {dimension_numbers = #tpu.dot_dimension_numbers<[1], [0], [0], [1], [0, 0, 1, 1], [], []>, transpose_lhs_hint = false} : vector<200x128xf32>, vector<128x128xf32>, vector<200x128xf32> -> vector<200x128xf32>
    %get3A_274 = arith.constant 0 : index
    %get3A_275 = arith.constant 0 : index
    %get3A_276 = vector.load %arg27[%get3A_274, %get3A_275] : memref<1x128xf32, #tpu.memory_space<vmem>>, vector<1x128xf32>
    %add3A_277 = vector.broadcast %get3A_276 : vector<1x128xf32> to vector<200x128xf32>
    %add3A_278 = arith.addf %dot_general3A_273, %add3A_277 : vector<200x128xf32>
    %mul3A_279 = arith.constant 0.353553385 : f32
    %mul3A_280 = vector.broadcast %mul3A_279 : f32 to vector<200x128xf32>
    %mul3A_281 = arith.mulf %add3A_278, %mul3A_280 : vector<200x128xf32>
    %broadcast_in_dim3A_282 = vector.shape_cast %mul3A_281 : vector<200x128xf32> to vector<200x1x128xf32>
    %broadcast_in_dim3A_283 = vector.shape_cast %broadcast_in_dim3A_282 : vector<200x1x128xf32> to vector<200x1x128xf32>
    %broadcast_in_dim3A_284 = vector.broadcast %broadcast_in_dim3A_283 : vector<200x1x128xf32> to vector<200x16x128xf32>
    %reshape3A_285 = vector.shape_cast %broadcast_in_dim3A_284 : vector<200x16x128xf32> to vector<3200x128xf32>
    %mul3A_286 = arith.mulf %reshape3A_285, %add3A_212 : vector<3200x128xf32>
    %get3A_287 = arith.constant 0 : index
    %get3A_288 = arith.constant 0 : index
    %get3A_289 = vector.load %arg35[%get3A_287, %get3A_288] : memref<128x16xf32, #tpu.memory_space<vmem>>, vector<128x16xf32>
    %dot_general3A_290 = arith.constant dense<0.000000e+00> : vector<3200x16xf32>
    %dot_general3A_291 = tpu.matmul %mul3A_286, %get3A_289, %dot_general3A_290 {dimension_numbers = #tpu.dot_dimension_numbers<[1], [0], [0], [1], [0, 0, 1, 1], [], []>, transpose_lhs_hint = false} : vector<3200x128xf32>, vector<128x16xf32>, vector<3200x16xf32> -> vector<3200x16xf32>
    %reshape3A_292 = vector.shape_cast %dot_general3A_291 : vector<3200x16xf32> to vector<200x16x16xf32>
    %slice3A_293 = vector.extract_strided_slice %reshape3A_292 {offsets = [0, 0, 0], sizes = [200, 1, 16], strides = [1, 1, 1]} : vector<200x16x16xf32> to vector<200x1x16xf32>
    %squeeze3A = vector.shape_cast %slice3A_293 : vector<200x1x16xf32> to vector<200x16xf32>
    %slice3A_294 = vector.extract_strided_slice %reshape3A_292 {offsets = [0, 1, 0], sizes = [200, 1, 16], strides = [1, 1, 1]} : vector<200x16x16xf32> to vector<200x1x16xf32>
    %squeeze3A_295 = vector.shape_cast %slice3A_294 : vector<200x1x16xf32> to vector<200x16xf32>
    %max3A_296 = arith.maximumf %squeeze3A, %squeeze3A_295 : vector<200x16xf32>
    %slice3A_297 = vector.extract_strided_slice %reshape3A_292 {offsets = [0, 2, 0], sizes = [200, 1, 16], strides = [1, 1, 1]} : vector<200x16x16xf32> to vector<200x1x16xf32>
    %squeeze3A_298 = vector.shape_cast %slice3A_297 : vector<200x1x16xf32> to vector<200x16xf32>
    %max3A_299 = arith.maximumf %max3A_296, %squeeze3A_298 : vector<200x16xf32>
    %slice3A_300 = vector.extract_strided_slice %reshape3A_292 {offsets = [0, 3, 0], sizes = [200, 1, 16], strides = [1, 1, 1]} : vector<200x16x16xf32> to vector<200x1x16xf32>
    %squeeze3A_301 = vector.shape_cast %slice3A_300 : vector<200x1x16xf32> to vector<200x16xf32>
    %max3A_302 = arith.maximumf %max3A_299, %squeeze3A_301 : vector<200x16xf32>
    %slice3A_303 = vector.extract_strided_slice %reshape3A_292 {offsets = [0, 4, 0], sizes = [200, 1, 16], strides = [1, 1, 1]} : vector<200x16x16xf32> to vector<200x1x16xf32>
    %squeeze3A_304 = vector.shape_cast %slice3A_303 : vector<200x1x16xf32> to vector<200x16xf32>
    %max3A_305 = arith.maximumf %max3A_302, %squeeze3A_304 : vector<200x16xf32>
    %slice3A_306 = vector.extract_strided_slice %reshape3A_292 {offsets = [0, 5, 0], sizes = [200, 1, 16], strides = [1, 1, 1]} : vector<200x16x16xf32> to vector<200x1x16xf32>
    %squeeze3A_307 = vector.shape_cast %slice3A_306 : vector<200x1x16xf32> to vector<200x16xf32>
    %max3A_308 = arith.maximumf %max3A_305, %squeeze3A_307 : vector<200x16xf32>
    %slice3A_309 = vector.extract_strided_slice %reshape3A_292 {offsets = [0, 6, 0], sizes = [200, 1, 16], strides = [1, 1, 1]} : vector<200x16x16xf32> to vector<200x1x16xf32>
    %squeeze3A_310 = vector.shape_cast %slice3A_309 : vector<200x1x16xf32> to vector<200x16xf32>
    %max3A_311 = arith.maximumf %max3A_308, %squeeze3A_310 : vector<200x16xf32>
    %slice3A_312 = vector.extract_strided_slice %reshape3A_292 {offsets = [0, 7, 0], sizes = [200, 1, 16], strides = [1, 1, 1]} : vector<200x16x16xf32> to vector<200x1x16xf32>
    %squeeze3A_313 = vector.shape_cast %slice3A_312 : vector<200x1x16xf32> to vector<200x16xf32>
    %max3A_314 = arith.maximumf %max3A_311, %squeeze3A_313 : vector<200x16xf32>
    %slice3A_315 = vector.extract_strided_slice %reshape3A_292 {offsets = [0, 8, 0], sizes = [200, 1, 16], strides = [1, 1, 1]} : vector<200x16x16xf32> to vector<200x1x16xf32>
    %squeeze3A_316 = vector.shape_cast %slice3A_315 : vector<200x1x16xf32> to vector<200x16xf32>
    %max3A_317 = arith.maximumf %max3A_314, %squeeze3A_316 : vector<200x16xf32>
    %slice3A_318 = vector.extract_strided_slice %reshape3A_292 {offsets = [0, 9, 0], sizes = [200, 1, 16], strides = [1, 1, 1]} : vector<200x16x16xf32> to vector<200x1x16xf32>
    %squeeze3A_319 = vector.shape_cast %slice3A_318 : vector<200x1x16xf32> to vector<200x16xf32>
    %max3A_320 = arith.maximumf %max3A_317, %squeeze3A_319 : vector<200x16xf32>
    %slice3A_321 = vector.extract_strided_slice %reshape3A_292 {offsets = [0, 10, 0], sizes = [200, 1, 16], strides = [1, 1, 1]} : vector<200x16x16xf32> to vector<200x1x16xf32>
    %squeeze3A_322 = vector.shape_cast %slice3A_321 : vector<200x1x16xf32> to vector<200x16xf32>
    %max3A_323 = arith.maximumf %max3A_320, %squeeze3A_322 : vector<200x16xf32>
    %slice3A_324 = vector.extract_strided_slice %reshape3A_292 {offsets = [0, 11, 0], sizes = [200, 1, 16], strides = [1, 1, 1]} : vector<200x16x16xf32> to vector<200x1x16xf32>
    %squeeze3A_325 = vector.shape_cast %slice3A_324 : vector<200x1x16xf32> to vector<200x16xf32>
    %max3A_326 = arith.maximumf %max3A_323, %squeeze3A_325 : vector<200x16xf32>
    %slice3A_327 = vector.extract_strided_slice %reshape3A_292 {offsets = [0, 12, 0], sizes = [200, 1, 16], strides = [1, 1, 1]} : vector<200x16x16xf32> to vector<200x1x16xf32>
    %squeeze3A_328 = vector.shape_cast %slice3A_327 : vector<200x1x16xf32> to vector<200x16xf32>
    %max3A_329 = arith.maximumf %max3A_326, %squeeze3A_328 : vector<200x16xf32>
    %slice3A_330 = vector.extract_strided_slice %reshape3A_292 {offsets = [0, 13, 0], sizes = [200, 1, 16], strides = [1, 1, 1]} : vector<200x16x16xf32> to vector<200x1x16xf32>
    %squeeze3A_331 = vector.shape_cast %slice3A_330 : vector<200x1x16xf32> to vector<200x16xf32>
    %max3A_332 = arith.maximumf %max3A_329, %squeeze3A_331 : vector<200x16xf32>
    %slice3A_333 = vector.extract_strided_slice %reshape3A_292 {offsets = [0, 14, 0], sizes = [200, 1, 16], strides = [1, 1, 1]} : vector<200x16x16xf32> to vector<200x1x16xf32>
    %squeeze3A_334 = vector.shape_cast %slice3A_333 : vector<200x1x16xf32> to vector<200x16xf32>
    %max3A_335 = arith.maximumf %max3A_332, %squeeze3A_334 : vector<200x16xf32>
    %slice3A_336 = vector.extract_strided_slice %reshape3A_292 {offsets = [0, 15, 0], sizes = [200, 1, 16], strides = [1, 1, 1]} : vector<200x16x16xf32> to vector<200x1x16xf32>
    %squeeze3A_337 = vector.shape_cast %slice3A_336 : vector<200x1x16xf32> to vector<200x16xf32>
    %max3A_338 = arith.maximumf %max3A_335, %squeeze3A_337 : vector<200x16xf32>
    %broadcast_in_dim3A_339 = vector.shape_cast %max3A_338 : vector<200x16xf32> to vector<200x1x16xf32>
    %broadcast_in_dim3A_340 = vector.shape_cast %broadcast_in_dim3A_339 : vector<200x1x16xf32> to vector<200x1x16xf32>
    %broadcast_in_dim3A_341 = vector.broadcast %broadcast_in_dim3A_340 : vector<200x1x16xf32> to vector<200x16x16xf32>
    %reshape3A_342 = vector.shape_cast %broadcast_in_dim3A_341 : vector<200x16x16xf32> to vector<3200x16xf32>
    %sub3A_343 = arith.subf %dot_general3A_291, %reshape3A_342 : vector<3200x16xf32>
    %exp3A_344 = math.exp %sub3A_343 : vector<3200x16xf32>
    %reshape3A_345 = vector.shape_cast %exp3A_344 : vector<3200x16xf32> to vector<200x16x16xf32>
    %slice3A_346 = vector.extract_strided_slice %reshape3A_345 {offsets = [0, 0, 0], sizes = [200, 1, 16], strides = [1, 1, 1]} : vector<200x16x16xf32> to vector<200x1x16xf32>
    %squeeze3A_347 = vector.shape_cast %slice3A_346 : vector<200x1x16xf32> to vector<200x16xf32>
    %slice3A_348 = vector.extract_strided_slice %reshape3A_345 {offsets = [0, 1, 0], sizes = [200, 1, 16], strides = [1, 1, 1]} : vector<200x16x16xf32> to vector<200x1x16xf32>
    %squeeze3A_349 = vector.shape_cast %slice3A_348 : vector<200x1x16xf32> to vector<200x16xf32>
    %add3A_350 = arith.addf %squeeze3A_347, %squeeze3A_349 : vector<200x16xf32>
    %slice3A_351 = vector.extract_strided_slice %reshape3A_345 {offsets = [0, 2, 0], sizes = [200, 1, 16], strides = [1, 1, 1]} : vector<200x16x16xf32> to vector<200x1x16xf32>
    %squeeze3A_352 = vector.shape_cast %slice3A_351 : vector<200x1x16xf32> to vector<200x16xf32>
    %add3A_353 = arith.addf %add3A_350, %squeeze3A_352 : vector<200x16xf32>
    %slice3A_354 = vector.extract_strided_slice %reshape3A_345 {offsets = [0, 3, 0], sizes = [200, 1, 16], strides = [1, 1, 1]} : vector<200x16x16xf32> to vector<200x1x16xf32>
    %squeeze3A_355 = vector.shape_cast %slice3A_354 : vector<200x1x16xf32> to vector<200x16xf32>
    %add3A_356 = arith.addf %add3A_353, %squeeze3A_355 : vector<200x16xf32>
    %slice3A_357 = vector.extract_strided_slice %reshape3A_345 {offsets = [0, 4, 0], sizes = [200, 1, 16], strides = [1, 1, 1]} : vector<200x16x16xf32> to vector<200x1x16xf32>
    %squeeze3A_358 = vector.shape_cast %slice3A_357 : vector<200x1x16xf32> to vector<200x16xf32>
    %add3A_359 = arith.addf %add3A_356, %squeeze3A_358 : vector<200x16xf32>
    %slice3A_360 = vector.extract_strided_slice %reshape3A_345 {offsets = [0, 5, 0], sizes = [200, 1, 16], strides = [1, 1, 1]} : vector<200x16x16xf32> to vector<200x1x16xf32>
    %squeeze3A_361 = vector.shape_cast %slice3A_360 : vector<200x1x16xf32> to vector<200x16xf32>
    %add3A_362 = arith.addf %add3A_359, %squeeze3A_361 : vector<200x16xf32>
    %slice3A_363 = vector.extract_strided_slice %reshape3A_345 {offsets = [0, 6, 0], sizes = [200, 1, 16], strides = [1, 1, 1]} : vector<200x16x16xf32> to vector<200x1x16xf32>
    %squeeze3A_364 = vector.shape_cast %slice3A_363 : vector<200x1x16xf32> to vector<200x16xf32>
    %add3A_365 = arith.addf %add3A_362, %squeeze3A_364 : vector<200x16xf32>
    %slice3A_366 = vector.extract_strided_slice %reshape3A_345 {offsets = [0, 7, 0], sizes = [200, 1, 16], strides = [1, 1, 1]} : vector<200x16x16xf32> to vector<200x1x16xf32>
    %squeeze3A_367 = vector.shape_cast %slice3A_366 : vector<200x1x16xf32> to vector<200x16xf32>
    %add3A_368 = arith.addf %add3A_365, %squeeze3A_367 : vector<200x16xf32>
    %slice3A_369 = vector.extract_strided_slice %reshape3A_345 {offsets = [0, 8, 0], sizes = [200, 1, 16], strides = [1, 1, 1]} : vector<200x16x16xf32> to vector<200x1x16xf32>
    %squeeze3A_370 = vector.shape_cast %slice3A_369 : vector<200x1x16xf32> to vector<200x16xf32>
    %add3A_371 = arith.addf %add3A_368, %squeeze3A_370 : vector<200x16xf32>
    %slice3A_372 = vector.extract_strided_slice %reshape3A_345 {offsets = [0, 9, 0], sizes = [200, 1, 16], strides = [1, 1, 1]} : vector<200x16x16xf32> to vector<200x1x16xf32>
    %squeeze3A_373 = vector.shape_cast %slice3A_372 : vector<200x1x16xf32> to vector<200x16xf32>
    %add3A_374 = arith.addf %add3A_371, %squeeze3A_373 : vector<200x16xf32>
    %slice3A_375 = vector.extract_strided_slice %reshape3A_345 {offsets = [0, 10, 0], sizes = [200, 1, 16], strides = [1, 1, 1]} : vector<200x16x16xf32> to vector<200x1x16xf32>
    %squeeze3A_376 = vector.shape_cast %slice3A_375 : vector<200x1x16xf32> to vector<200x16xf32>
    %add3A_377 = arith.addf %add3A_374, %squeeze3A_376 : vector<200x16xf32>
    %slice3A_378 = vector.extract_strided_slice %reshape3A_345 {offsets = [0, 11, 0], sizes = [200, 1, 16], strides = [1, 1, 1]} : vector<200x16x16xf32> to vector<200x1x16xf32>
    %squeeze3A_379 = vector.shape_cast %slice3A_378 : vector<200x1x16xf32> to vector<200x16xf32>
    %add3A_380 = arith.addf %add3A_377, %squeeze3A_379 : vector<200x16xf32>
    %slice3A_381 = vector.extract_strided_slice %reshape3A_345 {offsets = [0, 12, 0], sizes = [200, 1, 16], strides = [1, 1, 1]} : vector<200x16x16xf32> to vector<200x1x16xf32>
    %squeeze3A_382 = vector.shape_cast %slice3A_381 : vector<200x1x16xf32> to vector<200x16xf32>
    %add3A_383 = arith.addf %add3A_380, %squeeze3A_382 : vector<200x16xf32>
    %slice3A_384 = vector.extract_strided_slice %reshape3A_345 {offsets = [0, 13, 0], sizes = [200, 1, 16], strides = [1, 1, 1]} : vector<200x16x16xf32> to vector<200x1x16xf32>
    %squeeze3A_385 = vector.shape_cast %slice3A_384 : vector<200x1x16xf32> to vector<200x16xf32>
    %add3A_386 = arith.addf %add3A_383, %squeeze3A_385 : vector<200x16xf32>
    %slice3A_387 = vector.extract_strided_slice %reshape3A_345 {offsets = [0, 14, 0], sizes = [200, 1, 16], strides = [1, 1, 1]} : vector<200x16x16xf32> to vector<200x1x16xf32>
    %squeeze3A_388 = vector.shape_cast %slice3A_387 : vector<200x1x16xf32> to vector<200x16xf32>
    %add3A_389 = arith.addf %add3A_386, %squeeze3A_388 : vector<200x16xf32>
    %slice3A_390 = vector.extract_strided_slice %reshape3A_345 {offsets = [0, 15, 0], sizes = [200, 1, 16], strides = [1, 1, 1]} : vector<200x16x16xf32> to vector<200x1x16xf32>
    %squeeze3A_391 = vector.shape_cast %slice3A_390 : vector<200x1x16xf32> to vector<200x16xf32>
    %add3A_392 = arith.addf %add3A_389, %squeeze3A_391 : vector<200x16xf32>
    %broadcast_in_dim3A_393 = vector.shape_cast %add3A_392 : vector<200x16xf32> to vector<200x1x16xf32>
    %broadcast_in_dim3A_394 = vector.shape_cast %broadcast_in_dim3A_393 : vector<200x1x16xf32> to vector<200x1x16xf32>
    %broadcast_in_dim3A_395 = vector.broadcast %broadcast_in_dim3A_394 : vector<200x1x16xf32> to vector<200x16x16xf32>
    %reshape3A_396 = vector.shape_cast %broadcast_in_dim3A_395 : vector<200x16x16xf32> to vector<3200x16xf32>
    %add3A_397 = arith.constant 1.000000e-16 : f32
    %add3A_398 = vector.broadcast %add3A_397 : f32 to vector<3200x16xf32>
    %add3A_399 = arith.addf %reshape3A_396, %add3A_398 : vector<3200x16xf32>
    %div3A_400 = arith.divf %exp3A_344, %add3A_399 : vector<3200x16xf32>
    %get3A_401 = arith.constant 0 : index
    %get3A_402 = arith.constant 0 : index
    %get3A_403 = vector.load %arg36[%get3A_401, %get3A_402] : memref<16x128xf32, #tpu.memory_space<vmem>>, vector<16x128xf32>
    %dot_general3A_404 = arith.constant dense<0.000000e+00> : vector<3200x128xf32>
    %dot_general3A_405 = tpu.matmul %div3A_400, %get3A_403, %dot_general3A_404 {dimension_numbers = #tpu.dot_dimension_numbers<[1], [0], [0], [1], [0, 0, 1, 1], [], []>, transpose_lhs_hint = false} : vector<3200x16xf32>, vector<16x128xf32>, vector<3200x128xf32> -> vector<3200x128xf32>
    %mul3A_406 = arith.mulf %dot_general3A_405, %mul3A_224 : vector<3200x128xf32>
    %reshape3A_407 = vector.shape_cast %mul3A_406 : vector<3200x128xf32> to vector<200x16x128xf32>
    %slice3A_408 = vector.extract_strided_slice %reshape3A_407 {offsets = [0, 0, 0], sizes = [200, 1, 128], strides = [1, 1, 1]} : vector<200x16x128xf32> to vector<200x1x128xf32>
    %squeeze3A_409 = vector.shape_cast %slice3A_408 : vector<200x1x128xf32> to vector<200x128xf32>
    %slice3A_410 = vector.extract_strided_slice %reshape3A_407 {offsets = [0, 1, 0], sizes = [200, 1, 128], strides = [1, 1, 1]} : vector<200x16x128xf32> to vector<200x1x128xf32>
    %squeeze3A_411 = vector.shape_cast %slice3A_410 : vector<200x1x128xf32> to vector<200x128xf32>
    %add3A_412 = arith.addf %squeeze3A_409, %squeeze3A_411 : vector<200x128xf32>
    %slice3A_413 = vector.extract_strided_slice %reshape3A_407 {offsets = [0, 2, 0], sizes = [200, 1, 128], strides = [1, 1, 1]} : vector<200x16x128xf32> to vector<200x1x128xf32>
    %squeeze3A_414 = vector.shape_cast %slice3A_413 : vector<200x1x128xf32> to vector<200x128xf32>
    %add3A_415 = arith.addf %add3A_412, %squeeze3A_414 : vector<200x128xf32>
    %slice3A_416 = vector.extract_strided_slice %reshape3A_407 {offsets = [0, 3, 0], sizes = [200, 1, 128], strides = [1, 1, 1]} : vector<200x16x128xf32> to vector<200x1x128xf32>
    %squeeze3A_417 = vector.shape_cast %slice3A_416 : vector<200x1x128xf32> to vector<200x128xf32>
    %add3A_418 = arith.addf %add3A_415, %squeeze3A_417 : vector<200x128xf32>
    %slice3A_419 = vector.extract_strided_slice %reshape3A_407 {offsets = [0, 4, 0], sizes = [200, 1, 128], strides = [1, 1, 1]} : vector<200x16x128xf32> to vector<200x1x128xf32>
    %squeeze3A_420 = vector.shape_cast %slice3A_419 : vector<200x1x128xf32> to vector<200x128xf32>
    %add3A_421 = arith.addf %add3A_418, %squeeze3A_420 : vector<200x128xf32>
    %slice3A_422 = vector.extract_strided_slice %reshape3A_407 {offsets = [0, 5, 0], sizes = [200, 1, 128], strides = [1, 1, 1]} : vector<200x16x128xf32> to vector<200x1x128xf32>
    %squeeze3A_423 = vector.shape_cast %slice3A_422 : vector<200x1x128xf32> to vector<200x128xf32>
    %add3A_424 = arith.addf %add3A_421, %squeeze3A_423 : vector<200x128xf32>
    %slice3A_425 = vector.extract_strided_slice %reshape3A_407 {offsets = [0, 6, 0], sizes = [200, 1, 128], strides = [1, 1, 1]} : vector<200x16x128xf32> to vector<200x1x128xf32>
    %squeeze3A_426 = vector.shape_cast %slice3A_425 : vector<200x1x128xf32> to vector<200x128xf32>
    %add3A_427 = arith.addf %add3A_424, %squeeze3A_426 : vector<200x128xf32>
    %slice3A_428 = vector.extract_strided_slice %reshape3A_407 {offsets = [0, 7, 0], sizes = [200, 1, 128], strides = [1, 1, 1]} : vector<200x16x128xf32> to vector<200x1x128xf32>
    %squeeze3A_429 = vector.shape_cast %slice3A_428 : vector<200x1x128xf32> to vector<200x128xf32>
    %add3A_430 = arith.addf %add3A_427, %squeeze3A_429 : vector<200x128xf32>
    %slice3A_431 = vector.extract_strided_slice %reshape3A_407 {offsets = [0, 8, 0], sizes = [200, 1, 128], strides = [1, 1, 1]} : vector<200x16x128xf32> to vector<200x1x128xf32>
    %squeeze3A_432 = vector.shape_cast %slice3A_431 : vector<200x1x128xf32> to vector<200x128xf32>
    %add3A_433 = arith.addf %add3A_430, %squeeze3A_432 : vector<200x128xf32>
    %slice3A_434 = vector.extract_strided_slice %reshape3A_407 {offsets = [0, 9, 0], sizes = [200, 1, 128], strides = [1, 1, 1]} : vector<200x16x128xf32> to vector<200x1x128xf32>
    %squeeze3A_435 = vector.shape_cast %slice3A_434 : vector<200x1x128xf32> to vector<200x128xf32>
    %add3A_436 = arith.addf %add3A_433, %squeeze3A_435 : vector<200x128xf32>
    %slice3A_437 = vector.extract_strided_slice %reshape3A_407 {offsets = [0, 10, 0], sizes = [200, 1, 128], strides = [1, 1, 1]} : vector<200x16x128xf32> to vector<200x1x128xf32>
    %squeeze3A_438 = vector.shape_cast %slice3A_437 : vector<200x1x128xf32> to vector<200x128xf32>
    %add3A_439 = arith.addf %add3A_436, %squeeze3A_438 : vector<200x128xf32>
    %slice3A_440 = vector.extract_strided_slice %reshape3A_407 {offsets = [0, 11, 0], sizes = [200, 1, 128], strides = [1, 1, 1]} : vector<200x16x128xf32> to vector<200x1x128xf32>
    %squeeze3A_441 = vector.shape_cast %slice3A_440 : vector<200x1x128xf32> to vector<200x128xf32>
    %add3A_442 = arith.addf %add3A_439, %squeeze3A_441 : vector<200x128xf32>
    %slice3A_443 = vector.extract_strided_slice %reshape3A_407 {offsets = [0, 12, 0], sizes = [200, 1, 128], strides = [1, 1, 1]} : vector<200x16x128xf32> to vector<200x1x128xf32>
    %squeeze3A_444 = vector.shape_cast %slice3A_443 : vector<200x1x128xf32> to vector<200x128xf32>
    %add3A_445 = arith.addf %add3A_442, %squeeze3A_444 : vector<200x128xf32>
    %slice3A_446 = vector.extract_strided_slice %reshape3A_407 {offsets = [0, 13, 0], sizes = [200, 1, 128], strides = [1, 1, 1]} : vector<200x16x128xf32> to vector<200x1x128xf32>
    %squeeze3A_447 = vector.shape_cast %slice3A_446 : vector<200x1x128xf32> to vector<200x128xf32>
    %add3A_448 = arith.addf %add3A_445, %squeeze3A_447 : vector<200x128xf32>
    %slice3A_449 = vector.extract_strided_slice %reshape3A_407 {offsets = [0, 14, 0], sizes = [200, 1, 128], strides = [1, 1, 1]} : vector<200x16x128xf32> to vector<200x1x128xf32>
    %squeeze3A_450 = vector.shape_cast %slice3A_449 : vector<200x1x128xf32> to vector<200x128xf32>
    %add3A_451 = arith.addf %add3A_448, %squeeze3A_450 : vector<200x128xf32>
    %slice3A_452 = vector.extract_strided_slice %reshape3A_407 {offsets = [0, 15, 0], sizes = [200, 1, 128], strides = [1, 1, 1]} : vector<200x16x128xf32> to vector<200x1x128xf32>
    %squeeze3A_453 = vector.shape_cast %slice3A_452 : vector<200x1x128xf32> to vector<200x128xf32>
    %add3A_454 = arith.addf %add3A_451, %squeeze3A_453 : vector<200x128xf32>
    %get3A_455 = arith.constant 0 : index
    %get3A_456 = arith.constant 0 : index
    %get3A_457 = vector.load %arg28[%get3A_455, %get3A_456] : memref<128x128xf32, #tpu.memory_space<vmem>>, vector<128x128xf32>
    %dot_general3A_458 = arith.constant dense<0.000000e+00> : vector<200x128xf32>
    %dot_general3A_459 = tpu.matmul %add3A_454, %get3A_457, %dot_general3A_458 {dimension_numbers = #tpu.dot_dimension_numbers<[1], [0], [0], [1], [0, 0, 1, 1], [], []>, transpose_lhs_hint = false} : vector<200x128xf32>, vector<128x128xf32>, vector<200x128xf32> -> vector<200x128xf32>
    %get3A_460 = arith.constant 0 : index
    %get3A_461 = arith.constant 0 : index
    %get3A_462 = vector.load %arg29[%get3A_460, %get3A_461] : memref<128x128xf32, #tpu.memory_space<vmem>>, vector<128x128xf32>
    %dot_general3A_463 = arith.constant dense<0.000000e+00> : vector<200x128xf32>
    %dot_general3A_464 = tpu.matmul %get3A_103, %get3A_462, %dot_general3A_463 {dimension_numbers = #tpu.dot_dimension_numbers<[1], [0], [0], [1], [0, 0, 1, 1], [], []>, transpose_lhs_hint = false} : vector<200x128xf32>, vector<128x128xf32>, vector<200x128xf32> -> vector<200x128xf32>
    %add3A_465 = arith.addf %dot_general3A_459, %dot_general3A_464 : vector<200x128xf32>
    %get3A_466 = arith.constant 0 : index
    %get3A_467 = arith.constant 0 : index
    %get3A_468 = vector.load %arg30[%get3A_466, %get3A_467] : memref<1x128xf32, #tpu.memory_space<vmem>>, vector<1x128xf32>
    %add3A_469 = vector.broadcast %get3A_468 : vector<1x128xf32> to vector<200x128xf32>
    %add3A_470 = arith.addf %add3A_465, %add3A_469 : vector<200x128xf32>
    %get3A_471 = arith.constant 0 : index
    %get3A_472 = arith.constant 0 : index
    %get3A_473 = vector.load %arg31[%get3A_471, %get3A_472] : memref<1x128xf32, #tpu.memory_space<vmem>>, vector<1x128xf32>
    %get3A_474 = arith.constant 0 : index
    %get3A_475 = arith.constant 0 : index
    %get3A_476 = vector.load %arg32[%get3A_474, %get3A_475] : memref<1x128xf32, #tpu.memory_space<vmem>>, vector<1x128xf32>
    %reduce_sum3A_477 = arith.constant dense<0.000000e+00> : vector<200xf32>
    %reduce_sum3A_478 = vector.multi_reduction <add>, %add3A_470, %reduce_sum3A_477 [1] : vector<200x128xf32> to vector<200xf32>
    %broadcast_in_dim3A_479 = vector.shape_cast %reduce_sum3A_478 : vector<200xf32> to vector<200x1xf32>
    %div3A_480 = arith.constant 1.280000e+02 : f32
    %div3A_481 = vector.broadcast %div3A_480 : f32 to vector<200x1xf32>
    %div3A_482 = arith.divf %broadcast_in_dim3A_479, %div3A_481 : vector<200x1xf32>
    %sub3A_483 = vector.broadcast %div3A_482 : vector<200x1xf32> to vector<200x128xf32>
    %sub3A_484 = arith.subf %add3A_470, %sub3A_483 : vector<200x128xf32>
    %mul3A_485 = arith.mulf %sub3A_484, %sub3A_484 : vector<200x128xf32>
    %reduce_sum3A_486 = arith.constant dense<0.000000e+00> : vector<200xf32>
    %reduce_sum3A_487 = vector.multi_reduction <add>, %mul3A_485, %reduce_sum3A_486 [1] : vector<200x128xf32> to vector<200xf32>
    %broadcast_in_dim3A_488 = vector.shape_cast %reduce_sum3A_487 : vector<200xf32> to vector<200x1xf32>
    %div3A_489 = arith.constant 1.280000e+02 : f32
    %div3A_490 = vector.broadcast %div3A_489 : f32 to vector<200x1xf32>
    %div3A_491 = arith.divf %broadcast_in_dim3A_488, %div3A_490 : vector<200x1xf32>
    %add3A_492 = arith.constant 9.99999974E-6 : f32
    %add3A_493 = vector.broadcast %add3A_492 : f32 to vector<200x1xf32>
    %add3A_494 = arith.addf %div3A_491, %add3A_493 : vector<200x1xf32>
    %rsqrt3A_495 = math.rsqrt %add3A_494 : vector<200x1xf32>
    %mul3A_496 = vector.broadcast %rsqrt3A_495 : vector<200x1xf32> to vector<200x128xf32>
    %mul3A_497 = arith.mulf %sub3A_484, %mul3A_496 : vector<200x128xf32>
    %mul3A_498 = vector.broadcast %get3A_473 : vector<1x128xf32> to vector<200x128xf32>
    %mul3A_499 = arith.mulf %mul3A_497, %mul3A_498 : vector<200x128xf32>
    %add3A_500 = vector.broadcast %get3A_476 : vector<1x128xf32> to vector<200x128xf32>
    %add3A_501 = arith.addf %mul3A_499, %add3A_500 : vector<200x128xf32>
    %max3A_502 = arith.constant 0.000000e+00 : f32
    %max3A_503 = vector.broadcast %max3A_502 : f32 to vector<200x128xf32>
    %max3A_504 = arith.maximumf %add3A_501, %max3A_503 : vector<200x128xf32>
    %get3A_505 = arith.constant 0 : index
    %get3A_506 = arith.constant 0 : index
    %get3A_507 = vector.load %arg33[%get3A_505, %get3A_506] : memref<128x128xf32, #tpu.memory_space<vmem>>, vector<128x128xf32>
    %dot_general3A_508 = arith.constant dense<0.000000e+00> : vector<200x128xf32>
    %dot_general3A_509 = tpu.matmul %max3A_504, %get3A_507, %dot_general3A_508 {dimension_numbers = #tpu.dot_dimension_numbers<[1], [0], [0], [1], [0, 0, 1, 1], [], []>, transpose_lhs_hint = false} : vector<200x128xf32>, vector<128x128xf32>, vector<200x128xf32> -> vector<200x128xf32>
    %get3A_510 = arith.constant 0 : index
    %get3A_511 = arith.constant 0 : index
    %get3A_512 = vector.load %arg34[%get3A_510, %get3A_511] : memref<1x128xf32, #tpu.memory_space<vmem>>, vector<1x128xf32>
    %add3A_513 = vector.broadcast %get3A_512 : vector<1x128xf32> to vector<200x128xf32>
    %add3A_514 = arith.addf %dot_general3A_509, %add3A_513 : vector<200x128xf32>
    %add3A_515 = arith.addf %add3A_514, %get3A_103 : vector<200x128xf32>
    %swap3A_516 = arith.constant 0 : index
    %swap3A_517 = arith.constant 0 : index
    %swap3A_518 = vector.load %arg37[%swap3A_516, %swap3A_517] : memref<200x128xf32, #tpu.memory_space<vmem>>, vector<200x128xf32>
    tpu.vector_store %arg37[%swap3A_516, %swap3A_517], %add3A_515 {strides = array<i32>} : memref<200x128xf32, #tpu.memory_space<vmem>>, vector<200x128xf32>,
    return
  }
  func.func @transform_0(%arg0: i32) -> (i32, i32) {
    %c0_i32 = arith.constant 0 : i32
    %c0_i32_0 = arith.constant 0 : i32
    return %arg0, %c0_i32 : i32, i32
  }
  func.func @transform_1(%arg0: i32) -> (i32, i32) {
    %c0_i32 = arith.constant 0 : i32
    %c0_i32_0 = arith.constant 0 : i32
    return %arg0, %c0_i32 : i32, i32
  }
  func.func @transform_2(%arg0: i32) -> (i32, i32) {
    %c0_i32 = arith.constant 0 : i32
    %c0_i32_0 = arith.constant 0 : i32
    return %arg0, %c0_i32 : i32, i32
  }
  func.func @transform_3(%arg0: i32) -> (i32, i32) {
    %c0_i32 = arith.constant 0 : i32
    %c0_i32_0 = arith.constant 0 : i32
    return %arg0, %c0_i32 : i32, i32
  }
  func.func @transform_4(%arg0: i32) -> (i32, i32) {
    %c0_i32 = arith.constant 0 : i32
    %c0_i32_0 = arith.constant 0 : i32
    %c0_i32_1 = arith.constant 0 : i32
    return %c0_i32, %c0_i32_0 : i32, i32
  }
  func.func @transform_5(%arg0: i32) -> (i32, i32) {
    %c0_i32 = arith.constant 0 : i32
    %c0_i32_0 = arith.constant 0 : i32
    %c0_i32_1 = arith.constant 0 : i32
    return %c0_i32, %c0_i32_0 : i32, i32
  }
  func.func @transform_6(%arg0: i32) -> (i32, i32) {
    %c0_i32 = arith.constant 0 : i32
    %c0_i32_0 = arith.constant 0 : i32
    %c0_i32_1 = arith.constant 0 : i32
    return %c0_i32, %c0_i32_0 : i32, i32
  }
  func.func @transform_7(%arg0: i32) -> (i32, i32) {
    %c0_i32 = arith.constant 0 : i32
    %c0_i32_0 = arith.constant 0 : i32
    %c0_i32_1 = arith.constant 0 : i32
    return %c0_i32, %c0_i32_0 : i32, i32
  }
  func.func @transform_8(%arg0: i32) -> (i32, i32) {
    %c0_i32 = arith.constant 0 : i32
    %c0_i32_0 = arith.constant 0 : i32
    %c0_i32_1 = arith.constant 0 : i32
    return %c0_i32, %c0_i32_0 : i32, i32
  }
  func.func @transform_9(%arg0: i32) -> (i32, i32) {
    %c0_i32 = arith.constant 0 : i32
    %c0_i32_0 = arith.constant 0 : i32
    %c0_i32_1 = arith.constant 0 : i32
    return %c0_i32, %c0_i32_0 : i32, i32
  }
  func.func @transform_10(%arg0: i32) -> (i32, i32) {
    %c0_i32 = arith.constant 0 : i32
    %c0_i32_0 = arith.constant 0 : i32
    %c0_i32_1 = arith.constant 0 : i32
    return %c0_i32, %c0_i32_0 : i32, i32
  }
  func.func @transform_11(%arg0: i32) -> (i32, i32) {
    %c0_i32 = arith.constant 0 : i32
    %c0_i32_0 = arith.constant 0 : i32
    %c0_i32_1 = arith.constant 0 : i32
    return %c0_i32, %c0_i32_0 : i32, i32
  }
  func.func @transform_12(%arg0: i32) -> (i32, i32) {
    %c0_i32 = arith.constant 0 : i32
    %c0_i32_0 = arith.constant 0 : i32
    %c0_i32_1 = arith.constant 0 : i32
    return %c0_i32, %c0_i32_0 : i32, i32
  }
  func.func @transform_13(%arg0: i32) -> (i32, i32) {
    %c0_i32 = arith.constant 0 : i32
    %c0_i32_0 = arith.constant 0 : i32
    %c0_i32_1 = arith.constant 0 : i32
    return %c0_i32, %c0_i32_0 : i32, i32
  }
  func.func @transform_14(%arg0: i32) -> (i32, i32) {
    %c0_i32 = arith.constant 0 : i32
    %c0_i32_0 = arith.constant 0 : i32
    %c0_i32_1 = arith.constant 0 : i32
    return %c0_i32, %c0_i32_0 : i32, i32
  }
  func.func @transform_15(%arg0: i32) -> (i32, i32) {
    %c0_i32 = arith.constant 0 : i32
    %c0_i32_0 = arith.constant 0 : i32
    %c0_i32_1 = arith.constant 0 : i32
    return %c0_i32, %c0_i32_0 : i32, i32
  }
  func.func @transform_16(%arg0: i32) -> (i32, i32) {
    %c0_i32 = arith.constant 0 : i32
    %c0_i32_0 = arith.constant 0 : i32
    %c0_i32_1 = arith.constant 0 : i32
    return %c0_i32, %c0_i32_0 : i32, i32
  }
  func.func @transform_17(%arg0: i32) -> (i32, i32) {
    %c0_i32 = arith.constant 0 : i32
    %c0_i32_0 = arith.constant 0 : i32
    %c0_i32_1 = arith.constant 0 : i32
    return %c0_i32, %c0_i32_0 : i32, i32
  }
  func.func @transform_18(%arg0: i32) -> (i32, i32) {
    %c0_i32 = arith.constant 0 : i32
    %c0_i32_0 = arith.constant 0 : i32
    %c0_i32_1 = arith.constant 0 : i32
    return %c0_i32, %c0_i32_0 : i32, i32
  }
  func.func @transform_19(%arg0: i32) -> (i32, i32) {
    %c0_i32 = arith.constant 0 : i32
    %c0_i32_0 = arith.constant 0 : i32
    %c0_i32_1 = arith.constant 0 : i32
    return %c0_i32, %c0_i32_0 : i32, i32
  }
  func.func @transform_20(%arg0: i32) -> (i32, i32) {
    %c0_i32 = arith.constant 0 : i32
    %c0_i32_0 = arith.constant 0 : i32
    %c0_i32_1 = arith.constant 0 : i32
    return %c0_i32, %c0_i32_0 : i32, i32
  }
  func.func @transform_21(%arg0: i32) -> (i32, i32) {
    %c0_i32 = arith.constant 0 : i32
    %c0_i32_0 = arith.constant 0 : i32
    %c0_i32_1 = arith.constant 0 : i32
    return %c0_i32, %c0_i32_0 : i32, i32
  }
  func.func @transform_22(%arg0: i32) -> (i32, i32) {
    %c0_i32 = arith.constant 0 : i32
    %c0_i32_0 = arith.constant 0 : i32
    %c0_i32_1 = arith.constant 0 : i32
    return %c0_i32, %c0_i32_0 : i32, i32
  }
  func.func @transform_23(%arg0: i32) -> (i32, i32) {
    %c0_i32 = arith.constant 0 : i32
    %c0_i32_0 = arith.constant 0 : i32
    %c0_i32_1 = arith.constant 0 : i32
    return %c0_i32, %c0_i32_0 : i32, i32
  }
  func.func @transform_24(%arg0: i32) -> (i32, i32) {
    %c0_i32 = arith.constant 0 : i32
    %c0_i32_0 = arith.constant 0 : i32
    %c0_i32_1 = arith.constant 0 : i32
    return %c0_i32, %c0_i32_0 : i32, i32
  }
  func.func @transform_25(%arg0: i32) -> (i32, i32) {
    %c0_i32 = arith.constant 0 : i32
    %c0_i32_0 = arith.constant 0 : i32
    %c0_i32_1 = arith.constant 0 : i32
    return %c0_i32, %c0_i32_0 : i32, i32
  }
  func.func @transform_26(%arg0: i32) -> (i32, i32) {
    %c0_i32 = arith.constant 0 : i32
    %c0_i32_0 = arith.constant 0 : i32
    %c0_i32_1 = arith.constant 0 : i32
    return %c0_i32, %c0_i32_0 : i32, i32
  }
  func.func @transform_27(%arg0: i32) -> (i32, i32) {
    %c0_i32 = arith.constant 0 : i32
    %c0_i32_0 = arith.constant 0 : i32
    %c0_i32_1 = arith.constant 0 : i32
    return %c0_i32, %c0_i32_0 : i32, i32
  }
  func.func @transform_28(%arg0: i32) -> (i32, i32) {
    %c0_i32 = arith.constant 0 : i32
    %c0_i32_0 = arith.constant 0 : i32
    %c0_i32_1 = arith.constant 0 : i32
    return %c0_i32, %c0_i32_0 : i32, i32
  }
  func.func @transform_29(%arg0: i32) -> (i32, i32) {
    %c0_i32 = arith.constant 0 : i32
    %c0_i32_0 = arith.constant 0 : i32
    %c0_i32_1 = arith.constant 0 : i32
    return %c0_i32, %c0_i32_0 : i32, i32
  }
  func.func @transform_30(%arg0: i32) -> (i32, i32) {
    %c0_i32 = arith.constant 0 : i32
    %c0_i32_0 = arith.constant 0 : i32
    %c0_i32_1 = arith.constant 0 : i32
    return %c0_i32, %c0_i32_0 : i32, i32
  }
  func.func @transform_31(%arg0: i32) -> (i32, i32) {
    %c0_i32 = arith.constant 0 : i32
    %c0_i32_0 = arith.constant 0 : i32
    %c0_i32_1 = arith.constant 0 : i32
    return %c0_i32, %c0_i32_0 : i32, i32
  }
  func.func @transform_32(%arg0: i32) -> (i32, i32) {
    %c0_i32 = arith.constant 0 : i32
    %c0_i32_0 = arith.constant 0 : i32
    %c0_i32_1 = arith.constant 0 : i32
    return %c0_i32, %c0_i32_0 : i32, i32
  }
  func.func @transform_33(%arg0: i32) -> (i32, i32) {
    %c0_i32 = arith.constant 0 : i32
    %c0_i32_0 = arith.constant 0 : i32
    %c0_i32_1 = arith.constant 0 : i32
    return %c0_i32, %c0_i32_0 : i32, i32
  }
  func.func @transform_34(%arg0: i32) -> (i32, i32) {
    %c0_i32 = arith.constant 0 : i32
    %c0_i32_0 = arith.constant 0 : i32
    %c0_i32_1 = arith.constant 0 : i32
    return %c0_i32, %c0_i32_0 : i32, i32
  }
  func.func @transform_35(%arg0: i32) -> (i32, i32) {
    %c0_i32 = arith.constant 0 : i32
    %c0_i32_0 = arith.constant 0 : i32
    %c0_i32_1 = arith.constant 0 : i32
    return %c0_i32, %c0_i32_0 : i32, i32
  }
  func.func @transform_36(%arg0: i32) -> (i32, i32) {
    %c0_i32 = arith.constant 0 : i32
    %c0_i32_0 = arith.constant 0 : i32
    return %arg0, %c0_i32 : i32, i32
  }
  func.func @transform_37(%arg0: i32) -> (i32, i32) {
    %c0_i32 = arith.constant 0 : i32
    %c0_i32_0 = arith.constant 0 : i32
    return %arg0, %c0_i32 : i32, i32
  }
}

module attributes {stable_mosaic.version = 14 : i64} {
  func.func @_hx_body(%arg0: i32, %arg1: memref<200x16xf32, #tpu.memory_space<vmem>>, %arg2: memref<3200x16xf32, #tpu.memory_space<vmem>>, %arg3: memref<200x128xf32, #tpu.memory_space<vmem>>, %arg4: memref<3200x128xf32, #tpu.memory_space<vmem>>, %arg5: memref<3200x1xf32, #tpu.memory_space<vmem>>, %arg6: memref<1x20xf32, #tpu.memory_space<vmem>>, %arg7: memref<84x256xf32, #tpu.memory_space<vmem>>, %arg8: memref<128x256xf32, #tpu.memory_space<vmem>>, %arg9: memref<128x256xf32, #tpu.memory_space<vmem>>, %arg10: memref<1x256xf32, #tpu.memory_space<vmem>>, %arg11: memref<1x256xf32, #tpu.memory_space<vmem>>, %arg12: memref<1x256xf32, #tpu.memory_space<vmem>>, %arg13: memref<128x128xf32, #tpu.memory_space<vmem>>, %arg14: memref<1x128xf32, #tpu.memory_space<vmem>>, %arg15: memref<128x16xf32, #tpu.memory_space<vmem>>, %arg16: memref<1x16xf32, #tpu.memory_space<vmem>>, %arg17: memref<128x128xf32, #tpu.memory_space<vmem>>, %arg18: memref<1x128xf32, #tpu.memory_space<vmem>>, %arg19: memref<1x128xf32, #tpu.memory_space<vmem>>, %arg20: memref<1x128xf32, #tpu.memory_space<vmem>>, %arg21: memref<128x128xf32, #tpu.memory_space<vmem>>, %arg22: memref<1x128xf32, #tpu.memory_space<vmem>>, %arg23: memref<128x16xf32, #tpu.memory_space<vmem>>, %arg24: memref<200x3xf32, #tpu.memory_space<vmem>>) attributes {dimension_semantics = [#tpu.dimension_semantics<arbitrary>], iteration_bounds = array<i64: 50>, scalar_prefetch = 0 : i64, scratch_operands = 0 : i64, tpu.core_type = #tpu.core_type<tc>, window_params = [{transform_indices = @transform_0, window_bounds = array<i64: 200, 16>}, {transform_indices = @transform_1, window_bounds = array<i64: 3200, 16>}, {transform_indices = @transform_2, window_bounds = array<i64: 200, 128>}, {transform_indices = @transform_3, window_bounds = array<i64: 3200, 128>}, {transform_indices = @transform_4, window_bounds = array<i64: 3200, 1>}, {pipeline_mode = #tpu.pipeline_mode<synchronous>, transform_indices = @transform_5, window_bounds = array<i64: 1, 20>}, {pipeline_mode = #tpu.pipeline_mode<synchronous>, transform_indices = @transform_6, window_bounds = array<i64: 84, 256>}, {pipeline_mode = #tpu.pipeline_mode<synchronous>, transform_indices = @transform_7, window_bounds = array<i64: 128, 256>}, {pipeline_mode = #tpu.pipeline_mode<synchronous>, transform_indices = @transform_8, window_bounds = array<i64: 128, 256>}, {pipeline_mode = #tpu.pipeline_mode<synchronous>, transform_indices = @transform_9, window_bounds = array<i64: 1, 256>}, {pipeline_mode = #tpu.pipeline_mode<synchronous>, transform_indices = @transform_10, window_bounds = array<i64: 1, 256>}, {pipeline_mode = #tpu.pipeline_mode<synchronous>, transform_indices = @transform_11, window_bounds = array<i64: 1, 256>}, {pipeline_mode = #tpu.pipeline_mode<synchronous>, transform_indices = @transform_12, window_bounds = array<i64: 128, 128>}, {pipeline_mode = #tpu.pipeline_mode<synchronous>, transform_indices = @transform_13, window_bounds = array<i64: 1, 128>}, {pipeline_mode = #tpu.pipeline_mode<synchronous>, transform_indices = @transform_14, window_bounds = array<i64: 128, 16>}, {pipeline_mode = #tpu.pipeline_mode<synchronous>, transform_indices = @transform_15, window_bounds = array<i64: 1, 16>}, {pipeline_mode = #tpu.pipeline_mode<synchronous>, transform_indices = @transform_16, window_bounds = array<i64: 128, 128>}, {pipeline_mode = #tpu.pipeline_mode<synchronous>, transform_indices = @transform_17, window_bounds = array<i64: 1, 128>}, {pipeline_mode = #tpu.pipeline_mode<synchronous>, transform_indices = @transform_18, window_bounds = array<i64: 1, 128>}, {pipeline_mode = #tpu.pipeline_mode<synchronous>, transform_indices = @transform_19, window_bounds = array<i64: 1, 128>}, {pipeline_mode = #tpu.pipeline_mode<synchronous>, transform_indices = @transform_20, window_bounds = array<i64: 128, 128>}, {pipeline_mode = #tpu.pipeline_mode<synchronous>, transform_indices = @transform_21, window_bounds = array<i64: 1, 128>}, {pipeline_mode = #tpu.pipeline_mode<synchronous>, transform_indices = @transform_22, window_bounds = array<i64: 128, 16>}, {transform_indices = @transform_23, window_bounds = array<i64: 200, 3>}]} {
    %get3A = arith.constant 0 : index
    %get3A_0 = arith.constant 0 : index
    %get3A_1 = vector.load %arg1[%get3A, %get3A_0] : memref<200x16xf32, #tpu.memory_space<vmem>>, vector<200x16xf32>
    %broadcast_in_dim3A = vector.shape_cast %get3A_1 : vector<200x16xf32> to vector<200x1x16xf32>
    %broadcast_in_dim3A_2 = vector.shape_cast %broadcast_in_dim3A : vector<200x1x16xf32> to vector<200x1x16xf32>
    %broadcast_in_dim3A_3 = vector.broadcast %broadcast_in_dim3A_2 : vector<200x1x16xf32> to vector<200x16x16xf32>
    %reshape3A = vector.shape_cast %broadcast_in_dim3A_3 : vector<200x16x16xf32> to vector<3200x16xf32>
    %get3A_4 = arith.constant 0 : index
    %get3A_5 = arith.constant 0 : index
    %get3A_6 = vector.load %arg2[%get3A_4, %get3A_5] : memref<3200x16xf32, #tpu.memory_space<vmem>>, vector<3200x16xf32>
    %slice3A = vector.extract_strided_slice %reshape3A {offsets = [0, 0], sizes = [3200, 3], strides = [1, 1]} : vector<3200x16xf32> to vector<3200x3xf32>
    %slice3A_7 = vector.extract_strided_slice %get3A_6 {offsets = [0, 0], sizes = [3200, 3], strides = [1, 1]} : vector<3200x16xf32> to vector<3200x3xf32>
    %sub3A = arith.subf %slice3A, %slice3A_7 : vector<3200x3xf32>
    %slice3A_8 = vector.extract_strided_slice %reshape3A {offsets = [0, 3], sizes = [3200, 1], strides = [1, 1]} : vector<3200x16xf32> to vector<3200x1xf32>
    %slice3A_9 = vector.extract_strided_slice %get3A_6 {offsets = [0, 3], sizes = [3200, 1], strides = [1, 1]} : vector<3200x16xf32> to vector<3200x1xf32>
    %mul3A = arith.mulf %sub3A, %sub3A : vector<3200x3xf32>
    %reduce_sum3A = arith.constant dense<0.000000e+00> : vector<3200xf32>
    %reduce_sum3A_10 = vector.multi_reduction <add>, %mul3A, %reduce_sum3A [1] : vector<3200x3xf32> to vector<3200xf32>
    %broadcast_in_dim3A_11 = vector.shape_cast %reduce_sum3A_10 : vector<3200xf32> to vector<3200x1xf32>
    %sqrt3A = math.sqrt %broadcast_in_dim3A_11 : vector<3200x1xf32>
    %get3A_12 = arith.constant 0 : index
    %get3A_13 = arith.constant 0 : index
    %get3A_14 = vector.load %arg6[%get3A_12, %get3A_13] : memref<1x20xf32, #tpu.memory_space<vmem>>, vector<1x20xf32>
    %sub3A_15 = vector.broadcast %sqrt3A : vector<3200x1xf32> to vector<3200x20xf32>
    %sub3A_16 = vector.broadcast %get3A_14 : vector<1x20xf32> to vector<3200x20xf32>
    %sub3A_17 = arith.subf %sub3A_15, %sub3A_16 : vector<3200x20xf32>
    %integer_pow3A = arith.mulf %sub3A_17, %sub3A_17 : vector<3200x20xf32>
    %mul3A_18 = arith.constant -1.805000e+00 : f32
    %mul3A_19 = vector.broadcast %mul3A_18 : f32 to vector<3200x20xf32>
    %mul3A_20 = arith.mulf %mul3A_19, %integer_pow3A : vector<3200x20xf32>
    %exp3A = math.exp %mul3A_20 : vector<3200x20xf32>
    %mul3A_21 = arith.mulf %slice3A_9, %slice3A_8 : vector<3200x1xf32>
    %sub3A_22 = arith.constant 1.000000e+00 : f32
    %sub3A_23 = vector.broadcast %sub3A_22 : f32 to vector<3200x1xf32>
    %sub3A_24 = arith.subf %sub3A_23, %slice3A_8 : vector<3200x1xf32>
    %mul3A_25 = arith.mulf %slice3A_9, %sub3A_24 : vector<3200x1xf32>
    %sub3A_26 = arith.constant 1.000000e+00 : f32
    %sub3A_27 = vector.broadcast %sub3A_26 : f32 to vector<3200x1xf32>
    %sub3A_28 = arith.subf %sub3A_27, %slice3A_9 : vector<3200x1xf32>
    %mul3A_29 = arith.mulf %sub3A_28, %slice3A_8 : vector<3200x1xf32>
    %sub3A_30 = arith.constant 1.000000e+00 : f32
    %sub3A_31 = vector.broadcast %sub3A_30 : f32 to vector<3200x1xf32>
    %sub3A_32 = arith.subf %sub3A_31, %slice3A_9 : vector<3200x1xf32>
    %sub3A_33 = arith.constant 1.000000e+00 : f32
    %sub3A_34 = vector.broadcast %sub3A_33 : f32 to vector<3200x1xf32>
    %sub3A_35 = arith.subf %sub3A_34, %slice3A_8 : vector<3200x1xf32>
    %mul3A_36 = arith.mulf %sub3A_32, %sub3A_35 : vector<3200x1xf32>
    %mul3A_37 = vector.broadcast %mul3A_21 : vector<3200x1xf32> to vector<3200x20xf32>
    %mul3A_38 = arith.mulf %mul3A_37, %exp3A : vector<3200x20xf32>
    %mul3A_39 = vector.broadcast %mul3A_25 : vector<3200x1xf32> to vector<3200x20xf32>
    %mul3A_40 = arith.mulf %mul3A_39, %exp3A : vector<3200x20xf32>
    %mul3A_41 = vector.broadcast %mul3A_29 : vector<3200x1xf32> to vector<3200x20xf32>
    %mul3A_42 = arith.mulf %mul3A_41, %exp3A : vector<3200x20xf32>
    %mul3A_43 = vector.broadcast %mul3A_36 : vector<3200x1xf32> to vector<3200x20xf32>
    %mul3A_44 = arith.mulf %mul3A_43, %exp3A : vector<3200x20xf32>
    %concatenate3A = tpu.concatenate %mul3A_21, %mul3A_25, %mul3A_29, %mul3A_36, %mul3A_38, %mul3A_40, %mul3A_42, %mul3A_44 in 1 : vector<3200x1xf32>, vector<3200x1xf32>, vector<3200x1xf32>, vector<3200x1xf32>, vector<3200x20xf32>, vector<3200x20xf32>, vector<3200x20xf32>, vector<3200x20xf32> -> vector<3200x84xf32>
    %get3A_45 = arith.constant 0 : index
    %get3A_46 = arith.constant 0 : index
    %get3A_47 = vector.load %arg5[%get3A_45, %get3A_46] : memref<3200x1xf32, #tpu.memory_space<vmem>>, vector<3200x1xf32>
    %get3A_48 = arith.constant 0 : index
    %get3A_49 = arith.constant 0 : index
    %get3A_50 = vector.load %arg3[%get3A_48, %get3A_49] : memref<200x128xf32, #tpu.memory_space<vmem>>, vector<200x128xf32>
    %get3A_51 = arith.constant 0 : index
    %get3A_52 = arith.constant 0 : index
    %get3A_53 = vector.load %arg8[%get3A_51, %get3A_52] : memref<128x256xf32, #tpu.memory_space<vmem>>, vector<128x256xf32>
    %dot_general3A = arith.constant dense<0.000000e+00> : vector<200x256xf32>
    %dot_general3A_54 = tpu.matmul %get3A_50, %get3A_53, %dot_general3A {dimension_numbers = #tpu.dot_dimension_numbers<[1], [0], [0], [1], [0, 0, 1, 1], [], []>, transpose_lhs_hint = false} : vector<200x128xf32>, vector<128x256xf32>, vector<200x256xf32> -> vector<200x256xf32>
    %get3A_55 = arith.constant 0 : index
    %get3A_56 = arith.constant 0 : index
    %get3A_57 = vector.load %arg7[%get3A_55, %get3A_56] : memref<84x256xf32, #tpu.memory_space<vmem>>, vector<84x256xf32>
    %dot_general3A_58 = arith.constant dense<0.000000e+00> : vector<3200x256xf32>
    %dot_general3A_59 = tpu.matmul %concatenate3A, %get3A_57, %dot_general3A_58 {dimension_numbers = #tpu.dot_dimension_numbers<[1], [0], [0], [1], [0, 0, 1, 1], [], []>, transpose_lhs_hint = false} : vector<3200x84xf32>, vector<84x256xf32>, vector<3200x256xf32> -> vector<3200x256xf32>
    %broadcast_in_dim3A_60 = vector.shape_cast %dot_general3A_54 : vector<200x256xf32> to vector<200x1x256xf32>
    %broadcast_in_dim3A_61 = vector.shape_cast %broadcast_in_dim3A_60 : vector<200x1x256xf32> to vector<200x1x256xf32>
    %broadcast_in_dim3A_62 = vector.broadcast %broadcast_in_dim3A_61 : vector<200x1x256xf32> to vector<200x16x256xf32>
    %reshape3A_63 = vector.shape_cast %broadcast_in_dim3A_62 : vector<200x16x256xf32> to vector<3200x256xf32>
    %add3A = arith.addf %dot_general3A_59, %reshape3A_63 : vector<3200x256xf32>
    %get3A_64 = arith.constant 0 : index
    %get3A_65 = arith.constant 0 : index
    %get3A_66 = vector.load %arg4[%get3A_64, %get3A_65] : memref<3200x128xf32, #tpu.memory_space<vmem>>, vector<3200x128xf32>
    %get3A_67 = arith.constant 0 : index
    %get3A_68 = arith.constant 0 : index
    %get3A_69 = vector.load %arg9[%get3A_67, %get3A_68] : memref<128x256xf32, #tpu.memory_space<vmem>>, vector<128x256xf32>
    %dot_general3A_70 = arith.constant dense<0.000000e+00> : vector<3200x256xf32>
    %dot_general3A_71 = tpu.matmul %get3A_66, %get3A_69, %dot_general3A_70 {dimension_numbers = #tpu.dot_dimension_numbers<[1], [0], [0], [1], [0, 0, 1, 1], [], []>, transpose_lhs_hint = false} : vector<3200x128xf32>, vector<128x256xf32>, vector<3200x256xf32> -> vector<3200x256xf32>
    %add3A_72 = arith.addf %add3A, %dot_general3A_71 : vector<3200x256xf32>
    %get3A_73 = arith.constant 0 : index
    %get3A_74 = arith.constant 0 : index
    %get3A_75 = vector.load %arg10[%get3A_73, %get3A_74] : memref<1x256xf32, #tpu.memory_space<vmem>>, vector<1x256xf32>
    %add3A_76 = vector.broadcast %get3A_75 : vector<1x256xf32> to vector<3200x256xf32>
    %add3A_77 = arith.addf %add3A_72, %add3A_76 : vector<3200x256xf32>
    %slice3A_78 = vector.extract_strided_slice %add3A_77 {offsets = [0, 0], sizes = [3200, 128], strides = [1, 1]} : vector<3200x256xf32> to vector<3200x128xf32>
    %get3A_79 = arith.constant 0 : index
    %get3A_80 = arith.constant 0 : index
    %get3A_81 = vector.load %arg11[%get3A_79, %get3A_80] : memref<1x256xf32, #tpu.memory_space<vmem>>, vector<1x128xf32>
    %get3A_82 = arith.constant 0 : index
    %get3A_83 = arith.constant 0 : index
    %get3A_84 = vector.load %arg12[%get3A_82, %get3A_83] : memref<1x256xf32, #tpu.memory_space<vmem>>, vector<1x128xf32>
    %reduce_sum3A_85 = arith.constant dense<0.000000e+00> : vector<3200xf32>
    %reduce_sum3A_86 = vector.multi_reduction <add>, %slice3A_78, %reduce_sum3A_85 [1] : vector<3200x128xf32> to vector<3200xf32>
    %broadcast_in_dim3A_87 = vector.shape_cast %reduce_sum3A_86 : vector<3200xf32> to vector<3200x1xf32>
    %div3A = arith.constant 1.280000e+02 : f32
    %div3A_88 = vector.broadcast %div3A : f32 to vector<3200x1xf32>
    %div3A_89 = arith.divf %broadcast_in_dim3A_87, %div3A_88 : vector<3200x1xf32>
    %sub3A_90 = vector.broadcast %div3A_89 : vector<3200x1xf32> to vector<3200x128xf32>
    %sub3A_91 = arith.subf %slice3A_78, %sub3A_90 : vector<3200x128xf32>
    %mul3A_92 = arith.mulf %sub3A_91, %sub3A_91 : vector<3200x128xf32>
    %reduce_sum3A_93 = arith.constant dense<0.000000e+00> : vector<3200xf32>
    %reduce_sum3A_94 = vector.multi_reduction <add>, %mul3A_92, %reduce_sum3A_93 [1] : vector<3200x128xf32> to vector<3200xf32>
    %broadcast_in_dim3A_95 = vector.shape_cast %reduce_sum3A_94 : vector<3200xf32> to vector<3200x1xf32>
    %div3A_96 = arith.constant 1.280000e+02 : f32
    %div3A_97 = vector.broadcast %div3A_96 : f32 to vector<3200x1xf32>
    %div3A_98 = arith.divf %broadcast_in_dim3A_95, %div3A_97 : vector<3200x1xf32>
    %add3A_99 = arith.constant 9.99999974E-6 : f32
    %add3A_100 = vector.broadcast %add3A_99 : f32 to vector<3200x1xf32>
    %add3A_101 = arith.addf %div3A_98, %add3A_100 : vector<3200x1xf32>
    %rsqrt3A = math.rsqrt %add3A_101 : vector<3200x1xf32>
    %mul3A_102 = vector.broadcast %rsqrt3A : vector<3200x1xf32> to vector<3200x128xf32>
    %mul3A_103 = arith.mulf %sub3A_91, %mul3A_102 : vector<3200x128xf32>
    %mul3A_104 = vector.broadcast %get3A_81 : vector<1x128xf32> to vector<3200x128xf32>
    %mul3A_105 = arith.mulf %mul3A_103, %mul3A_104 : vector<3200x128xf32>
    %add3A_106 = vector.broadcast %get3A_84 : vector<1x128xf32> to vector<3200x128xf32>
    %add3A_107 = arith.addf %mul3A_105, %add3A_106 : vector<3200x128xf32>
    %max3A = arith.constant 0.000000e+00 : f32
    %max3A_108 = vector.broadcast %max3A : f32 to vector<3200x128xf32>
    %max3A_109 = arith.maximumf %add3A_107, %max3A_108 : vector<3200x128xf32>
    %slice3A_110 = vector.extract_strided_slice %add3A_77 {offsets = [0, 128], sizes = [3200, 128], strides = [1, 1]} : vector<3200x256xf32> to vector<3200x128xf32>
    %get3A_111 = arith.constant 0 : index
    %get3A_112 = arith.constant 128 : index
    %get3A_113 = vector.load %arg11[%get3A_111, %get3A_112] : memref<1x256xf32, #tpu.memory_space<vmem>>, vector<1x128xf32>
    %get3A_114 = arith.constant 0 : index
    %get3A_115 = arith.constant 128 : index
    %get3A_116 = vector.load %arg12[%get3A_114, %get3A_115] : memref<1x256xf32, #tpu.memory_space<vmem>>, vector<1x128xf32>
    %reduce_sum3A_117 = arith.constant dense<0.000000e+00> : vector<3200xf32>
    %reduce_sum3A_118 = vector.multi_reduction <add>, %slice3A_110, %reduce_sum3A_117 [1] : vector<3200x128xf32> to vector<3200xf32>
    %broadcast_in_dim3A_119 = vector.shape_cast %reduce_sum3A_118 : vector<3200xf32> to vector<3200x1xf32>
    %div3A_120 = arith.constant 1.280000e+02 : f32
    %div3A_121 = vector.broadcast %div3A_120 : f32 to vector<3200x1xf32>
    %div3A_122 = arith.divf %broadcast_in_dim3A_119, %div3A_121 : vector<3200x1xf32>
    %sub3A_123 = vector.broadcast %div3A_122 : vector<3200x1xf32> to vector<3200x128xf32>
    %sub3A_124 = arith.subf %slice3A_110, %sub3A_123 : vector<3200x128xf32>
    %mul3A_125 = arith.mulf %sub3A_124, %sub3A_124 : vector<3200x128xf32>
    %reduce_sum3A_126 = arith.constant dense<0.000000e+00> : vector<3200xf32>
    %reduce_sum3A_127 = vector.multi_reduction <add>, %mul3A_125, %reduce_sum3A_126 [1] : vector<3200x128xf32> to vector<3200xf32>
    %broadcast_in_dim3A_128 = vector.shape_cast %reduce_sum3A_127 : vector<3200xf32> to vector<3200x1xf32>
    %div3A_129 = arith.constant 1.280000e+02 : f32
    %div3A_130 = vector.broadcast %div3A_129 : f32 to vector<3200x1xf32>
    %div3A_131 = arith.divf %broadcast_in_dim3A_128, %div3A_130 : vector<3200x1xf32>
    %add3A_132 = arith.constant 9.99999974E-6 : f32
    %add3A_133 = vector.broadcast %add3A_132 : f32 to vector<3200x1xf32>
    %add3A_134 = arith.addf %div3A_131, %add3A_133 : vector<3200x1xf32>
    %rsqrt3A_135 = math.rsqrt %add3A_134 : vector<3200x1xf32>
    %mul3A_136 = vector.broadcast %rsqrt3A_135 : vector<3200x1xf32> to vector<3200x128xf32>
    %mul3A_137 = arith.mulf %sub3A_124, %mul3A_136 : vector<3200x128xf32>
    %mul3A_138 = vector.broadcast %get3A_113 : vector<1x128xf32> to vector<3200x128xf32>
    %mul3A_139 = arith.mulf %mul3A_137, %mul3A_138 : vector<3200x128xf32>
    %add3A_140 = vector.broadcast %get3A_116 : vector<1x128xf32> to vector<3200x128xf32>
    %add3A_141 = arith.addf %mul3A_139, %add3A_140 : vector<3200x128xf32>
    %max3A_142 = arith.constant 0.000000e+00 : f32
    %max3A_143 = vector.broadcast %max3A_142 : f32 to vector<3200x128xf32>
    %max3A_144 = arith.maximumf %add3A_141, %max3A_143 : vector<3200x128xf32>
    %get3A_145 = arith.constant 0 : index
    %get3A_146 = arith.constant 0 : index
    %get3A_147 = vector.load %arg13[%get3A_145, %get3A_146] : memref<128x128xf32, #tpu.memory_space<vmem>>, vector<128x128xf32>
    %dot_general3A_148 = arith.constant dense<0.000000e+00> : vector<3200x128xf32>
    %dot_general3A_149 = tpu.matmul %max3A_109, %get3A_147, %dot_general3A_148 {dimension_numbers = #tpu.dot_dimension_numbers<[1], [0], [0], [1], [0, 0, 1, 1], [], []>, transpose_lhs_hint = false} : vector<3200x128xf32>, vector<128x128xf32>, vector<3200x128xf32> -> vector<3200x128xf32>
    %get3A_150 = arith.constant 0 : index
    %get3A_151 = arith.constant 0 : index
    %get3A_152 = vector.load %arg14[%get3A_150, %get3A_151] : memref<1x128xf32, #tpu.memory_space<vmem>>, vector<1x128xf32>
    %add3A_153 = vector.broadcast %get3A_152 : vector<1x128xf32> to vector<3200x128xf32>
    %add3A_154 = arith.addf %dot_general3A_149, %add3A_153 : vector<3200x128xf32>
    %get3A_155 = arith.constant 0 : index
    %get3A_156 = arith.constant 0 : index
    %get3A_157 = vector.load %arg15[%get3A_155, %get3A_156] : memref<128x16xf32, #tpu.memory_space<vmem>>, vector<128x16xf32>
    %dot_general3A_158 = arith.constant dense<0.000000e+00> : vector<3200x16xf32>
    %dot_general3A_159 = tpu.matmul %max3A_144, %get3A_157, %dot_general3A_158 {dimension_numbers = #tpu.dot_dimension_numbers<[1], [0], [0], [1], [0, 0, 1, 1], [], []>, transpose_lhs_hint = false} : vector<3200x128xf32>, vector<128x16xf32>, vector<3200x16xf32> -> vector<3200x16xf32>
    %get3A_160 = arith.constant 0 : index
    %get3A_161 = arith.constant 0 : index
    %get3A_162 = vector.load %arg16[%get3A_160, %get3A_161] : memref<1x16xf32, #tpu.memory_space<vmem>>, vector<1x16xf32>
    %add3A_163 = vector.broadcast %get3A_162 : vector<1x16xf32> to vector<3200x16xf32>
    %add3A_164 = arith.addf %dot_general3A_159, %add3A_163 : vector<3200x16xf32>
    %mul3A_165 = vector.broadcast %get3A_47 : vector<3200x1xf32> to vector<3200x16xf32>
    %mul3A_166 = arith.mulf %add3A_164, %mul3A_165 : vector<3200x16xf32>
    %get3A_167 = arith.constant 0 : index
    %get3A_168 = arith.constant 0 : index
    %get3A_169 = vector.load %arg17[%get3A_167, %get3A_168] : memref<128x128xf32, #tpu.memory_space<vmem>>, vector<128x128xf32>
    %dot_general3A_170 = arith.constant dense<0.000000e+00> : vector<200x128xf32>
    %dot_general3A_171 = tpu.matmul %get3A_50, %get3A_169, %dot_general3A_170 {dimension_numbers = #tpu.dot_dimension_numbers<[1], [0], [0], [1], [0, 0, 1, 1], [], []>, transpose_lhs_hint = false} : vector<200x128xf32>, vector<128x128xf32>, vector<200x128xf32> -> vector<200x128xf32>
    %get3A_172 = arith.constant 0 : index
    %get3A_173 = arith.constant 0 : index
    %get3A_174 = vector.load %arg18[%get3A_172, %get3A_173] : memref<1x128xf32, #tpu.memory_space<vmem>>, vector<1x128xf32>
    %add3A_175 = vector.broadcast %get3A_174 : vector<1x128xf32> to vector<200x128xf32>
    %add3A_176 = arith.addf %dot_general3A_171, %add3A_175 : vector<200x128xf32>
    %get3A_177 = arith.constant 0 : index
    %get3A_178 = arith.constant 0 : index
    %get3A_179 = vector.load %arg19[%get3A_177, %get3A_178] : memref<1x128xf32, #tpu.memory_space<vmem>>, vector<1x128xf32>
    %get3A_180 = arith.constant 0 : index
    %get3A_181 = arith.constant 0 : index
    %get3A_182 = vector.load %arg20[%get3A_180, %get3A_181] : memref<1x128xf32, #tpu.memory_space<vmem>>, vector<1x128xf32>
    %reduce_sum3A_183 = arith.constant dense<0.000000e+00> : vector<200xf32>
    %reduce_sum3A_184 = vector.multi_reduction <add>, %add3A_176, %reduce_sum3A_183 [1] : vector<200x128xf32> to vector<200xf32>
    %broadcast_in_dim3A_185 = vector.shape_cast %reduce_sum3A_184 : vector<200xf32> to vector<200x1xf32>
    %div3A_186 = arith.constant 1.280000e+02 : f32
    %div3A_187 = vector.broadcast %div3A_186 : f32 to vector<200x1xf32>
    %div3A_188 = arith.divf %broadcast_in_dim3A_185, %div3A_187 : vector<200x1xf32>
    %sub3A_189 = vector.broadcast %div3A_188 : vector<200x1xf32> to vector<200x128xf32>
    %sub3A_190 = arith.subf %add3A_176, %sub3A_189 : vector<200x128xf32>
    %mul3A_191 = arith.mulf %sub3A_190, %sub3A_190 : vector<200x128xf32>
    %reduce_sum3A_192 = arith.constant dense<0.000000e+00> : vector<200xf32>
    %reduce_sum3A_193 = vector.multi_reduction <add>, %mul3A_191, %reduce_sum3A_192 [1] : vector<200x128xf32> to vector<200xf32>
    %broadcast_in_dim3A_194 = vector.shape_cast %reduce_sum3A_193 : vector<200xf32> to vector<200x1xf32>
    %div3A_195 = arith.constant 1.280000e+02 : f32
    %div3A_196 = vector.broadcast %div3A_195 : f32 to vector<200x1xf32>
    %div3A_197 = arith.divf %broadcast_in_dim3A_194, %div3A_196 : vector<200x1xf32>
    %add3A_198 = arith.constant 9.99999974E-6 : f32
    %add3A_199 = vector.broadcast %add3A_198 : f32 to vector<200x1xf32>
    %add3A_200 = arith.addf %div3A_197, %add3A_199 : vector<200x1xf32>
    %rsqrt3A_201 = math.rsqrt %add3A_200 : vector<200x1xf32>
    %mul3A_202 = vector.broadcast %rsqrt3A_201 : vector<200x1xf32> to vector<200x128xf32>
    %mul3A_203 = arith.mulf %sub3A_190, %mul3A_202 : vector<200x128xf32>
    %mul3A_204 = vector.broadcast %get3A_179 : vector<1x128xf32> to vector<200x128xf32>
    %mul3A_205 = arith.mulf %mul3A_203, %mul3A_204 : vector<200x128xf32>
    %add3A_206 = vector.broadcast %get3A_182 : vector<1x128xf32> to vector<200x128xf32>
    %add3A_207 = arith.addf %mul3A_205, %add3A_206 : vector<200x128xf32>
    %max3A_208 = arith.constant 0.000000e+00 : f32
    %max3A_209 = vector.broadcast %max3A_208 : f32 to vector<200x128xf32>
    %max3A_210 = arith.maximumf %add3A_207, %max3A_209 : vector<200x128xf32>
    %get3A_211 = arith.constant 0 : index
    %get3A_212 = arith.constant 0 : index
    %get3A_213 = vector.load %arg21[%get3A_211, %get3A_212] : memref<128x128xf32, #tpu.memory_space<vmem>>, vector<128x128xf32>
    %dot_general3A_214 = arith.constant dense<0.000000e+00> : vector<200x128xf32>
    %dot_general3A_215 = tpu.matmul %max3A_210, %get3A_213, %dot_general3A_214 {dimension_numbers = #tpu.dot_dimension_numbers<[1], [0], [0], [1], [0, 0, 1, 1], [], []>, transpose_lhs_hint = false} : vector<200x128xf32>, vector<128x128xf32>, vector<200x128xf32> -> vector<200x128xf32>
    %get3A_216 = arith.constant 0 : index
    %get3A_217 = arith.constant 0 : index
    %get3A_218 = vector.load %arg22[%get3A_216, %get3A_217] : memref<1x128xf32, #tpu.memory_space<vmem>>, vector<1x128xf32>
    %add3A_219 = vector.broadcast %get3A_218 : vector<1x128xf32> to vector<200x128xf32>
    %add3A_220 = arith.addf %dot_general3A_215, %add3A_219 : vector<200x128xf32>
    %mul3A_221 = arith.constant 0.353553385 : f32
    %mul3A_222 = vector.broadcast %mul3A_221 : f32 to vector<200x128xf32>
    %mul3A_223 = arith.mulf %add3A_220, %mul3A_222 : vector<200x128xf32>
    %broadcast_in_dim3A_224 = vector.shape_cast %mul3A_223 : vector<200x128xf32> to vector<200x1x128xf32>
    %broadcast_in_dim3A_225 = vector.shape_cast %broadcast_in_dim3A_224 : vector<200x1x128xf32> to vector<200x1x128xf32>
    %broadcast_in_dim3A_226 = vector.broadcast %broadcast_in_dim3A_225 : vector<200x1x128xf32> to vector<200x16x128xf32>
    %reshape3A_227 = vector.shape_cast %broadcast_in_dim3A_226 : vector<200x16x128xf32> to vector<3200x128xf32>
    %mul3A_228 = arith.mulf %reshape3A_227, %add3A_154 : vector<3200x128xf32>
    %get3A_229 = arith.constant 0 : index
    %get3A_230 = arith.constant 0 : index
    %get3A_231 = vector.load %arg23[%get3A_229, %get3A_230] : memref<128x16xf32, #tpu.memory_space<vmem>>, vector<128x16xf32>
    %dot_general3A_232 = arith.constant dense<0.000000e+00> : vector<3200x16xf32>
    %dot_general3A_233 = tpu.matmul %mul3A_228, %get3A_231, %dot_general3A_232 {dimension_numbers = #tpu.dot_dimension_numbers<[1], [0], [0], [1], [0, 0, 1, 1], [], []>, transpose_lhs_hint = false} : vector<3200x128xf32>, vector<128x16xf32>, vector<3200x16xf32> -> vector<3200x16xf32>
    %reshape3A_234 = vector.shape_cast %dot_general3A_233 : vector<3200x16xf32> to vector<200x16x16xf32>
    %slice3A_235 = vector.extract_strided_slice %reshape3A_234 {offsets = [0, 0, 0], sizes = [200, 1, 16], strides = [1, 1, 1]} : vector<200x16x16xf32> to vector<200x1x16xf32>
    %squeeze3A = vector.shape_cast %slice3A_235 : vector<200x1x16xf32> to vector<200x16xf32>
    %slice3A_236 = vector.extract_strided_slice %reshape3A_234 {offsets = [0, 1, 0], sizes = [200, 1, 16], strides = [1, 1, 1]} : vector<200x16x16xf32> to vector<200x1x16xf32>
    %squeeze3A_237 = vector.shape_cast %slice3A_236 : vector<200x1x16xf32> to vector<200x16xf32>
    %max3A_238 = arith.maximumf %squeeze3A, %squeeze3A_237 : vector<200x16xf32>
    %slice3A_239 = vector.extract_strided_slice %reshape3A_234 {offsets = [0, 2, 0], sizes = [200, 1, 16], strides = [1, 1, 1]} : vector<200x16x16xf32> to vector<200x1x16xf32>
    %squeeze3A_240 = vector.shape_cast %slice3A_239 : vector<200x1x16xf32> to vector<200x16xf32>
    %max3A_241 = arith.maximumf %max3A_238, %squeeze3A_240 : vector<200x16xf32>
    %slice3A_242 = vector.extract_strided_slice %reshape3A_234 {offsets = [0, 3, 0], sizes = [200, 1, 16], strides = [1, 1, 1]} : vector<200x16x16xf32> to vector<200x1x16xf32>
    %squeeze3A_243 = vector.shape_cast %slice3A_242 : vector<200x1x16xf32> to vector<200x16xf32>
    %max3A_244 = arith.maximumf %max3A_241, %squeeze3A_243 : vector<200x16xf32>
    %slice3A_245 = vector.extract_strided_slice %reshape3A_234 {offsets = [0, 4, 0], sizes = [200, 1, 16], strides = [1, 1, 1]} : vector<200x16x16xf32> to vector<200x1x16xf32>
    %squeeze3A_246 = vector.shape_cast %slice3A_245 : vector<200x1x16xf32> to vector<200x16xf32>
    %max3A_247 = arith.maximumf %max3A_244, %squeeze3A_246 : vector<200x16xf32>
    %slice3A_248 = vector.extract_strided_slice %reshape3A_234 {offsets = [0, 5, 0], sizes = [200, 1, 16], strides = [1, 1, 1]} : vector<200x16x16xf32> to vector<200x1x16xf32>
    %squeeze3A_249 = vector.shape_cast %slice3A_248 : vector<200x1x16xf32> to vector<200x16xf32>
    %max3A_250 = arith.maximumf %max3A_247, %squeeze3A_249 : vector<200x16xf32>
    %slice3A_251 = vector.extract_strided_slice %reshape3A_234 {offsets = [0, 6, 0], sizes = [200, 1, 16], strides = [1, 1, 1]} : vector<200x16x16xf32> to vector<200x1x16xf32>
    %squeeze3A_252 = vector.shape_cast %slice3A_251 : vector<200x1x16xf32> to vector<200x16xf32>
    %max3A_253 = arith.maximumf %max3A_250, %squeeze3A_252 : vector<200x16xf32>
    %slice3A_254 = vector.extract_strided_slice %reshape3A_234 {offsets = [0, 7, 0], sizes = [200, 1, 16], strides = [1, 1, 1]} : vector<200x16x16xf32> to vector<200x1x16xf32>
    %squeeze3A_255 = vector.shape_cast %slice3A_254 : vector<200x1x16xf32> to vector<200x16xf32>
    %max3A_256 = arith.maximumf %max3A_253, %squeeze3A_255 : vector<200x16xf32>
    %slice3A_257 = vector.extract_strided_slice %reshape3A_234 {offsets = [0, 8, 0], sizes = [200, 1, 16], strides = [1, 1, 1]} : vector<200x16x16xf32> to vector<200x1x16xf32>
    %squeeze3A_258 = vector.shape_cast %slice3A_257 : vector<200x1x16xf32> to vector<200x16xf32>
    %max3A_259 = arith.maximumf %max3A_256, %squeeze3A_258 : vector<200x16xf32>
    %slice3A_260 = vector.extract_strided_slice %reshape3A_234 {offsets = [0, 9, 0], sizes = [200, 1, 16], strides = [1, 1, 1]} : vector<200x16x16xf32> to vector<200x1x16xf32>
    %squeeze3A_261 = vector.shape_cast %slice3A_260 : vector<200x1x16xf32> to vector<200x16xf32>
    %max3A_262 = arith.maximumf %max3A_259, %squeeze3A_261 : vector<200x16xf32>
    %slice3A_263 = vector.extract_strided_slice %reshape3A_234 {offsets = [0, 10, 0], sizes = [200, 1, 16], strides = [1, 1, 1]} : vector<200x16x16xf32> to vector<200x1x16xf32>
    %squeeze3A_264 = vector.shape_cast %slice3A_263 : vector<200x1x16xf32> to vector<200x16xf32>
    %max3A_265 = arith.maximumf %max3A_262, %squeeze3A_264 : vector<200x16xf32>
    %slice3A_266 = vector.extract_strided_slice %reshape3A_234 {offsets = [0, 11, 0], sizes = [200, 1, 16], strides = [1, 1, 1]} : vector<200x16x16xf32> to vector<200x1x16xf32>
    %squeeze3A_267 = vector.shape_cast %slice3A_266 : vector<200x1x16xf32> to vector<200x16xf32>
    %max3A_268 = arith.maximumf %max3A_265, %squeeze3A_267 : vector<200x16xf32>
    %slice3A_269 = vector.extract_strided_slice %reshape3A_234 {offsets = [0, 12, 0], sizes = [200, 1, 16], strides = [1, 1, 1]} : vector<200x16x16xf32> to vector<200x1x16xf32>
    %squeeze3A_270 = vector.shape_cast %slice3A_269 : vector<200x1x16xf32> to vector<200x16xf32>
    %max3A_271 = arith.maximumf %max3A_268, %squeeze3A_270 : vector<200x16xf32>
    %slice3A_272 = vector.extract_strided_slice %reshape3A_234 {offsets = [0, 13, 0], sizes = [200, 1, 16], strides = [1, 1, 1]} : vector<200x16x16xf32> to vector<200x1x16xf32>
    %squeeze3A_273 = vector.shape_cast %slice3A_272 : vector<200x1x16xf32> to vector<200x16xf32>
    %max3A_274 = arith.maximumf %max3A_271, %squeeze3A_273 : vector<200x16xf32>
    %slice3A_275 = vector.extract_strided_slice %reshape3A_234 {offsets = [0, 14, 0], sizes = [200, 1, 16], strides = [1, 1, 1]} : vector<200x16x16xf32> to vector<200x1x16xf32>
    %squeeze3A_276 = vector.shape_cast %slice3A_275 : vector<200x1x16xf32> to vector<200x16xf32>
    %max3A_277 = arith.maximumf %max3A_274, %squeeze3A_276 : vector<200x16xf32>
    %slice3A_278 = vector.extract_strided_slice %reshape3A_234 {offsets = [0, 15, 0], sizes = [200, 1, 16], strides = [1, 1, 1]} : vector<200x16x16xf32> to vector<200x1x16xf32>
    %squeeze3A_279 = vector.shape_cast %slice3A_278 : vector<200x1x16xf32> to vector<200x16xf32>
    %max3A_280 = arith.maximumf %max3A_277, %squeeze3A_279 : vector<200x16xf32>
    %broadcast_in_dim3A_281 = vector.shape_cast %max3A_280 : vector<200x16xf32> to vector<200x1x16xf32>
    %broadcast_in_dim3A_282 = vector.shape_cast %broadcast_in_dim3A_281 : vector<200x1x16xf32> to vector<200x1x16xf32>
    %broadcast_in_dim3A_283 = vector.broadcast %broadcast_in_dim3A_282 : vector<200x1x16xf32> to vector<200x16x16xf32>
    %reshape3A_284 = vector.shape_cast %broadcast_in_dim3A_283 : vector<200x16x16xf32> to vector<3200x16xf32>
    %sub3A_285 = arith.subf %dot_general3A_233, %reshape3A_284 : vector<3200x16xf32>
    %exp3A_286 = math.exp %sub3A_285 : vector<3200x16xf32>
    %reshape3A_287 = vector.shape_cast %exp3A_286 : vector<3200x16xf32> to vector<200x16x16xf32>
    %slice3A_288 = vector.extract_strided_slice %reshape3A_287 {offsets = [0, 0, 0], sizes = [200, 1, 16], strides = [1, 1, 1]} : vector<200x16x16xf32> to vector<200x1x16xf32>
    %squeeze3A_289 = vector.shape_cast %slice3A_288 : vector<200x1x16xf32> to vector<200x16xf32>
    %slice3A_290 = vector.extract_strided_slice %reshape3A_287 {offsets = [0, 1, 0], sizes = [200, 1, 16], strides = [1, 1, 1]} : vector<200x16x16xf32> to vector<200x1x16xf32>
    %squeeze3A_291 = vector.shape_cast %slice3A_290 : vector<200x1x16xf32> to vector<200x16xf32>
    %add3A_292 = arith.addf %squeeze3A_289, %squeeze3A_291 : vector<200x16xf32>
    %slice3A_293 = vector.extract_strided_slice %reshape3A_287 {offsets = [0, 2, 0], sizes = [200, 1, 16], strides = [1, 1, 1]} : vector<200x16x16xf32> to vector<200x1x16xf32>
    %squeeze3A_294 = vector.shape_cast %slice3A_293 : vector<200x1x16xf32> to vector<200x16xf32>
    %add3A_295 = arith.addf %add3A_292, %squeeze3A_294 : vector<200x16xf32>
    %slice3A_296 = vector.extract_strided_slice %reshape3A_287 {offsets = [0, 3, 0], sizes = [200, 1, 16], strides = [1, 1, 1]} : vector<200x16x16xf32> to vector<200x1x16xf32>
    %squeeze3A_297 = vector.shape_cast %slice3A_296 : vector<200x1x16xf32> to vector<200x16xf32>
    %add3A_298 = arith.addf %add3A_295, %squeeze3A_297 : vector<200x16xf32>
    %slice3A_299 = vector.extract_strided_slice %reshape3A_287 {offsets = [0, 4, 0], sizes = [200, 1, 16], strides = [1, 1, 1]} : vector<200x16x16xf32> to vector<200x1x16xf32>
    %squeeze3A_300 = vector.shape_cast %slice3A_299 : vector<200x1x16xf32> to vector<200x16xf32>
    %add3A_301 = arith.addf %add3A_298, %squeeze3A_300 : vector<200x16xf32>
    %slice3A_302 = vector.extract_strided_slice %reshape3A_287 {offsets = [0, 5, 0], sizes = [200, 1, 16], strides = [1, 1, 1]} : vector<200x16x16xf32> to vector<200x1x16xf32>
    %squeeze3A_303 = vector.shape_cast %slice3A_302 : vector<200x1x16xf32> to vector<200x16xf32>
    %add3A_304 = arith.addf %add3A_301, %squeeze3A_303 : vector<200x16xf32>
    %slice3A_305 = vector.extract_strided_slice %reshape3A_287 {offsets = [0, 6, 0], sizes = [200, 1, 16], strides = [1, 1, 1]} : vector<200x16x16xf32> to vector<200x1x16xf32>
    %squeeze3A_306 = vector.shape_cast %slice3A_305 : vector<200x1x16xf32> to vector<200x16xf32>
    %add3A_307 = arith.addf %add3A_304, %squeeze3A_306 : vector<200x16xf32>
    %slice3A_308 = vector.extract_strided_slice %reshape3A_287 {offsets = [0, 7, 0], sizes = [200, 1, 16], strides = [1, 1, 1]} : vector<200x16x16xf32> to vector<200x1x16xf32>
    %squeeze3A_309 = vector.shape_cast %slice3A_308 : vector<200x1x16xf32> to vector<200x16xf32>
    %add3A_310 = arith.addf %add3A_307, %squeeze3A_309 : vector<200x16xf32>
    %slice3A_311 = vector.extract_strided_slice %reshape3A_287 {offsets = [0, 8, 0], sizes = [200, 1, 16], strides = [1, 1, 1]} : vector<200x16x16xf32> to vector<200x1x16xf32>
    %squeeze3A_312 = vector.shape_cast %slice3A_311 : vector<200x1x16xf32> to vector<200x16xf32>
    %add3A_313 = arith.addf %add3A_310, %squeeze3A_312 : vector<200x16xf32>
    %slice3A_314 = vector.extract_strided_slice %reshape3A_287 {offsets = [0, 9, 0], sizes = [200, 1, 16], strides = [1, 1, 1]} : vector<200x16x16xf32> to vector<200x1x16xf32>
    %squeeze3A_315 = vector.shape_cast %slice3A_314 : vector<200x1x16xf32> to vector<200x16xf32>
    %add3A_316 = arith.addf %add3A_313, %squeeze3A_315 : vector<200x16xf32>
    %slice3A_317 = vector.extract_strided_slice %reshape3A_287 {offsets = [0, 10, 0], sizes = [200, 1, 16], strides = [1, 1, 1]} : vector<200x16x16xf32> to vector<200x1x16xf32>
    %squeeze3A_318 = vector.shape_cast %slice3A_317 : vector<200x1x16xf32> to vector<200x16xf32>
    %add3A_319 = arith.addf %add3A_316, %squeeze3A_318 : vector<200x16xf32>
    %slice3A_320 = vector.extract_strided_slice %reshape3A_287 {offsets = [0, 11, 0], sizes = [200, 1, 16], strides = [1, 1, 1]} : vector<200x16x16xf32> to vector<200x1x16xf32>
    %squeeze3A_321 = vector.shape_cast %slice3A_320 : vector<200x1x16xf32> to vector<200x16xf32>
    %add3A_322 = arith.addf %add3A_319, %squeeze3A_321 : vector<200x16xf32>
    %slice3A_323 = vector.extract_strided_slice %reshape3A_287 {offsets = [0, 12, 0], sizes = [200, 1, 16], strides = [1, 1, 1]} : vector<200x16x16xf32> to vector<200x1x16xf32>
    %squeeze3A_324 = vector.shape_cast %slice3A_323 : vector<200x1x16xf32> to vector<200x16xf32>
    %add3A_325 = arith.addf %add3A_322, %squeeze3A_324 : vector<200x16xf32>
    %slice3A_326 = vector.extract_strided_slice %reshape3A_287 {offsets = [0, 13, 0], sizes = [200, 1, 16], strides = [1, 1, 1]} : vector<200x16x16xf32> to vector<200x1x16xf32>
    %squeeze3A_327 = vector.shape_cast %slice3A_326 : vector<200x1x16xf32> to vector<200x16xf32>
    %add3A_328 = arith.addf %add3A_325, %squeeze3A_327 : vector<200x16xf32>
    %slice3A_329 = vector.extract_strided_slice %reshape3A_287 {offsets = [0, 14, 0], sizes = [200, 1, 16], strides = [1, 1, 1]} : vector<200x16x16xf32> to vector<200x1x16xf32>
    %squeeze3A_330 = vector.shape_cast %slice3A_329 : vector<200x1x16xf32> to vector<200x16xf32>
    %add3A_331 = arith.addf %add3A_328, %squeeze3A_330 : vector<200x16xf32>
    %slice3A_332 = vector.extract_strided_slice %reshape3A_287 {offsets = [0, 15, 0], sizes = [200, 1, 16], strides = [1, 1, 1]} : vector<200x16x16xf32> to vector<200x1x16xf32>
    %squeeze3A_333 = vector.shape_cast %slice3A_332 : vector<200x1x16xf32> to vector<200x16xf32>
    %add3A_334 = arith.addf %add3A_331, %squeeze3A_333 : vector<200x16xf32>
    %broadcast_in_dim3A_335 = vector.shape_cast %add3A_334 : vector<200x16xf32> to vector<200x1x16xf32>
    %broadcast_in_dim3A_336 = vector.shape_cast %broadcast_in_dim3A_335 : vector<200x1x16xf32> to vector<200x1x16xf32>
    %broadcast_in_dim3A_337 = vector.broadcast %broadcast_in_dim3A_336 : vector<200x1x16xf32> to vector<200x16x16xf32>
    %reshape3A_338 = vector.shape_cast %broadcast_in_dim3A_337 : vector<200x16x16xf32> to vector<3200x16xf32>
    %add3A_339 = arith.constant 1.000000e-16 : f32
    %add3A_340 = vector.broadcast %add3A_339 : f32 to vector<3200x16xf32>
    %add3A_341 = arith.addf %reshape3A_338, %add3A_340 : vector<3200x16xf32>
    %div3A_342 = arith.divf %exp3A_286, %add3A_341 : vector<3200x16xf32>
    %mul3A_343 = arith.mulf %div3A_342, %mul3A_166 : vector<3200x16xf32>
    %reduce_sum3A_344 = arith.constant dense<0.000000e+00> : vector<3200xf32>
    %reduce_sum3A_345 = vector.multi_reduction <add>, %mul3A_343, %reduce_sum3A_344 [1] : vector<3200x16xf32> to vector<3200xf32>
    %broadcast_in_dim3A_346 = vector.shape_cast %reduce_sum3A_345 : vector<3200xf32> to vector<3200x1xf32>
    %mul3A_347 = arith.constant 6.250000e-02 : f32
    %mul3A_348 = vector.broadcast %mul3A_347 : f32 to vector<3200x1xf32>
    %mul3A_349 = arith.mulf %broadcast_in_dim3A_346, %mul3A_348 : vector<3200x1xf32>
    %mul3A_350 = vector.broadcast %mul3A_349 : vector<3200x1xf32> to vector<3200x3xf32>
    %mul3A_351 = arith.mulf %mul3A_350, %sub3A : vector<3200x3xf32>
    %reshape3A_352 = vector.shape_cast %mul3A_351 : vector<3200x3xf32> to vector<200x16x3xf32>
    %slice3A_353 = vector.extract_strided_slice %reshape3A_352 {offsets = [0, 0, 0], sizes = [200, 1, 3], strides = [1, 1, 1]} : vector<200x16x3xf32> to vector<200x1x3xf32>
    %squeeze3A_354 = vector.shape_cast %slice3A_353 : vector<200x1x3xf32> to vector<200x3xf32>
    %slice3A_355 = vector.extract_strided_slice %reshape3A_352 {offsets = [0, 1, 0], sizes = [200, 1, 3], strides = [1, 1, 1]} : vector<200x16x3xf32> to vector<200x1x3xf32>
    %squeeze3A_356 = vector.shape_cast %slice3A_355 : vector<200x1x3xf32> to vector<200x3xf32>
    %add3A_357 = arith.addf %squeeze3A_354, %squeeze3A_356 : vector<200x3xf32>
    %slice3A_358 = vector.extract_strided_slice %reshape3A_352 {offsets = [0, 2, 0], sizes = [200, 1, 3], strides = [1, 1, 1]} : vector<200x16x3xf32> to vector<200x1x3xf32>
    %squeeze3A_359 = vector.shape_cast %slice3A_358 : vector<200x1x3xf32> to vector<200x3xf32>
    %add3A_360 = arith.addf %add3A_357, %squeeze3A_359 : vector<200x3xf32>
    %slice3A_361 = vector.extract_strided_slice %reshape3A_352 {offsets = [0, 3, 0], sizes = [200, 1, 3], strides = [1, 1, 1]} : vector<200x16x3xf32> to vector<200x1x3xf32>
    %squeeze3A_362 = vector.shape_cast %slice3A_361 : vector<200x1x3xf32> to vector<200x3xf32>
    %add3A_363 = arith.addf %add3A_360, %squeeze3A_362 : vector<200x3xf32>
    %slice3A_364 = vector.extract_strided_slice %reshape3A_352 {offsets = [0, 4, 0], sizes = [200, 1, 3], strides = [1, 1, 1]} : vector<200x16x3xf32> to vector<200x1x3xf32>
    %squeeze3A_365 = vector.shape_cast %slice3A_364 : vector<200x1x3xf32> to vector<200x3xf32>
    %add3A_366 = arith.addf %add3A_363, %squeeze3A_365 : vector<200x3xf32>
    %slice3A_367 = vector.extract_strided_slice %reshape3A_352 {offsets = [0, 5, 0], sizes = [200, 1, 3], strides = [1, 1, 1]} : vector<200x16x3xf32> to vector<200x1x3xf32>
    %squeeze3A_368 = vector.shape_cast %slice3A_367 : vector<200x1x3xf32> to vector<200x3xf32>
    %add3A_369 = arith.addf %add3A_366, %squeeze3A_368 : vector<200x3xf32>
    %slice3A_370 = vector.extract_strided_slice %reshape3A_352 {offsets = [0, 6, 0], sizes = [200, 1, 3], strides = [1, 1, 1]} : vector<200x16x3xf32> to vector<200x1x3xf32>
    %squeeze3A_371 = vector.shape_cast %slice3A_370 : vector<200x1x3xf32> to vector<200x3xf32>
    %add3A_372 = arith.addf %add3A_369, %squeeze3A_371 : vector<200x3xf32>
    %slice3A_373 = vector.extract_strided_slice %reshape3A_352 {offsets = [0, 7, 0], sizes = [200, 1, 3], strides = [1, 1, 1]} : vector<200x16x3xf32> to vector<200x1x3xf32>
    %squeeze3A_374 = vector.shape_cast %slice3A_373 : vector<200x1x3xf32> to vector<200x3xf32>
    %add3A_375 = arith.addf %add3A_372, %squeeze3A_374 : vector<200x3xf32>
    %slice3A_376 = vector.extract_strided_slice %reshape3A_352 {offsets = [0, 8, 0], sizes = [200, 1, 3], strides = [1, 1, 1]} : vector<200x16x3xf32> to vector<200x1x3xf32>
    %squeeze3A_377 = vector.shape_cast %slice3A_376 : vector<200x1x3xf32> to vector<200x3xf32>
    %add3A_378 = arith.addf %add3A_375, %squeeze3A_377 : vector<200x3xf32>
    %slice3A_379 = vector.extract_strided_slice %reshape3A_352 {offsets = [0, 9, 0], sizes = [200, 1, 3], strides = [1, 1, 1]} : vector<200x16x3xf32> to vector<200x1x3xf32>
    %squeeze3A_380 = vector.shape_cast %slice3A_379 : vector<200x1x3xf32> to vector<200x3xf32>
    %add3A_381 = arith.addf %add3A_378, %squeeze3A_380 : vector<200x3xf32>
    %slice3A_382 = vector.extract_strided_slice %reshape3A_352 {offsets = [0, 10, 0], sizes = [200, 1, 3], strides = [1, 1, 1]} : vector<200x16x3xf32> to vector<200x1x3xf32>
    %squeeze3A_383 = vector.shape_cast %slice3A_382 : vector<200x1x3xf32> to vector<200x3xf32>
    %add3A_384 = arith.addf %add3A_381, %squeeze3A_383 : vector<200x3xf32>
    %slice3A_385 = vector.extract_strided_slice %reshape3A_352 {offsets = [0, 11, 0], sizes = [200, 1, 3], strides = [1, 1, 1]} : vector<200x16x3xf32> to vector<200x1x3xf32>
    %squeeze3A_386 = vector.shape_cast %slice3A_385 : vector<200x1x3xf32> to vector<200x3xf32>
    %add3A_387 = arith.addf %add3A_384, %squeeze3A_386 : vector<200x3xf32>
    %slice3A_388 = vector.extract_strided_slice %reshape3A_352 {offsets = [0, 12, 0], sizes = [200, 1, 3], strides = [1, 1, 1]} : vector<200x16x3xf32> to vector<200x1x3xf32>
    %squeeze3A_389 = vector.shape_cast %slice3A_388 : vector<200x1x3xf32> to vector<200x3xf32>
    %add3A_390 = arith.addf %add3A_387, %squeeze3A_389 : vector<200x3xf32>
    %slice3A_391 = vector.extract_strided_slice %reshape3A_352 {offsets = [0, 13, 0], sizes = [200, 1, 3], strides = [1, 1, 1]} : vector<200x16x3xf32> to vector<200x1x3xf32>
    %squeeze3A_392 = vector.shape_cast %slice3A_391 : vector<200x1x3xf32> to vector<200x3xf32>
    %add3A_393 = arith.addf %add3A_390, %squeeze3A_392 : vector<200x3xf32>
    %slice3A_394 = vector.extract_strided_slice %reshape3A_352 {offsets = [0, 14, 0], sizes = [200, 1, 3], strides = [1, 1, 1]} : vector<200x16x3xf32> to vector<200x1x3xf32>
    %squeeze3A_395 = vector.shape_cast %slice3A_394 : vector<200x1x3xf32> to vector<200x3xf32>
    %add3A_396 = arith.addf %add3A_393, %squeeze3A_395 : vector<200x3xf32>
    %slice3A_397 = vector.extract_strided_slice %reshape3A_352 {offsets = [0, 15, 0], sizes = [200, 1, 3], strides = [1, 1, 1]} : vector<200x16x3xf32> to vector<200x1x3xf32>
    %squeeze3A_398 = vector.shape_cast %slice3A_397 : vector<200x1x3xf32> to vector<200x3xf32>
    %add3A_399 = arith.addf %add3A_396, %squeeze3A_398 : vector<200x3xf32>
    %slice3A_400 = vector.extract_strided_slice %get3A_1 {offsets = [0, 0], sizes = [200, 3], strides = [1, 1]} : vector<200x16xf32> to vector<200x3xf32>
    %slice3A_401 = vector.extract_strided_slice %get3A_1 {offsets = [0, 3], sizes = [200, 1], strides = [1, 1]} : vector<200x16xf32> to vector<200x1xf32>
    %mul3A_402 = vector.broadcast %slice3A_401 : vector<200x1xf32> to vector<200x3xf32>
    %mul3A_403 = arith.mulf %add3A_399, %mul3A_402 : vector<200x3xf32>
    %add3A_404 = arith.addf %slice3A_400, %mul3A_403 : vector<200x3xf32>
    %swap3A = arith.constant 0 : index
    %swap3A_405 = arith.constant 0 : index
    %swap3A_406 = vector.load %arg24[%swap3A, %swap3A_405] : memref<200x3xf32, #tpu.memory_space<vmem>>, vector<200x3xf32>
    tpu.vector_store %arg24[%swap3A, %swap3A_405], %add3A_404 {strides = array<i32>} : memref<200x3xf32, #tpu.memory_space<vmem>>, vector<200x3xf32>,
    return
  }
  func.func @transform_0(%arg0: i32) -> (i32, i32) {
    %c0_i32 = arith.constant 0 : i32
    %c0_i32_0 = arith.constant 0 : i32
    return %arg0, %c0_i32 : i32, i32
  }
  func.func @transform_1(%arg0: i32) -> (i32, i32) {
    %c0_i32 = arith.constant 0 : i32
    %c0_i32_0 = arith.constant 0 : i32
    return %arg0, %c0_i32 : i32, i32
  }
  func.func @transform_2(%arg0: i32) -> (i32, i32) {
    %c0_i32 = arith.constant 0 : i32
    %c0_i32_0 = arith.constant 0 : i32
    return %arg0, %c0_i32 : i32, i32
  }
  func.func @transform_3(%arg0: i32) -> (i32, i32) {
    %c0_i32 = arith.constant 0 : i32
    %c0_i32_0 = arith.constant 0 : i32
    return %arg0, %c0_i32 : i32, i32
  }
  func.func @transform_4(%arg0: i32) -> (i32, i32) {
    %c0_i32 = arith.constant 0 : i32
    %c0_i32_0 = arith.constant 0 : i32
    return %arg0, %c0_i32 : i32, i32
  }
  func.func @transform_5(%arg0: i32) -> (i32, i32) {
    %c0_i32 = arith.constant 0 : i32
    %c0_i32_0 = arith.constant 0 : i32
    %c0_i32_1 = arith.constant 0 : i32
    return %c0_i32, %c0_i32_0 : i32, i32
  }
  func.func @transform_6(%arg0: i32) -> (i32, i32) {
    %c0_i32 = arith.constant 0 : i32
    %c0_i32_0 = arith.constant 0 : i32
    %c0_i32_1 = arith.constant 0 : i32
    return %c0_i32, %c0_i32_0 : i32, i32
  }
  func.func @transform_7(%arg0: i32) -> (i32, i32) {
    %c0_i32 = arith.constant 0 : i32
    %c0_i32_0 = arith.constant 0 : i32
    %c0_i32_1 = arith.constant 0 : i32
    return %c0_i32, %c0_i32_0 : i32, i32
  }
  func.func @transform_8(%arg0: i32) -> (i32, i32) {
    %c0_i32 = arith.constant 0 : i32
    %c0_i32_0 = arith.constant 0 : i32
    %c0_i32_1 = arith.constant 0 : i32
    return %c0_i32, %c0_i32_0 : i32, i32
  }
  func.func @transform_9(%arg0: i32) -> (i32, i32) {
    %c0_i32 = arith.constant 0 : i32
    %c0_i32_0 = arith.constant 0 : i32
    %c0_i32_1 = arith.constant 0 : i32
    return %c0_i32, %c0_i32_0 : i32, i32
  }
  func.func @transform_10(%arg0: i32) -> (i32, i32) {
    %c0_i32 = arith.constant 0 : i32
    %c0_i32_0 = arith.constant 0 : i32
    %c0_i32_1 = arith.constant 0 : i32
    return %c0_i32, %c0_i32_0 : i32, i32
  }
  func.func @transform_11(%arg0: i32) -> (i32, i32) {
    %c0_i32 = arith.constant 0 : i32
    %c0_i32_0 = arith.constant 0 : i32
    %c0_i32_1 = arith.constant 0 : i32
    return %c0_i32, %c0_i32_0 : i32, i32
  }
  func.func @transform_12(%arg0: i32) -> (i32, i32) {
    %c0_i32 = arith.constant 0 : i32
    %c0_i32_0 = arith.constant 0 : i32
    %c0_i32_1 = arith.constant 0 : i32
    return %c0_i32, %c0_i32_0 : i32, i32
  }
  func.func @transform_13(%arg0: i32) -> (i32, i32) {
    %c0_i32 = arith.constant 0 : i32
    %c0_i32_0 = arith.constant 0 : i32
    %c0_i32_1 = arith.constant 0 : i32
    return %c0_i32, %c0_i32_0 : i32, i32
  }
  func.func @transform_14(%arg0: i32) -> (i32, i32) {
    %c0_i32 = arith.constant 0 : i32
    %c0_i32_0 = arith.constant 0 : i32
    %c0_i32_1 = arith.constant 0 : i32
    return %c0_i32, %c0_i32_0 : i32, i32
  }
  func.func @transform_15(%arg0: i32) -> (i32, i32) {
    %c0_i32 = arith.constant 0 : i32
    %c0_i32_0 = arith.constant 0 : i32
    %c0_i32_1 = arith.constant 0 : i32
    return %c0_i32, %c0_i32_0 : i32, i32
  }
  func.func @transform_16(%arg0: i32) -> (i32, i32) {
    %c0_i32 = arith.constant 0 : i32
    %c0_i32_0 = arith.constant 0 : i32
    %c0_i32_1 = arith.constant 0 : i32
    return %c0_i32, %c0_i32_0 : i32, i32
  }
  func.func @transform_17(%arg0: i32) -> (i32, i32) {
    %c0_i32 = arith.constant 0 : i32
    %c0_i32_0 = arith.constant 0 : i32
    %c0_i32_1 = arith.constant 0 : i32
    return %c0_i32, %c0_i32_0 : i32, i32
  }
  func.func @transform_18(%arg0: i32) -> (i32, i32) {
    %c0_i32 = arith.constant 0 : i32
    %c0_i32_0 = arith.constant 0 : i32
    %c0_i32_1 = arith.constant 0 : i32
    return %c0_i32, %c0_i32_0 : i32, i32
  }
  func.func @transform_19(%arg0: i32) -> (i32, i32) {
    %c0_i32 = arith.constant 0 : i32
    %c0_i32_0 = arith.constant 0 : i32
    %c0_i32_1 = arith.constant 0 : i32
    return %c0_i32, %c0_i32_0 : i32, i32
  }
  func.func @transform_20(%arg0: i32) -> (i32, i32) {
    %c0_i32 = arith.constant 0 : i32
    %c0_i32_0 = arith.constant 0 : i32
    %c0_i32_1 = arith.constant 0 : i32
    return %c0_i32, %c0_i32_0 : i32, i32
  }
  func.func @transform_21(%arg0: i32) -> (i32, i32) {
    %c0_i32 = arith.constant 0 : i32
    %c0_i32_0 = arith.constant 0 : i32
    %c0_i32_1 = arith.constant 0 : i32
    return %c0_i32, %c0_i32_0 : i32, i32
  }
  func.func @transform_22(%arg0: i32) -> (i32, i32) {
    %c0_i32 = arith.constant 0 : i32
    %c0_i32_0 = arith.constant 0 : i32
    %c0_i32_1 = arith.constant 0 : i32
    return %c0_i32, %c0_i32_0 : i32, i32
  }
  func.func @transform_23(%arg0: i32) -> (i32, i32) {
    %c0_i32 = arith.constant 0 : i32
    %c0_i32_0 = arith.constant 0 : i32
    return %arg0, %c0_i32 : i32, i32
  }
}

module attributes {stable_mosaic.version = 14 : i64} {
  func.func @_xh_body(%arg0: i32, %arg1: memref<200x16xf32, #tpu.memory_space<vmem>>, %arg2: memref<3200x16xf32, #tpu.memory_space<vmem>>, %arg3: memref<200x128xf32, #tpu.memory_space<vmem>>, %arg4: memref<3200x128xf32, #tpu.memory_space<vmem>>, %arg5: memref<3200x1xf32, #tpu.memory_space<vmem>>, %arg6: memref<1x20xf32, #tpu.memory_space<vmem>>, %arg7: memref<84x256xf32, #tpu.memory_space<vmem>>, %arg8: memref<128x256xf32, #tpu.memory_space<vmem>>, %arg9: memref<128x256xf32, #tpu.memory_space<vmem>>, %arg10: memref<1x256xf32, #tpu.memory_space<vmem>>, %arg11: memref<1x256xf32, #tpu.memory_space<vmem>>, %arg12: memref<1x256xf32, #tpu.memory_space<vmem>>, %arg13: memref<128x128xf32, #tpu.memory_space<vmem>>, %arg14: memref<1x128xf32, #tpu.memory_space<vmem>>, %arg15: memref<128x128xf32, #tpu.memory_space<vmem>>, %arg16: memref<1x128xf32, #tpu.memory_space<vmem>>, %arg17: memref<128x128xf32, #tpu.memory_space<vmem>>, %arg18: memref<1x128xf32, #tpu.memory_space<vmem>>, %arg19: memref<1x128xf32, #tpu.memory_space<vmem>>, %arg20: memref<1x128xf32, #tpu.memory_space<vmem>>, %arg21: memref<128x128xf32, #tpu.memory_space<vmem>>, %arg22: memref<1x128xf32, #tpu.memory_space<vmem>>, %arg23: memref<128x128xf32, #tpu.memory_space<vmem>>, %arg24: memref<128x128xf32, #tpu.memory_space<vmem>>, %arg25: memref<1x128xf32, #tpu.memory_space<vmem>>, %arg26: memref<1x128xf32, #tpu.memory_space<vmem>>, %arg27: memref<1x128xf32, #tpu.memory_space<vmem>>, %arg28: memref<128x128xf32, #tpu.memory_space<vmem>>, %arg29: memref<1x128xf32, #tpu.memory_space<vmem>>, %arg30: memref<128x16xf32, #tpu.memory_space<vmem>>, %arg31: memref<16x128xf32, #tpu.memory_space<vmem>>, %arg32: memref<200x128xf32, #tpu.memory_space<vmem>>) attributes {dimension_semantics = [#tpu.dimension_semantics<arbitrary>], iteration_bounds = array<i64: 50>, scalar_prefetch = 0 : i64, scratch_operands = 0 : i64, tpu.core_type = #tpu.core_type<tc>, window_params = [{transform_indices = @transform_0, window_bounds = array<i64: 200, 16>}, {transform_indices = @transform_1, window_bounds = array<i64: 3200, 16>}, {transform_indices = @transform_2, window_bounds = array<i64: 200, 128>}, {transform_indices = @transform_3, window_bounds = array<i64: 3200, 128>}, {transform_indices = @transform_4, window_bounds = array<i64: 3200, 1>}, {pipeline_mode = #tpu.pipeline_mode<synchronous>, transform_indices = @transform_5, window_bounds = array<i64: 1, 20>}, {pipeline_mode = #tpu.pipeline_mode<synchronous>, transform_indices = @transform_6, window_bounds = array<i64: 84, 256>}, {pipeline_mode = #tpu.pipeline_mode<synchronous>, transform_indices = @transform_7, window_bounds = array<i64: 128, 256>}, {pipeline_mode = #tpu.pipeline_mode<synchronous>, transform_indices = @transform_8, window_bounds = array<i64: 128, 256>}, {pipeline_mode = #tpu.pipeline_mode<synchronous>, transform_indices = @transform_9, window_bounds = array<i64: 1, 256>}, {pipeline_mode = #tpu.pipeline_mode<synchronous>, transform_indices = @transform_10, window_bounds = array<i64: 1, 256>}, {pipeline_mode = #tpu.pipeline_mode<synchronous>, transform_indices = @transform_11, window_bounds = array<i64: 1, 256>}, {pipeline_mode = #tpu.pipeline_mode<synchronous>, transform_indices = @transform_12, window_bounds = array<i64: 128, 128>}, {pipeline_mode = #tpu.pipeline_mode<synchronous>, transform_indices = @transform_13, window_bounds = array<i64: 1, 128>}, {pipeline_mode = #tpu.pipeline_mode<synchronous>, transform_indices = @transform_14, window_bounds = array<i64: 128, 128>}, {pipeline_mode = #tpu.pipeline_mode<synchronous>, transform_indices = @transform_15, window_bounds = array<i64: 1, 128>}, {pipeline_mode = #tpu.pipeline_mode<synchronous>, transform_indices = @transform_16, window_bounds = array<i64: 128, 128>}, {pipeline_mode = #tpu.pipeline_mode<synchronous>, transform_indices = @transform_17, window_bounds = array<i64: 1, 128>}, {pipeline_mode = #tpu.pipeline_mode<synchronous>, transform_indices = @transform_18, window_bounds = array<i64: 1, 128>}, {pipeline_mode = #tpu.pipeline_mode<synchronous>, transform_indices = @transform_19, window_bounds = array<i64: 1, 128>}, {pipeline_mode = #tpu.pipeline_mode<synchronous>, transform_indices = @transform_20, window_bounds = array<i64: 128, 128>}, {pipeline_mode = #tpu.pipeline_mode<synchronous>, transform_indices = @transform_21, window_bounds = array<i64: 1, 128>}, {pipeline_mode = #tpu.pipeline_mode<synchronous>, transform_indices = @transform_22, window_bounds = array<i64: 128, 128>}, {pipeline_mode = #tpu.pipeline_mode<synchronous>, transform_indices = @transform_23, window_bounds = array<i64: 128, 128>}, {pipeline_mode = #tpu.pipeline_mode<synchronous>, transform_indices = @transform_24, window_bounds = array<i64: 1, 128>}, {pipeline_mode = #tpu.pipeline_mode<synchronous>, transform_indices = @transform_25, window_bounds = array<i64: 1, 128>}, {pipeline_mode = #tpu.pipeline_mode<synchronous>, transform_indices = @transform_26, window_bounds = array<i64: 1, 128>}, {pipeline_mode = #tpu.pipeline_mode<synchronous>, transform_indices = @transform_27, window_bounds = array<i64: 128, 128>}, {pipeline_mode = #tpu.pipeline_mode<synchronous>, transform_indices = @transform_28, window_bounds = array<i64: 1, 128>}, {pipeline_mode = #tpu.pipeline_mode<synchronous>, transform_indices = @transform_29, window_bounds = array<i64: 128, 16>}, {pipeline_mode = #tpu.pipeline_mode<synchronous>, transform_indices = @transform_30, window_bounds = array<i64: 16, 128>}, {transform_indices = @transform_31, window_bounds = array<i64: 200, 128>}]} {
    %get3A = arith.constant 0 : index
    %get3A_0 = arith.constant 0 : index
    %get3A_1 = vector.load %arg1[%get3A, %get3A_0] : memref<200x16xf32, #tpu.memory_space<vmem>>, vector<200x16xf32>
    %broadcast_in_dim3A = vector.shape_cast %get3A_1 : vector<200x16xf32> to vector<200x1x16xf32>
    %broadcast_in_dim3A_2 = vector.shape_cast %broadcast_in_dim3A : vector<200x1x16xf32> to vector<200x1x16xf32>
    %broadcast_in_dim3A_3 = vector.broadcast %broadcast_in_dim3A_2 : vector<200x1x16xf32> to vector<200x16x16xf32>
    %reshape3A = vector.shape_cast %broadcast_in_dim3A_3 : vector<200x16x16xf32> to vector<3200x16xf32>
    %get3A_4 = arith.constant 0 : index
    %get3A_5 = arith.constant 0 : index
    %get3A_6 = vector.load %arg2[%get3A_4, %get3A_5] : memref<3200x16xf32, #tpu.memory_space<vmem>>, vector<3200x16xf32>
    %slice3A = vector.extract_strided_slice %reshape3A {offsets = [0, 0], sizes = [3200, 3], strides = [1, 1]} : vector<3200x16xf32> to vector<3200x3xf32>
    %slice3A_7 = vector.extract_strided_slice %get3A_6 {offsets = [0, 0], sizes = [3200, 3], strides = [1, 1]} : vector<3200x16xf32> to vector<3200x3xf32>
    %sub3A = arith.subf %slice3A, %slice3A_7 : vector<3200x3xf32>
    %slice3A_8 = vector.extract_strided_slice %reshape3A {offsets = [0, 3], sizes = [3200, 1], strides = [1, 1]} : vector<3200x16xf32> to vector<3200x1xf32>
    %slice3A_9 = vector.extract_strided_slice %get3A_6 {offsets = [0, 3], sizes = [3200, 1], strides = [1, 1]} : vector<3200x16xf32> to vector<3200x1xf32>
    %mul3A = arith.mulf %sub3A, %sub3A : vector<3200x3xf32>
    %reduce_sum3A = arith.constant dense<0.000000e+00> : vector<3200xf32>
    %reduce_sum3A_10 = vector.multi_reduction <add>, %mul3A, %reduce_sum3A [1] : vector<3200x3xf32> to vector<3200xf32>
    %broadcast_in_dim3A_11 = vector.shape_cast %reduce_sum3A_10 : vector<3200xf32> to vector<3200x1xf32>
    %sqrt3A = math.sqrt %broadcast_in_dim3A_11 : vector<3200x1xf32>
    %get3A_12 = arith.constant 0 : index
    %get3A_13 = arith.constant 0 : index
    %get3A_14 = vector.load %arg6[%get3A_12, %get3A_13] : memref<1x20xf32, #tpu.memory_space<vmem>>, vector<1x20xf32>
    %sub3A_15 = vector.broadcast %sqrt3A : vector<3200x1xf32> to vector<3200x20xf32>
    %sub3A_16 = vector.broadcast %get3A_14 : vector<1x20xf32> to vector<3200x20xf32>
    %sub3A_17 = arith.subf %sub3A_15, %sub3A_16 : vector<3200x20xf32>
    %integer_pow3A = arith.mulf %sub3A_17, %sub3A_17 : vector<3200x20xf32>
    %mul3A_18 = arith.constant -1.805000e+00 : f32
    %mul3A_19 = vector.broadcast %mul3A_18 : f32 to vector<3200x20xf32>
    %mul3A_20 = arith.mulf %mul3A_19, %integer_pow3A : vector<3200x20xf32>
    %exp3A = math.exp %mul3A_20 : vector<3200x20xf32>
    %mul3A_21 = arith.mulf %slice3A_9, %slice3A_8 : vector<3200x1xf32>
    %sub3A_22 = arith.constant 1.000000e+00 : f32
    %sub3A_23 = vector.broadcast %sub3A_22 : f32 to vector<3200x1xf32>
    %sub3A_24 = arith.subf %sub3A_23, %slice3A_8 : vector<3200x1xf32>
    %mul3A_25 = arith.mulf %slice3A_9, %sub3A_24 : vector<3200x1xf32>
    %sub3A_26 = arith.constant 1.000000e+00 : f32
    %sub3A_27 = vector.broadcast %sub3A_26 : f32 to vector<3200x1xf32>
    %sub3A_28 = arith.subf %sub3A_27, %slice3A_9 : vector<3200x1xf32>
    %mul3A_29 = arith.mulf %sub3A_28, %slice3A_8 : vector<3200x1xf32>
    %sub3A_30 = arith.constant 1.000000e+00 : f32
    %sub3A_31 = vector.broadcast %sub3A_30 : f32 to vector<3200x1xf32>
    %sub3A_32 = arith.subf %sub3A_31, %slice3A_9 : vector<3200x1xf32>
    %sub3A_33 = arith.constant 1.000000e+00 : f32
    %sub3A_34 = vector.broadcast %sub3A_33 : f32 to vector<3200x1xf32>
    %sub3A_35 = arith.subf %sub3A_34, %slice3A_8 : vector<3200x1xf32>
    %mul3A_36 = arith.mulf %sub3A_32, %sub3A_35 : vector<3200x1xf32>
    %mul3A_37 = vector.broadcast %mul3A_21 : vector<3200x1xf32> to vector<3200x20xf32>
    %mul3A_38 = arith.mulf %mul3A_37, %exp3A : vector<3200x20xf32>
    %mul3A_39 = vector.broadcast %mul3A_25 : vector<3200x1xf32> to vector<3200x20xf32>
    %mul3A_40 = arith.mulf %mul3A_39, %exp3A : vector<3200x20xf32>
    %mul3A_41 = vector.broadcast %mul3A_29 : vector<3200x1xf32> to vector<3200x20xf32>
    %mul3A_42 = arith.mulf %mul3A_41, %exp3A : vector<3200x20xf32>
    %mul3A_43 = vector.broadcast %mul3A_36 : vector<3200x1xf32> to vector<3200x20xf32>
    %mul3A_44 = arith.mulf %mul3A_43, %exp3A : vector<3200x20xf32>
    %concatenate3A = tpu.concatenate %mul3A_21, %mul3A_25, %mul3A_29, %mul3A_36, %mul3A_38, %mul3A_40, %mul3A_42, %mul3A_44 in 1 : vector<3200x1xf32>, vector<3200x1xf32>, vector<3200x1xf32>, vector<3200x1xf32>, vector<3200x20xf32>, vector<3200x20xf32>, vector<3200x20xf32>, vector<3200x20xf32> -> vector<3200x84xf32>
    %get3A_45 = arith.constant 0 : index
    %get3A_46 = arith.constant 0 : index
    %get3A_47 = vector.load %arg5[%get3A_45, %get3A_46] : memref<3200x1xf32, #tpu.memory_space<vmem>>, vector<3200x1xf32>
    %get3A_48 = arith.constant 0 : index
    %get3A_49 = arith.constant 0 : index
    %get3A_50 = vector.load %arg3[%get3A_48, %get3A_49] : memref<200x128xf32, #tpu.memory_space<vmem>>, vector<200x128xf32>
    %get3A_51 = arith.constant 0 : index
    %get3A_52 = arith.constant 0 : index
    %get3A_53 = vector.load %arg8[%get3A_51, %get3A_52] : memref<128x256xf32, #tpu.memory_space<vmem>>, vector<128x256xf32>
    %dot_general3A = arith.constant dense<0.000000e+00> : vector<200x256xf32>
    %dot_general3A_54 = tpu.matmul %get3A_50, %get3A_53, %dot_general3A {dimension_numbers = #tpu.dot_dimension_numbers<[1], [0], [0], [1], [0, 0, 1, 1], [], []>, transpose_lhs_hint = false} : vector<200x128xf32>, vector<128x256xf32>, vector<200x256xf32> -> vector<200x256xf32>
    %get3A_55 = arith.constant 0 : index
    %get3A_56 = arith.constant 0 : index
    %get3A_57 = vector.load %arg7[%get3A_55, %get3A_56] : memref<84x256xf32, #tpu.memory_space<vmem>>, vector<84x256xf32>
    %dot_general3A_58 = arith.constant dense<0.000000e+00> : vector<3200x256xf32>
    %dot_general3A_59 = tpu.matmul %concatenate3A, %get3A_57, %dot_general3A_58 {dimension_numbers = #tpu.dot_dimension_numbers<[1], [0], [0], [1], [0, 0, 1, 1], [], []>, transpose_lhs_hint = false} : vector<3200x84xf32>, vector<84x256xf32>, vector<3200x256xf32> -> vector<3200x256xf32>
    %broadcast_in_dim3A_60 = vector.shape_cast %dot_general3A_54 : vector<200x256xf32> to vector<200x1x256xf32>
    %broadcast_in_dim3A_61 = vector.shape_cast %broadcast_in_dim3A_60 : vector<200x1x256xf32> to vector<200x1x256xf32>
    %broadcast_in_dim3A_62 = vector.broadcast %broadcast_in_dim3A_61 : vector<200x1x256xf32> to vector<200x16x256xf32>
    %reshape3A_63 = vector.shape_cast %broadcast_in_dim3A_62 : vector<200x16x256xf32> to vector<3200x256xf32>
    %add3A = arith.addf %dot_general3A_59, %reshape3A_63 : vector<3200x256xf32>
    %get3A_64 = arith.constant 0 : index
    %get3A_65 = arith.constant 0 : index
    %get3A_66 = vector.load %arg4[%get3A_64, %get3A_65] : memref<3200x128xf32, #tpu.memory_space<vmem>>, vector<3200x128xf32>
    %get3A_67 = arith.constant 0 : index
    %get3A_68 = arith.constant 0 : index
    %get3A_69 = vector.load %arg9[%get3A_67, %get3A_68] : memref<128x256xf32, #tpu.memory_space<vmem>>, vector<128x256xf32>
    %dot_general3A_70 = arith.constant dense<0.000000e+00> : vector<3200x256xf32>
    %dot_general3A_71 = tpu.matmul %get3A_66, %get3A_69, %dot_general3A_70 {dimension_numbers = #tpu.dot_dimension_numbers<[1], [0], [0], [1], [0, 0, 1, 1], [], []>, transpose_lhs_hint = false} : vector<3200x128xf32>, vector<128x256xf32>, vector<3200x256xf32> -> vector<3200x256xf32>
    %add3A_72 = arith.addf %add3A, %dot_general3A_71 : vector<3200x256xf32>
    %get3A_73 = arith.constant 0 : index
    %get3A_74 = arith.constant 0 : index
    %get3A_75 = vector.load %arg10[%get3A_73, %get3A_74] : memref<1x256xf32, #tpu.memory_space<vmem>>, vector<1x256xf32>
    %add3A_76 = vector.broadcast %get3A_75 : vector<1x256xf32> to vector<3200x256xf32>
    %add3A_77 = arith.addf %add3A_72, %add3A_76 : vector<3200x256xf32>
    %slice3A_78 = vector.extract_strided_slice %add3A_77 {offsets = [0, 0], sizes = [3200, 128], strides = [1, 1]} : vector<3200x256xf32> to vector<3200x128xf32>
    %get3A_79 = arith.constant 0 : index
    %get3A_80 = arith.constant 0 : index
    %get3A_81 = vector.load %arg11[%get3A_79, %get3A_80] : memref<1x256xf32, #tpu.memory_space<vmem>>, vector<1x128xf32>
    %get3A_82 = arith.constant 0 : index
    %get3A_83 = arith.constant 0 : index
    %get3A_84 = vector.load %arg12[%get3A_82, %get3A_83] : memref<1x256xf32, #tpu.memory_space<vmem>>, vector<1x128xf32>
    %reduce_sum3A_85 = arith.constant dense<0.000000e+00> : vector<3200xf32>
    %reduce_sum3A_86 = vector.multi_reduction <add>, %slice3A_78, %reduce_sum3A_85 [1] : vector<3200x128xf32> to vector<3200xf32>
    %broadcast_in_dim3A_87 = vector.shape_cast %reduce_sum3A_86 : vector<3200xf32> to vector<3200x1xf32>
    %div3A = arith.constant 1.280000e+02 : f32
    %div3A_88 = vector.broadcast %div3A : f32 to vector<3200x1xf32>
    %div3A_89 = arith.divf %broadcast_in_dim3A_87, %div3A_88 : vector<3200x1xf32>
    %sub3A_90 = vector.broadcast %div3A_89 : vector<3200x1xf32> to vector<3200x128xf32>
    %sub3A_91 = arith.subf %slice3A_78, %sub3A_90 : vector<3200x128xf32>
    %mul3A_92 = arith.mulf %sub3A_91, %sub3A_91 : vector<3200x128xf32>
    %reduce_sum3A_93 = arith.constant dense<0.000000e+00> : vector<3200xf32>
    %reduce_sum3A_94 = vector.multi_reduction <add>, %mul3A_92, %reduce_sum3A_93 [1] : vector<3200x128xf32> to vector<3200xf32>
    %broadcast_in_dim3A_95 = vector.shape_cast %reduce_sum3A_94 : vector<3200xf32> to vector<3200x1xf32>
    %div3A_96 = arith.constant 1.280000e+02 : f32
    %div3A_97 = vector.broadcast %div3A_96 : f32 to vector<3200x1xf32>
    %div3A_98 = arith.divf %broadcast_in_dim3A_95, %div3A_97 : vector<3200x1xf32>
    %add3A_99 = arith.constant 9.99999974E-6 : f32
    %add3A_100 = vector.broadcast %add3A_99 : f32 to vector<3200x1xf32>
    %add3A_101 = arith.addf %div3A_98, %add3A_100 : vector<3200x1xf32>
    %rsqrt3A = math.rsqrt %add3A_101 : vector<3200x1xf32>
    %mul3A_102 = vector.broadcast %rsqrt3A : vector<3200x1xf32> to vector<3200x128xf32>
    %mul3A_103 = arith.mulf %sub3A_91, %mul3A_102 : vector<3200x128xf32>
    %mul3A_104 = vector.broadcast %get3A_81 : vector<1x128xf32> to vector<3200x128xf32>
    %mul3A_105 = arith.mulf %mul3A_103, %mul3A_104 : vector<3200x128xf32>
    %add3A_106 = vector.broadcast %get3A_84 : vector<1x128xf32> to vector<3200x128xf32>
    %add3A_107 = arith.addf %mul3A_105, %add3A_106 : vector<3200x128xf32>
    %max3A = arith.constant 0.000000e+00 : f32
    %max3A_108 = vector.broadcast %max3A : f32 to vector<3200x128xf32>
    %max3A_109 = arith.maximumf %add3A_107, %max3A_108 : vector<3200x128xf32>
    %slice3A_110 = vector.extract_strided_slice %add3A_77 {offsets = [0, 128], sizes = [3200, 128], strides = [1, 1]} : vector<3200x256xf32> to vector<3200x128xf32>
    %get3A_111 = arith.constant 0 : index
    %get3A_112 = arith.constant 128 : index
    %get3A_113 = vector.load %arg11[%get3A_111, %get3A_112] : memref<1x256xf32, #tpu.memory_space<vmem>>, vector<1x128xf32>
    %get3A_114 = arith.constant 0 : index
    %get3A_115 = arith.constant 128 : index
    %get3A_116 = vector.load %arg12[%get3A_114, %get3A_115] : memref<1x256xf32, #tpu.memory_space<vmem>>, vector<1x128xf32>
    %reduce_sum3A_117 = arith.constant dense<0.000000e+00> : vector<3200xf32>
    %reduce_sum3A_118 = vector.multi_reduction <add>, %slice3A_110, %reduce_sum3A_117 [1] : vector<3200x128xf32> to vector<3200xf32>
    %broadcast_in_dim3A_119 = vector.shape_cast %reduce_sum3A_118 : vector<3200xf32> to vector<3200x1xf32>
    %div3A_120 = arith.constant 1.280000e+02 : f32
    %div3A_121 = vector.broadcast %div3A_120 : f32 to vector<3200x1xf32>
    %div3A_122 = arith.divf %broadcast_in_dim3A_119, %div3A_121 : vector<3200x1xf32>
    %sub3A_123 = vector.broadcast %div3A_122 : vector<3200x1xf32> to vector<3200x128xf32>
    %sub3A_124 = arith.subf %slice3A_110, %sub3A_123 : vector<3200x128xf32>
    %mul3A_125 = arith.mulf %sub3A_124, %sub3A_124 : vector<3200x128xf32>
    %reduce_sum3A_126 = arith.constant dense<0.000000e+00> : vector<3200xf32>
    %reduce_sum3A_127 = vector.multi_reduction <add>, %mul3A_125, %reduce_sum3A_126 [1] : vector<3200x128xf32> to vector<3200xf32>
    %broadcast_in_dim3A_128 = vector.shape_cast %reduce_sum3A_127 : vector<3200xf32> to vector<3200x1xf32>
    %div3A_129 = arith.constant 1.280000e+02 : f32
    %div3A_130 = vector.broadcast %div3A_129 : f32 to vector<3200x1xf32>
    %div3A_131 = arith.divf %broadcast_in_dim3A_128, %div3A_130 : vector<3200x1xf32>
    %add3A_132 = arith.constant 9.99999974E-6 : f32
    %add3A_133 = vector.broadcast %add3A_132 : f32 to vector<3200x1xf32>
    %add3A_134 = arith.addf %div3A_131, %add3A_133 : vector<3200x1xf32>
    %rsqrt3A_135 = math.rsqrt %add3A_134 : vector<3200x1xf32>
    %mul3A_136 = vector.broadcast %rsqrt3A_135 : vector<3200x1xf32> to vector<3200x128xf32>
    %mul3A_137 = arith.mulf %sub3A_124, %mul3A_136 : vector<3200x128xf32>
    %mul3A_138 = vector.broadcast %get3A_113 : vector<1x128xf32> to vector<3200x128xf32>
    %mul3A_139 = arith.mulf %mul3A_137, %mul3A_138 : vector<3200x128xf32>
    %add3A_140 = vector.broadcast %get3A_116 : vector<1x128xf32> to vector<3200x128xf32>
    %add3A_141 = arith.addf %mul3A_139, %add3A_140 : vector<3200x128xf32>
    %max3A_142 = arith.constant 0.000000e+00 : f32
    %max3A_143 = vector.broadcast %max3A_142 : f32 to vector<3200x128xf32>
    %max3A_144 = arith.maximumf %add3A_141, %max3A_143 : vector<3200x128xf32>
    %get3A_145 = arith.constant 0 : index
    %get3A_146 = arith.constant 0 : index
    %get3A_147 = vector.load %arg13[%get3A_145, %get3A_146] : memref<128x128xf32, #tpu.memory_space<vmem>>, vector<128x128xf32>
    %dot_general3A_148 = arith.constant dense<0.000000e+00> : vector<3200x128xf32>
    %dot_general3A_149 = tpu.matmul %max3A_109, %get3A_147, %dot_general3A_148 {dimension_numbers = #tpu.dot_dimension_numbers<[1], [0], [0], [1], [0, 0, 1, 1], [], []>, transpose_lhs_hint = false} : vector<3200x128xf32>, vector<128x128xf32>, vector<3200x128xf32> -> vector<3200x128xf32>
    %get3A_150 = arith.constant 0 : index
    %get3A_151 = arith.constant 0 : index
    %get3A_152 = vector.load %arg14[%get3A_150, %get3A_151] : memref<1x128xf32, #tpu.memory_space<vmem>>, vector<1x128xf32>
    %add3A_153 = vector.broadcast %get3A_152 : vector<1x128xf32> to vector<3200x128xf32>
    %add3A_154 = arith.addf %dot_general3A_149, %add3A_153 : vector<3200x128xf32>
    %get3A_155 = arith.constant 0 : index
    %get3A_156 = arith.constant 0 : index
    %get3A_157 = vector.load %arg15[%get3A_155, %get3A_156] : memref<128x128xf32, #tpu.memory_space<vmem>>, vector<128x128xf32>
    %dot_general3A_158 = arith.constant dense<0.000000e+00> : vector<3200x128xf32>
    %dot_general3A_159 = tpu.matmul %max3A_144, %get3A_157, %dot_general3A_158 {dimension_numbers = #tpu.dot_dimension_numbers<[1], [0], [0], [1], [0, 0, 1, 1], [], []>, transpose_lhs_hint = false} : vector<3200x128xf32>, vector<128x128xf32>, vector<3200x128xf32> -> vector<3200x128xf32>
    %get3A_160 = arith.constant 0 : index
    %get3A_161 = arith.constant 0 : index
    %get3A_162 = vector.load %arg16[%get3A_160, %get3A_161] : memref<1x128xf32, #tpu.memory_space<vmem>>, vector<1x128xf32>
    %add3A_163 = vector.broadcast %get3A_162 : vector<1x128xf32> to vector<3200x128xf32>
    %add3A_164 = arith.addf %dot_general3A_159, %add3A_163 : vector<3200x128xf32>
    %mul3A_165 = vector.broadcast %get3A_47 : vector<3200x1xf32> to vector<3200x128xf32>
    %mul3A_166 = arith.mulf %add3A_164, %mul3A_165 : vector<3200x128xf32>
    %get3A_167 = arith.constant 0 : index
    %get3A_168 = arith.constant 0 : index
    %get3A_169 = vector.load %arg17[%get3A_167, %get3A_168] : memref<128x128xf32, #tpu.memory_space<vmem>>, vector<128x128xf32>
    %dot_general3A_170 = arith.constant dense<0.000000e+00> : vector<200x128xf32>
    %dot_general3A_171 = tpu.matmul %get3A_50, %get3A_169, %dot_general3A_170 {dimension_numbers = #tpu.dot_dimension_numbers<[1], [0], [0], [1], [0, 0, 1, 1], [], []>, transpose_lhs_hint = false} : vector<200x128xf32>, vector<128x128xf32>, vector<200x128xf32> -> vector<200x128xf32>
    %get3A_172 = arith.constant 0 : index
    %get3A_173 = arith.constant 0 : index
    %get3A_174 = vector.load %arg18[%get3A_172, %get3A_173] : memref<1x128xf32, #tpu.memory_space<vmem>>, vector<1x128xf32>
    %add3A_175 = vector.broadcast %get3A_174 : vector<1x128xf32> to vector<200x128xf32>
    %add3A_176 = arith.addf %dot_general3A_171, %add3A_175 : vector<200x128xf32>
    %get3A_177 = arith.constant 0 : index
    %get3A_178 = arith.constant 0 : index
    %get3A_179 = vector.load %arg19[%get3A_177, %get3A_178] : memref<1x128xf32, #tpu.memory_space<vmem>>, vector<1x128xf32>
    %get3A_180 = arith.constant 0 : index
    %get3A_181 = arith.constant 0 : index
    %get3A_182 = vector.load %arg20[%get3A_180, %get3A_181] : memref<1x128xf32, #tpu.memory_space<vmem>>, vector<1x128xf32>
    %reduce_sum3A_183 = arith.constant dense<0.000000e+00> : vector<200xf32>
    %reduce_sum3A_184 = vector.multi_reduction <add>, %add3A_176, %reduce_sum3A_183 [1] : vector<200x128xf32> to vector<200xf32>
    %broadcast_in_dim3A_185 = vector.shape_cast %reduce_sum3A_184 : vector<200xf32> to vector<200x1xf32>
    %div3A_186 = arith.constant 1.280000e+02 : f32
    %div3A_187 = vector.broadcast %div3A_186 : f32 to vector<200x1xf32>
    %div3A_188 = arith.divf %broadcast_in_dim3A_185, %div3A_187 : vector<200x1xf32>
    %sub3A_189 = vector.broadcast %div3A_188 : vector<200x1xf32> to vector<200x128xf32>
    %sub3A_190 = arith.subf %add3A_176, %sub3A_189 : vector<200x128xf32>
    %mul3A_191 = arith.mulf %sub3A_190, %sub3A_190 : vector<200x128xf32>
    %reduce_sum3A_192 = arith.constant dense<0.000000e+00> : vector<200xf32>
    %reduce_sum3A_193 = vector.multi_reduction <add>, %mul3A_191, %reduce_sum3A_192 [1] : vector<200x128xf32> to vector<200xf32>
    %broadcast_in_dim3A_194 = vector.shape_cast %reduce_sum3A_193 : vector<200xf32> to vector<200x1xf32>
    %div3A_195 = arith.constant 1.280000e+02 : f32
    %div3A_196 = vector.broadcast %div3A_195 : f32 to vector<200x1xf32>
    %div3A_197 = arith.divf %broadcast_in_dim3A_194, %div3A_196 : vector<200x1xf32>
    %add3A_198 = arith.constant 9.99999974E-6 : f32
    %add3A_199 = vector.broadcast %add3A_198 : f32 to vector<200x1xf32>
    %add3A_200 = arith.addf %div3A_197, %add3A_199 : vector<200x1xf32>
    %rsqrt3A_201 = math.rsqrt %add3A_200 : vector<200x1xf32>
    %mul3A_202 = vector.broadcast %rsqrt3A_201 : vector<200x1xf32> to vector<200x128xf32>
    %mul3A_203 = arith.mulf %sub3A_190, %mul3A_202 : vector<200x128xf32>
    %mul3A_204 = vector.broadcast %get3A_179 : vector<1x128xf32> to vector<200x128xf32>
    %mul3A_205 = arith.mulf %mul3A_203, %mul3A_204 : vector<200x128xf32>
    %add3A_206 = vector.broadcast %get3A_182 : vector<1x128xf32> to vector<200x128xf32>
    %add3A_207 = arith.addf %mul3A_205, %add3A_206 : vector<200x128xf32>
    %max3A_208 = arith.constant 0.000000e+00 : f32
    %max3A_209 = vector.broadcast %max3A_208 : f32 to vector<200x128xf32>
    %max3A_210 = arith.maximumf %add3A_207, %max3A_209 : vector<200x128xf32>
    %get3A_211 = arith.constant 0 : index
    %get3A_212 = arith.constant 0 : index
    %get3A_213 = vector.load %arg21[%get3A_211, %get3A_212] : memref<128x128xf32, #tpu.memory_space<vmem>>, vector<128x128xf32>
    %dot_general3A_214 = arith.constant dense<0.000000e+00> : vector<200x128xf32>
    %dot_general3A_215 = tpu.matmul %max3A_210, %get3A_213, %dot_general3A_214 {dimension_numbers = #tpu.dot_dimension_numbers<[1], [0], [0], [1], [0, 0, 1, 1], [], []>, transpose_lhs_hint = false} : vector<200x128xf32>, vector<128x128xf32>, vector<200x128xf32> -> vector<200x128xf32>
    %get3A_216 = arith.constant 0 : index
    %get3A_217 = arith.constant 0 : index
    %get3A_218 = vector.load %arg22[%get3A_216, %get3A_217] : memref<1x128xf32, #tpu.memory_space<vmem>>, vector<1x128xf32>
    %add3A_219 = vector.broadcast %get3A_218 : vector<1x128xf32> to vector<200x128xf32>
    %add3A_220 = arith.addf %dot_general3A_215, %add3A_219 : vector<200x128xf32>
    %mul3A_221 = arith.constant 0.353553385 : f32
    %mul3A_222 = vector.broadcast %mul3A_221 : f32 to vector<200x128xf32>
    %mul3A_223 = arith.mulf %add3A_220, %mul3A_222 : vector<200x128xf32>
    %broadcast_in_dim3A_224 = vector.shape_cast %mul3A_223 : vector<200x128xf32> to vector<200x1x128xf32>
    %broadcast_in_dim3A_225 = vector.shape_cast %broadcast_in_dim3A_224 : vector<200x1x128xf32> to vector<200x1x128xf32>
    %broadcast_in_dim3A_226 = vector.broadcast %broadcast_in_dim3A_225 : vector<200x1x128xf32> to vector<200x16x128xf32>
    %reshape3A_227 = vector.shape_cast %broadcast_in_dim3A_226 : vector<200x16x128xf32> to vector<3200x128xf32>
    %mul3A_228 = arith.mulf %reshape3A_227, %add3A_154 : vector<3200x128xf32>
    %get3A_229 = arith.constant 0 : index
    %get3A_230 = arith.constant 0 : index
    %get3A_231 = vector.load %arg30[%get3A_229, %get3A_230] : memref<128x16xf32, #tpu.memory_space<vmem>>, vector<128x16xf32>
    %dot_general3A_232 = arith.constant dense<0.000000e+00> : vector<3200x16xf32>
    %dot_general3A_233 = tpu.matmul %mul3A_228, %get3A_231, %dot_general3A_232 {dimension_numbers = #tpu.dot_dimension_numbers<[1], [0], [0], [1], [0, 0, 1, 1], [], []>, transpose_lhs_hint = false} : vector<3200x128xf32>, vector<128x16xf32>, vector<3200x16xf32> -> vector<3200x16xf32>
    %reshape3A_234 = vector.shape_cast %dot_general3A_233 : vector<3200x16xf32> to vector<200x16x16xf32>
    %slice3A_235 = vector.extract_strided_slice %reshape3A_234 {offsets = [0, 0, 0], sizes = [200, 1, 16], strides = [1, 1, 1]} : vector<200x16x16xf32> to vector<200x1x16xf32>
    %squeeze3A = vector.shape_cast %slice3A_235 : vector<200x1x16xf32> to vector<200x16xf32>
    %slice3A_236 = vector.extract_strided_slice %reshape3A_234 {offsets = [0, 1, 0], sizes = [200, 1, 16], strides = [1, 1, 1]} : vector<200x16x16xf32> to vector<200x1x16xf32>
    %squeeze3A_237 = vector.shape_cast %slice3A_236 : vector<200x1x16xf32> to vector<200x16xf32>
    %max3A_238 = arith.maximumf %squeeze3A, %squeeze3A_237 : vector<200x16xf32>
    %slice3A_239 = vector.extract_strided_slice %reshape3A_234 {offsets = [0, 2, 0], sizes = [200, 1, 16], strides = [1, 1, 1]} : vector<200x16x16xf32> to vector<200x1x16xf32>
    %squeeze3A_240 = vector.shape_cast %slice3A_239 : vector<200x1x16xf32> to vector<200x16xf32>
    %max3A_241 = arith.maximumf %max3A_238, %squeeze3A_240 : vector<200x16xf32>
    %slice3A_242 = vector.extract_strided_slice %reshape3A_234 {offsets = [0, 3, 0], sizes = [200, 1, 16], strides = [1, 1, 1]} : vector<200x16x16xf32> to vector<200x1x16xf32>
    %squeeze3A_243 = vector.shape_cast %slice3A_242 : vector<200x1x16xf32> to vector<200x16xf32>
    %max3A_244 = arith.maximumf %max3A_241, %squeeze3A_243 : vector<200x16xf32>
    %slice3A_245 = vector.extract_strided_slice %reshape3A_234 {offsets = [0, 4, 0], sizes = [200, 1, 16], strides = [1, 1, 1]} : vector<200x16x16xf32> to vector<200x1x16xf32>
    %squeeze3A_246 = vector.shape_cast %slice3A_245 : vector<200x1x16xf32> to vector<200x16xf32>
    %max3A_247 = arith.maximumf %max3A_244, %squeeze3A_246 : vector<200x16xf32>
    %slice3A_248 = vector.extract_strided_slice %reshape3A_234 {offsets = [0, 5, 0], sizes = [200, 1, 16], strides = [1, 1, 1]} : vector<200x16x16xf32> to vector<200x1x16xf32>
    %squeeze3A_249 = vector.shape_cast %slice3A_248 : vector<200x1x16xf32> to vector<200x16xf32>
    %max3A_250 = arith.maximumf %max3A_247, %squeeze3A_249 : vector<200x16xf32>
    %slice3A_251 = vector.extract_strided_slice %reshape3A_234 {offsets = [0, 6, 0], sizes = [200, 1, 16], strides = [1, 1, 1]} : vector<200x16x16xf32> to vector<200x1x16xf32>
    %squeeze3A_252 = vector.shape_cast %slice3A_251 : vector<200x1x16xf32> to vector<200x16xf32>
    %max3A_253 = arith.maximumf %max3A_250, %squeeze3A_252 : vector<200x16xf32>
    %slice3A_254 = vector.extract_strided_slice %reshape3A_234 {offsets = [0, 7, 0], sizes = [200, 1, 16], strides = [1, 1, 1]} : vector<200x16x16xf32> to vector<200x1x16xf32>
    %squeeze3A_255 = vector.shape_cast %slice3A_254 : vector<200x1x16xf32> to vector<200x16xf32>
    %max3A_256 = arith.maximumf %max3A_253, %squeeze3A_255 : vector<200x16xf32>
    %slice3A_257 = vector.extract_strided_slice %reshape3A_234 {offsets = [0, 8, 0], sizes = [200, 1, 16], strides = [1, 1, 1]} : vector<200x16x16xf32> to vector<200x1x16xf32>
    %squeeze3A_258 = vector.shape_cast %slice3A_257 : vector<200x1x16xf32> to vector<200x16xf32>
    %max3A_259 = arith.maximumf %max3A_256, %squeeze3A_258 : vector<200x16xf32>
    %slice3A_260 = vector.extract_strided_slice %reshape3A_234 {offsets = [0, 9, 0], sizes = [200, 1, 16], strides = [1, 1, 1]} : vector<200x16x16xf32> to vector<200x1x16xf32>
    %squeeze3A_261 = vector.shape_cast %slice3A_260 : vector<200x1x16xf32> to vector<200x16xf32>
    %max3A_262 = arith.maximumf %max3A_259, %squeeze3A_261 : vector<200x16xf32>
    %slice3A_263 = vector.extract_strided_slice %reshape3A_234 {offsets = [0, 10, 0], sizes = [200, 1, 16], strides = [1, 1, 1]} : vector<200x16x16xf32> to vector<200x1x16xf32>
    %squeeze3A_264 = vector.shape_cast %slice3A_263 : vector<200x1x16xf32> to vector<200x16xf32>
    %max3A_265 = arith.maximumf %max3A_262, %squeeze3A_264 : vector<200x16xf32>
    %slice3A_266 = vector.extract_strided_slice %reshape3A_234 {offsets = [0, 11, 0], sizes = [200, 1, 16], strides = [1, 1, 1]} : vector<200x16x16xf32> to vector<200x1x16xf32>
    %squeeze3A_267 = vector.shape_cast %slice3A_266 : vector<200x1x16xf32> to vector<200x16xf32>
    %max3A_268 = arith.maximumf %max3A_265, %squeeze3A_267 : vector<200x16xf32>
    %slice3A_269 = vector.extract_strided_slice %reshape3A_234 {offsets = [0, 12, 0], sizes = [200, 1, 16], strides = [1, 1, 1]} : vector<200x16x16xf32> to vector<200x1x16xf32>
    %squeeze3A_270 = vector.shape_cast %slice3A_269 : vector<200x1x16xf32> to vector<200x16xf32>
    %max3A_271 = arith.maximumf %max3A_268, %squeeze3A_270 : vector<200x16xf32>
    %slice3A_272 = vector.extract_strided_slice %reshape3A_234 {offsets = [0, 13, 0], sizes = [200, 1, 16], strides = [1, 1, 1]} : vector<200x16x16xf32> to vector<200x1x16xf32>
    %squeeze3A_273 = vector.shape_cast %slice3A_272 : vector<200x1x16xf32> to vector<200x16xf32>
    %max3A_274 = arith.maximumf %max3A_271, %squeeze3A_273 : vector<200x16xf32>
    %slice3A_275 = vector.extract_strided_slice %reshape3A_234 {offsets = [0, 14, 0], sizes = [200, 1, 16], strides = [1, 1, 1]} : vector<200x16x16xf32> to vector<200x1x16xf32>
    %squeeze3A_276 = vector.shape_cast %slice3A_275 : vector<200x1x16xf32> to vector<200x16xf32>
    %max3A_277 = arith.maximumf %max3A_274, %squeeze3A_276 : vector<200x16xf32>
    %slice3A_278 = vector.extract_strided_slice %reshape3A_234 {offsets = [0, 15, 0], sizes = [200, 1, 16], strides = [1, 1, 1]} : vector<200x16x16xf32> to vector<200x1x16xf32>
    %squeeze3A_279 = vector.shape_cast %slice3A_278 : vector<200x1x16xf32> to vector<200x16xf32>
    %max3A_280 = arith.maximumf %max3A_277, %squeeze3A_279 : vector<200x16xf32>
    %broadcast_in_dim3A_281 = vector.shape_cast %max3A_280 : vector<200x16xf32> to vector<200x1x16xf32>
    %broadcast_in_dim3A_282 = vector.shape_cast %broadcast_in_dim3A_281 : vector<200x1x16xf32> to vector<200x1x16xf32>
    %broadcast_in_dim3A_283 = vector.broadcast %broadcast_in_dim3A_282 : vector<200x1x16xf32> to vector<200x16x16xf32>
    %reshape3A_284 = vector.shape_cast %broadcast_in_dim3A_283 : vector<200x16x16xf32> to vector<3200x16xf32>
    %sub3A_285 = arith.subf %dot_general3A_233, %reshape3A_284 : vector<3200x16xf32>
    %exp3A_286 = math.exp %sub3A_285 : vector<3200x16xf32>
    %reshape3A_287 = vector.shape_cast %exp3A_286 : vector<3200x16xf32> to vector<200x16x16xf32>
    %slice3A_288 = vector.extract_strided_slice %reshape3A_287 {offsets = [0, 0, 0], sizes = [200, 1, 16], strides = [1, 1, 1]} : vector<200x16x16xf32> to vector<200x1x16xf32>
    %squeeze3A_289 = vector.shape_cast %slice3A_288 : vector<200x1x16xf32> to vector<200x16xf32>
    %slice3A_290 = vector.extract_strided_slice %reshape3A_287 {offsets = [0, 1, 0], sizes = [200, 1, 16], strides = [1, 1, 1]} : vector<200x16x16xf32> to vector<200x1x16xf32>
    %squeeze3A_291 = vector.shape_cast %slice3A_290 : vector<200x1x16xf32> to vector<200x16xf32>
    %add3A_292 = arith.addf %squeeze3A_289, %squeeze3A_291 : vector<200x16xf32>
    %slice3A_293 = vector.extract_strided_slice %reshape3A_287 {offsets = [0, 2, 0], sizes = [200, 1, 16], strides = [1, 1, 1]} : vector<200x16x16xf32> to vector<200x1x16xf32>
    %squeeze3A_294 = vector.shape_cast %slice3A_293 : vector<200x1x16xf32> to vector<200x16xf32>
    %add3A_295 = arith.addf %add3A_292, %squeeze3A_294 : vector<200x16xf32>
    %slice3A_296 = vector.extract_strided_slice %reshape3A_287 {offsets = [0, 3, 0], sizes = [200, 1, 16], strides = [1, 1, 1]} : vector<200x16x16xf32> to vector<200x1x16xf32>
    %squeeze3A_297 = vector.shape_cast %slice3A_296 : vector<200x1x16xf32> to vector<200x16xf32>
    %add3A_298 = arith.addf %add3A_295, %squeeze3A_297 : vector<200x16xf32>
    %slice3A_299 = vector.extract_strided_slice %reshape3A_287 {offsets = [0, 4, 0], sizes = [200, 1, 16], strides = [1, 1, 1]} : vector<200x16x16xf32> to vector<200x1x16xf32>
    %squeeze3A_300 = vector.shape_cast %slice3A_299 : vector<200x1x16xf32> to vector<200x16xf32>
    %add3A_301 = arith.addf %add3A_298, %squeeze3A_300 : vector<200x16xf32>
    %slice3A_302 = vector.extract_strided_slice %reshape3A_287 {offsets = [0, 5, 0], sizes = [200, 1, 16], strides = [1, 1, 1]} : vector<200x16x16xf32> to vector<200x1x16xf32>
    %squeeze3A_303 = vector.shape_cast %slice3A_302 : vector<200x1x16xf32> to vector<200x16xf32>
    %add3A_304 = arith.addf %add3A_301, %squeeze3A_303 : vector<200x16xf32>
    %slice3A_305 = vector.extract_strided_slice %reshape3A_287 {offsets = [0, 6, 0], sizes = [200, 1, 16], strides = [1, 1, 1]} : vector<200x16x16xf32> to vector<200x1x16xf32>
    %squeeze3A_306 = vector.shape_cast %slice3A_305 : vector<200x1x16xf32> to vector<200x16xf32>
    %add3A_307 = arith.addf %add3A_304, %squeeze3A_306 : vector<200x16xf32>
    %slice3A_308 = vector.extract_strided_slice %reshape3A_287 {offsets = [0, 7, 0], sizes = [200, 1, 16], strides = [1, 1, 1]} : vector<200x16x16xf32> to vector<200x1x16xf32>
    %squeeze3A_309 = vector.shape_cast %slice3A_308 : vector<200x1x16xf32> to vector<200x16xf32>
    %add3A_310 = arith.addf %add3A_307, %squeeze3A_309 : vector<200x16xf32>
    %slice3A_311 = vector.extract_strided_slice %reshape3A_287 {offsets = [0, 8, 0], sizes = [200, 1, 16], strides = [1, 1, 1]} : vector<200x16x16xf32> to vector<200x1x16xf32>
    %squeeze3A_312 = vector.shape_cast %slice3A_311 : vector<200x1x16xf32> to vector<200x16xf32>
    %add3A_313 = arith.addf %add3A_310, %squeeze3A_312 : vector<200x16xf32>
    %slice3A_314 = vector.extract_strided_slice %reshape3A_287 {offsets = [0, 9, 0], sizes = [200, 1, 16], strides = [1, 1, 1]} : vector<200x16x16xf32> to vector<200x1x16xf32>
    %squeeze3A_315 = vector.shape_cast %slice3A_314 : vector<200x1x16xf32> to vector<200x16xf32>
    %add3A_316 = arith.addf %add3A_313, %squeeze3A_315 : vector<200x16xf32>
    %slice3A_317 = vector.extract_strided_slice %reshape3A_287 {offsets = [0, 10, 0], sizes = [200, 1, 16], strides = [1, 1, 1]} : vector<200x16x16xf32> to vector<200x1x16xf32>
    %squeeze3A_318 = vector.shape_cast %slice3A_317 : vector<200x1x16xf32> to vector<200x16xf32>
    %add3A_319 = arith.addf %add3A_316, %squeeze3A_318 : vector<200x16xf32>
    %slice3A_320 = vector.extract_strided_slice %reshape3A_287 {offsets = [0, 11, 0], sizes = [200, 1, 16], strides = [1, 1, 1]} : vector<200x16x16xf32> to vector<200x1x16xf32>
    %squeeze3A_321 = vector.shape_cast %slice3A_320 : vector<200x1x16xf32> to vector<200x16xf32>
    %add3A_322 = arith.addf %add3A_319, %squeeze3A_321 : vector<200x16xf32>
    %slice3A_323 = vector.extract_strided_slice %reshape3A_287 {offsets = [0, 12, 0], sizes = [200, 1, 16], strides = [1, 1, 1]} : vector<200x16x16xf32> to vector<200x1x16xf32>
    %squeeze3A_324 = vector.shape_cast %slice3A_323 : vector<200x1x16xf32> to vector<200x16xf32>
    %add3A_325 = arith.addf %add3A_322, %squeeze3A_324 : vector<200x16xf32>
    %slice3A_326 = vector.extract_strided_slice %reshape3A_287 {offsets = [0, 13, 0], sizes = [200, 1, 16], strides = [1, 1, 1]} : vector<200x16x16xf32> to vector<200x1x16xf32>
    %squeeze3A_327 = vector.shape_cast %slice3A_326 : vector<200x1x16xf32> to vector<200x16xf32>
    %add3A_328 = arith.addf %add3A_325, %squeeze3A_327 : vector<200x16xf32>
    %slice3A_329 = vector.extract_strided_slice %reshape3A_287 {offsets = [0, 14, 0], sizes = [200, 1, 16], strides = [1, 1, 1]} : vector<200x16x16xf32> to vector<200x1x16xf32>
    %squeeze3A_330 = vector.shape_cast %slice3A_329 : vector<200x1x16xf32> to vector<200x16xf32>
    %add3A_331 = arith.addf %add3A_328, %squeeze3A_330 : vector<200x16xf32>
    %slice3A_332 = vector.extract_strided_slice %reshape3A_287 {offsets = [0, 15, 0], sizes = [200, 1, 16], strides = [1, 1, 1]} : vector<200x16x16xf32> to vector<200x1x16xf32>
    %squeeze3A_333 = vector.shape_cast %slice3A_332 : vector<200x1x16xf32> to vector<200x16xf32>
    %add3A_334 = arith.addf %add3A_331, %squeeze3A_333 : vector<200x16xf32>
    %broadcast_in_dim3A_335 = vector.shape_cast %add3A_334 : vector<200x16xf32> to vector<200x1x16xf32>
    %broadcast_in_dim3A_336 = vector.shape_cast %broadcast_in_dim3A_335 : vector<200x1x16xf32> to vector<200x1x16xf32>
    %broadcast_in_dim3A_337 = vector.broadcast %broadcast_in_dim3A_336 : vector<200x1x16xf32> to vector<200x16x16xf32>
    %reshape3A_338 = vector.shape_cast %broadcast_in_dim3A_337 : vector<200x16x16xf32> to vector<3200x16xf32>
    %add3A_339 = arith.constant 1.000000e-16 : f32
    %add3A_340 = vector.broadcast %add3A_339 : f32 to vector<3200x16xf32>
    %add3A_341 = arith.addf %reshape3A_338, %add3A_340 : vector<3200x16xf32>
    %div3A_342 = arith.divf %exp3A_286, %add3A_341 : vector<3200x16xf32>
    %get3A_343 = arith.constant 0 : index
    %get3A_344 = arith.constant 0 : index
    %get3A_345 = vector.load %arg31[%get3A_343, %get3A_344] : memref<16x128xf32, #tpu.memory_space<vmem>>, vector<16x128xf32>
    %dot_general3A_346 = arith.constant dense<0.000000e+00> : vector<3200x128xf32>
    %dot_general3A_347 = tpu.matmul %div3A_342, %get3A_345, %dot_general3A_346 {dimension_numbers = #tpu.dot_dimension_numbers<[1], [0], [0], [1], [0, 0, 1, 1], [], []>, transpose_lhs_hint = false} : vector<3200x16xf32>, vector<16x128xf32>, vector<3200x128xf32> -> vector<3200x128xf32>
    %mul3A_348 = arith.mulf %dot_general3A_347, %mul3A_166 : vector<3200x128xf32>
    %reshape3A_349 = vector.shape_cast %mul3A_348 : vector<3200x128xf32> to vector<200x16x128xf32>
    %slice3A_350 = vector.extract_strided_slice %reshape3A_349 {offsets = [0, 0, 0], sizes = [200, 1, 128], strides = [1, 1, 1]} : vector<200x16x128xf32> to vector<200x1x128xf32>
    %squeeze3A_351 = vector.shape_cast %slice3A_350 : vector<200x1x128xf32> to vector<200x128xf32>
    %slice3A_352 = vector.extract_strided_slice %reshape3A_349 {offsets = [0, 1, 0], sizes = [200, 1, 128], strides = [1, 1, 1]} : vector<200x16x128xf32> to vector<200x1x128xf32>
    %squeeze3A_353 = vector.shape_cast %slice3A_352 : vector<200x1x128xf32> to vector<200x128xf32>
    %add3A_354 = arith.addf %squeeze3A_351, %squeeze3A_353 : vector<200x128xf32>
    %slice3A_355 = vector.extract_strided_slice %reshape3A_349 {offsets = [0, 2, 0], sizes = [200, 1, 128], strides = [1, 1, 1]} : vector<200x16x128xf32> to vector<200x1x128xf32>
    %squeeze3A_356 = vector.shape_cast %slice3A_355 : vector<200x1x128xf32> to vector<200x128xf32>
    %add3A_357 = arith.addf %add3A_354, %squeeze3A_356 : vector<200x128xf32>
    %slice3A_358 = vector.extract_strided_slice %reshape3A_349 {offsets = [0, 3, 0], sizes = [200, 1, 128], strides = [1, 1, 1]} : vector<200x16x128xf32> to vector<200x1x128xf32>
    %squeeze3A_359 = vector.shape_cast %slice3A_358 : vector<200x1x128xf32> to vector<200x128xf32>
    %add3A_360 = arith.addf %add3A_357, %squeeze3A_359 : vector<200x128xf32>
    %slice3A_361 = vector.extract_strided_slice %reshape3A_349 {offsets = [0, 4, 0], sizes = [200, 1, 128], strides = [1, 1, 1]} : vector<200x16x128xf32> to vector<200x1x128xf32>
    %squeeze3A_362 = vector.shape_cast %slice3A_361 : vector<200x1x128xf32> to vector<200x128xf32>
    %add3A_363 = arith.addf %add3A_360, %squeeze3A_362 : vector<200x128xf32>
    %slice3A_364 = vector.extract_strided_slice %reshape3A_349 {offsets = [0, 5, 0], sizes = [200, 1, 128], strides = [1, 1, 1]} : vector<200x16x128xf32> to vector<200x1x128xf32>
    %squeeze3A_365 = vector.shape_cast %slice3A_364 : vector<200x1x128xf32> to vector<200x128xf32>
    %add3A_366 = arith.addf %add3A_363, %squeeze3A_365 : vector<200x128xf32>
    %slice3A_367 = vector.extract_strided_slice %reshape3A_349 {offsets = [0, 6, 0], sizes = [200, 1, 128], strides = [1, 1, 1]} : vector<200x16x128xf32> to vector<200x1x128xf32>
    %squeeze3A_368 = vector.shape_cast %slice3A_367 : vector<200x1x128xf32> to vector<200x128xf32>
    %add3A_369 = arith.addf %add3A_366, %squeeze3A_368 : vector<200x128xf32>
    %slice3A_370 = vector.extract_strided_slice %reshape3A_349 {offsets = [0, 7, 0], sizes = [200, 1, 128], strides = [1, 1, 1]} : vector<200x16x128xf32> to vector<200x1x128xf32>
    %squeeze3A_371 = vector.shape_cast %slice3A_370 : vector<200x1x128xf32> to vector<200x128xf32>
    %add3A_372 = arith.addf %add3A_369, %squeeze3A_371 : vector<200x128xf32>
    %slice3A_373 = vector.extract_strided_slice %reshape3A_349 {offsets = [0, 8, 0], sizes = [200, 1, 128], strides = [1, 1, 1]} : vector<200x16x128xf32> to vector<200x1x128xf32>
    %squeeze3A_374 = vector.shape_cast %slice3A_373 : vector<200x1x128xf32> to vector<200x128xf32>
    %add3A_375 = arith.addf %add3A_372, %squeeze3A_374 : vector<200x128xf32>
    %slice3A_376 = vector.extract_strided_slice %reshape3A_349 {offsets = [0, 9, 0], sizes = [200, 1, 128], strides = [1, 1, 1]} : vector<200x16x128xf32> to vector<200x1x128xf32>
    %squeeze3A_377 = vector.shape_cast %slice3A_376 : vector<200x1x128xf32> to vector<200x128xf32>
    %add3A_378 = arith.addf %add3A_375, %squeeze3A_377 : vector<200x128xf32>
    %slice3A_379 = vector.extract_strided_slice %reshape3A_349 {offsets = [0, 10, 0], sizes = [200, 1, 128], strides = [1, 1, 1]} : vector<200x16x128xf32> to vector<200x1x128xf32>
    %squeeze3A_380 = vector.shape_cast %slice3A_379 : vector<200x1x128xf32> to vector<200x128xf32>
    %add3A_381 = arith.addf %add3A_378, %squeeze3A_380 : vector<200x128xf32>
    %slice3A_382 = vector.extract_strided_slice %reshape3A_349 {offsets = [0, 11, 0], sizes = [200, 1, 128], strides = [1, 1, 1]} : vector<200x16x128xf32> to vector<200x1x128xf32>
    %squeeze3A_383 = vector.shape_cast %slice3A_382 : vector<200x1x128xf32> to vector<200x128xf32>
    %add3A_384 = arith.addf %add3A_381, %squeeze3A_383 : vector<200x128xf32>
    %slice3A_385 = vector.extract_strided_slice %reshape3A_349 {offsets = [0, 12, 0], sizes = [200, 1, 128], strides = [1, 1, 1]} : vector<200x16x128xf32> to vector<200x1x128xf32>
    %squeeze3A_386 = vector.shape_cast %slice3A_385 : vector<200x1x128xf32> to vector<200x128xf32>
    %add3A_387 = arith.addf %add3A_384, %squeeze3A_386 : vector<200x128xf32>
    %slice3A_388 = vector.extract_strided_slice %reshape3A_349 {offsets = [0, 13, 0], sizes = [200, 1, 128], strides = [1, 1, 1]} : vector<200x16x128xf32> to vector<200x1x128xf32>
    %squeeze3A_389 = vector.shape_cast %slice3A_388 : vector<200x1x128xf32> to vector<200x128xf32>
    %add3A_390 = arith.addf %add3A_387, %squeeze3A_389 : vector<200x128xf32>
    %slice3A_391 = vector.extract_strided_slice %reshape3A_349 {offsets = [0, 14, 0], sizes = [200, 1, 128], strides = [1, 1, 1]} : vector<200x16x128xf32> to vector<200x1x128xf32>
    %squeeze3A_392 = vector.shape_cast %slice3A_391 : vector<200x1x128xf32> to vector<200x128xf32>
    %add3A_393 = arith.addf %add3A_390, %squeeze3A_392 : vector<200x128xf32>
    %slice3A_394 = vector.extract_strided_slice %reshape3A_349 {offsets = [0, 15, 0], sizes = [200, 1, 128], strides = [1, 1, 1]} : vector<200x16x128xf32> to vector<200x1x128xf32>
    %squeeze3A_395 = vector.shape_cast %slice3A_394 : vector<200x1x128xf32> to vector<200x128xf32>
    %add3A_396 = arith.addf %add3A_393, %squeeze3A_395 : vector<200x128xf32>
    %get3A_397 = arith.constant 0 : index
    %get3A_398 = arith.constant 0 : index
    %get3A_399 = vector.load %arg23[%get3A_397, %get3A_398] : memref<128x128xf32, #tpu.memory_space<vmem>>, vector<128x128xf32>
    %dot_general3A_400 = arith.constant dense<0.000000e+00> : vector<200x128xf32>
    %dot_general3A_401 = tpu.matmul %add3A_396, %get3A_399, %dot_general3A_400 {dimension_numbers = #tpu.dot_dimension_numbers<[1], [0], [0], [1], [0, 0, 1, 1], [], []>, transpose_lhs_hint = false} : vector<200x128xf32>, vector<128x128xf32>, vector<200x128xf32> -> vector<200x128xf32>
    %get3A_402 = arith.constant 0 : index
    %get3A_403 = arith.constant 0 : index
    %get3A_404 = vector.load %arg24[%get3A_402, %get3A_403] : memref<128x128xf32, #tpu.memory_space<vmem>>, vector<128x128xf32>
    %dot_general3A_405 = arith.constant dense<0.000000e+00> : vector<200x128xf32>
    %dot_general3A_406 = tpu.matmul %get3A_50, %get3A_404, %dot_general3A_405 {dimension_numbers = #tpu.dot_dimension_numbers<[1], [0], [0], [1], [0, 0, 1, 1], [], []>, transpose_lhs_hint = false} : vector<200x128xf32>, vector<128x128xf32>, vector<200x128xf32> -> vector<200x128xf32>
    %add3A_407 = arith.addf %dot_general3A_401, %dot_general3A_406 : vector<200x128xf32>
    %get3A_408 = arith.constant 0 : index
    %get3A_409 = arith.constant 0 : index
    %get3A_410 = vector.load %arg25[%get3A_408, %get3A_409] : memref<1x128xf32, #tpu.memory_space<vmem>>, vector<1x128xf32>
    %add3A_411 = vector.broadcast %get3A_410 : vector<1x128xf32> to vector<200x128xf32>
    %add3A_412 = arith.addf %add3A_407, %add3A_411 : vector<200x128xf32>
    %get3A_413 = arith.constant 0 : index
    %get3A_414 = arith.constant 0 : index
    %get3A_415 = vector.load %arg26[%get3A_413, %get3A_414] : memref<1x128xf32, #tpu.memory_space<vmem>>, vector<1x128xf32>
    %get3A_416 = arith.constant 0 : index
    %get3A_417 = arith.constant 0 : index
    %get3A_418 = vector.load %arg27[%get3A_416, %get3A_417] : memref<1x128xf32, #tpu.memory_space<vmem>>, vector<1x128xf32>
    %reduce_sum3A_419 = arith.constant dense<0.000000e+00> : vector<200xf32>
    %reduce_sum3A_420 = vector.multi_reduction <add>, %add3A_412, %reduce_sum3A_419 [1] : vector<200x128xf32> to vector<200xf32>
    %broadcast_in_dim3A_421 = vector.shape_cast %reduce_sum3A_420 : vector<200xf32> to vector<200x1xf32>
    %div3A_422 = arith.constant 1.280000e+02 : f32
    %div3A_423 = vector.broadcast %div3A_422 : f32 to vector<200x1xf32>
    %div3A_424 = arith.divf %broadcast_in_dim3A_421, %div3A_423 : vector<200x1xf32>
    %sub3A_425 = vector.broadcast %div3A_424 : vector<200x1xf32> to vector<200x128xf32>
    %sub3A_426 = arith.subf %add3A_412, %sub3A_425 : vector<200x128xf32>
    %mul3A_427 = arith.mulf %sub3A_426, %sub3A_426 : vector<200x128xf32>
    %reduce_sum3A_428 = arith.constant dense<0.000000e+00> : vector<200xf32>
    %reduce_sum3A_429 = vector.multi_reduction <add>, %mul3A_427, %reduce_sum3A_428 [1] : vector<200x128xf32> to vector<200xf32>
    %broadcast_in_dim3A_430 = vector.shape_cast %reduce_sum3A_429 : vector<200xf32> to vector<200x1xf32>
    %div3A_431 = arith.constant 1.280000e+02 : f32
    %div3A_432 = vector.broadcast %div3A_431 : f32 to vector<200x1xf32>
    %div3A_433 = arith.divf %broadcast_in_dim3A_430, %div3A_432 : vector<200x1xf32>
    %add3A_434 = arith.constant 9.99999974E-6 : f32
    %add3A_435 = vector.broadcast %add3A_434 : f32 to vector<200x1xf32>
    %add3A_436 = arith.addf %div3A_433, %add3A_435 : vector<200x1xf32>
    %rsqrt3A_437 = math.rsqrt %add3A_436 : vector<200x1xf32>
    %mul3A_438 = vector.broadcast %rsqrt3A_437 : vector<200x1xf32> to vector<200x128xf32>
    %mul3A_439 = arith.mulf %sub3A_426, %mul3A_438 : vector<200x128xf32>
    %mul3A_440 = vector.broadcast %get3A_415 : vector<1x128xf32> to vector<200x128xf32>
    %mul3A_441 = arith.mulf %mul3A_439, %mul3A_440 : vector<200x128xf32>
    %add3A_442 = vector.broadcast %get3A_418 : vector<1x128xf32> to vector<200x128xf32>
    %add3A_443 = arith.addf %mul3A_441, %add3A_442 : vector<200x128xf32>
    %max3A_444 = arith.constant 0.000000e+00 : f32
    %max3A_445 = vector.broadcast %max3A_444 : f32 to vector<200x128xf32>
    %max3A_446 = arith.maximumf %add3A_443, %max3A_445 : vector<200x128xf32>
    %get3A_447 = arith.constant 0 : index
    %get3A_448 = arith.constant 0 : index
    %get3A_449 = vector.load %arg28[%get3A_447, %get3A_448] : memref<128x128xf32, #tpu.memory_space<vmem>>, vector<128x128xf32>
    %dot_general3A_450 = arith.constant dense<0.000000e+00> : vector<200x128xf32>
    %dot_general3A_451 = tpu.matmul %max3A_446, %get3A_449, %dot_general3A_450 {dimension_numbers = #tpu.dot_dimension_numbers<[1], [0], [0], [1], [0, 0, 1, 1], [], []>, transpose_lhs_hint = false} : vector<200x128xf32>, vector<128x128xf32>, vector<200x128xf32> -> vector<200x128xf32>
    %get3A_452 = arith.constant 0 : index
    %get3A_453 = arith.constant 0 : index
    %get3A_454 = vector.load %arg29[%get3A_452, %get3A_453] : memref<1x128xf32, #tpu.memory_space<vmem>>, vector<1x128xf32>
    %add3A_455 = vector.broadcast %get3A_454 : vector<1x128xf32> to vector<200x128xf32>
    %add3A_456 = arith.addf %dot_general3A_451, %add3A_455 : vector<200x128xf32>
    %add3A_457 = arith.addf %add3A_456, %get3A_50 : vector<200x128xf32>
    %swap3A = arith.constant 0 : index
    %swap3A_458 = arith.constant 0 : index
    %swap3A_459 = vector.load %arg32[%swap3A, %swap3A_458] : memref<200x128xf32, #tpu.memory_space<vmem>>, vector<200x128xf32>
    tpu.vector_store %arg32[%swap3A, %swap3A_458], %add3A_457 {strides = array<i32>} : memref<200x128xf32, #tpu.memory_space<vmem>>, vector<200x128xf32>,
    return
  }
  func.func @transform_0(%arg0: i32) -> (i32, i32) {
    %c0_i32 = arith.constant 0 : i32
    %c0_i32_0 = arith.constant 0 : i32
    return %arg0, %c0_i32 : i32, i32
  }
  func.func @transform_1(%arg0: i32) -> (i32, i32) {
    %c0_i32 = arith.constant 0 : i32
    %c0_i32_0 = arith.constant 0 : i32
    return %arg0, %c0_i32 : i32, i32
  }
  func.func @transform_2(%arg0: i32) -> (i32, i32) {
    %c0_i32 = arith.constant 0 : i32
    %c0_i32_0 = arith.constant 0 : i32
    return %arg0, %c0_i32 : i32, i32
  }
  func.func @transform_3(%arg0: i32) -> (i32, i32) {
    %c0_i32 = arith.constant 0 : i32
    %c0_i32_0 = arith.constant 0 : i32
    return %arg0, %c0_i32 : i32, i32
  }
  func.func @transform_4(%arg0: i32) -> (i32, i32) {
    %c0_i32 = arith.constant 0 : i32
    %c0_i32_0 = arith.constant 0 : i32
    return %arg0, %c0_i32 : i32, i32
  }
  func.func @transform_5(%arg0: i32) -> (i32, i32) {
    %c0_i32 = arith.constant 0 : i32
    %c0_i32_0 = arith.constant 0 : i32
    %c0_i32_1 = arith.constant 0 : i32
    return %c0_i32, %c0_i32_0 : i32, i32
  }
  func.func @transform_6(%arg0: i32) -> (i32, i32) {
    %c0_i32 = arith.constant 0 : i32
    %c0_i32_0 = arith.constant 0 : i32
    %c0_i32_1 = arith.constant 0 : i32
    return %c0_i32, %c0_i32_0 : i32, i32
  }
  func.func @transform_7(%arg0: i32) -> (i32, i32) {
    %c0_i32 = arith.constant 0 : i32
    %c0_i32_0 = arith.constant 0 : i32
    %c0_i32_1 = arith.constant 0 : i32
    return %c0_i32, %c0_i32_0 : i32, i32
  }
  func.func @transform_8(%arg0: i32) -> (i32, i32) {
    %c0_i32 = arith.constant 0 : i32
    %c0_i32_0 = arith.constant 0 : i32
    %c0_i32_1 = arith.constant 0 : i32
    return %c0_i32, %c0_i32_0 : i32, i32
  }
  func.func @transform_9(%arg0: i32) -> (i32, i32) {
    %c0_i32 = arith.constant 0 : i32
    %c0_i32_0 = arith.constant 0 : i32
    %c0_i32_1 = arith.constant 0 : i32
    return %c0_i32, %c0_i32_0 : i32, i32
  }
  func.func @transform_10(%arg0: i32) -> (i32, i32) {
    %c0_i32 = arith.constant 0 : i32
    %c0_i32_0 = arith.constant 0 : i32
    %c0_i32_1 = arith.constant 0 : i32
    return %c0_i32, %c0_i32_0 : i32, i32
  }
  func.func @transform_11(%arg0: i32) -> (i32, i32) {
    %c0_i32 = arith.constant 0 : i32
    %c0_i32_0 = arith.constant 0 : i32
    %c0_i32_1 = arith.constant 0 : i32
    return %c0_i32, %c0_i32_0 : i32, i32
  }
  func.func @transform_12(%arg0: i32) -> (i32, i32) {
    %c0_i32 = arith.constant 0 : i32
    %c0_i32_0 = arith.constant 0 : i32
    %c0_i32_1 = arith.constant 0 : i32
    return %c0_i32, %c0_i32_0 : i32, i32
  }
  func.func @transform_13(%arg0: i32) -> (i32, i32) {
    %c0_i32 = arith.constant 0 : i32
    %c0_i32_0 = arith.constant 0 : i32
    %c0_i32_1 = arith.constant 0 : i32
    return %c0_i32, %c0_i32_0 : i32, i32
  }
  func.func @transform_14(%arg0: i32) -> (i32, i32) {
    %c0_i32 = arith.constant 0 : i32
    %c0_i32_0 = arith.constant 0 : i32
    %c0_i32_1 = arith.constant 0 : i32
    return %c0_i32, %c0_i32_0 : i32, i32
  }
  func.func @transform_15(%arg0: i32) -> (i32, i32) {
    %c0_i32 = arith.constant 0 : i32
    %c0_i32_0 = arith.constant 0 : i32
    %c0_i32_1 = arith.constant 0 : i32
    return %c0_i32, %c0_i32_0 : i32, i32
  }
  func.func @transform_16(%arg0: i32) -> (i32, i32) {
    %c0_i32 = arith.constant 0 : i32
    %c0_i32_0 = arith.constant 0 : i32
    %c0_i32_1 = arith.constant 0 : i32
    return %c0_i32, %c0_i32_0 : i32, i32
  }
  func.func @transform_17(%arg0: i32) -> (i32, i32) {
    %c0_i32 = arith.constant 0 : i32
    %c0_i32_0 = arith.constant 0 : i32
    %c0_i32_1 = arith.constant 0 : i32
    return %c0_i32, %c0_i32_0 : i32, i32
  }
  func.func @transform_18(%arg0: i32) -> (i32, i32) {
    %c0_i32 = arith.constant 0 : i32
    %c0_i32_0 = arith.constant 0 : i32
    %c0_i32_1 = arith.constant 0 : i32
    return %c0_i32, %c0_i32_0 : i32, i32
  }
  func.func @transform_19(%arg0: i32) -> (i32, i32) {
    %c0_i32 = arith.constant 0 : i32
    %c0_i32_0 = arith.constant 0 : i32
    %c0_i32_1 = arith.constant 0 : i32
    return %c0_i32, %c0_i32_0 : i32, i32
  }
  func.func @transform_20(%arg0: i32) -> (i32, i32) {
    %c0_i32 = arith.constant 0 : i32
    %c0_i32_0 = arith.constant 0 : i32
    %c0_i32_1 = arith.constant 0 : i32
    return %c0_i32, %c0_i32_0 : i32, i32
  }
  func.func @transform_21(%arg0: i32) -> (i32, i32) {
    %c0_i32 = arith.constant 0 : i32
    %c0_i32_0 = arith.constant 0 : i32
    %c0_i32_1 = arith.constant 0 : i32
    return %c0_i32, %c0_i32_0 : i32, i32
  }
  func.func @transform_22(%arg0: i32) -> (i32, i32) {
    %c0_i32 = arith.constant 0 : i32
    %c0_i32_0 = arith.constant 0 : i32
    %c0_i32_1 = arith.constant 0 : i32
    return %c0_i32, %c0_i32_0 : i32, i32
  }
  func.func @transform_23(%arg0: i32) -> (i32, i32) {
    %c0_i32 = arith.constant 0 : i32
    %c0_i32_0 = arith.constant 0 : i32
    %c0_i32_1 = arith.constant 0 : i32
    return %c0_i32, %c0_i32_0 : i32, i32
  }
  func.func @transform_24(%arg0: i32) -> (i32, i32) {
    %c0_i32 = arith.constant 0 : i32
    %c0_i32_0 = arith.constant 0 : i32
    %c0_i32_1 = arith.constant 0 : i32
    return %c0_i32, %c0_i32_0 : i32, i32
  }
  func.func @transform_25(%arg0: i32) -> (i32, i32) {
    %c0_i32 = arith.constant 0 : i32
    %c0_i32_0 = arith.constant 0 : i32
    %c0_i32_1 = arith.constant 0 : i32
    return %c0_i32, %c0_i32_0 : i32, i32
  }
  func.func @transform_26(%arg0: i32) -> (i32, i32) {
    %c0_i32 = arith.constant 0 : i32
    %c0_i32_0 = arith.constant 0 : i32
    %c0_i32_1 = arith.constant 0 : i32
    return %c0_i32, %c0_i32_0 : i32, i32
  }
  func.func @transform_27(%arg0: i32) -> (i32, i32) {
    %c0_i32 = arith.constant 0 : i32
    %c0_i32_0 = arith.constant 0 : i32
    %c0_i32_1 = arith.constant 0 : i32
    return %c0_i32, %c0_i32_0 : i32, i32
  }
  func.func @transform_28(%arg0: i32) -> (i32, i32) {
    %c0_i32 = arith.constant 0 : i32
    %c0_i32_0 = arith.constant 0 : i32
    %c0_i32_1 = arith.constant 0 : i32
    return %c0_i32, %c0_i32_0 : i32, i32
  }
  func.func @transform_29(%arg0: i32) -> (i32, i32) {
    %c0_i32 = arith.constant 0 : i32
    %c0_i32_0 = arith.constant 0 : i32
    %c0_i32_1 = arith.constant 0 : i32
    return %c0_i32, %c0_i32_0 : i32, i32
  }
  func.func @transform_30(%arg0: i32) -> (i32, i32) {
    %c0_i32 = arith.constant 0 : i32
    %c0_i32_0 = arith.constant 0 : i32
    %c0_i32_1 = arith.constant 0 : i32
    return %c0_i32, %c0_i32_0 : i32, i32
  }
  func.func @transform_31(%arg0: i32) -> (i32, i32) {
    %c0_i32 = arith.constant 0 : i32
    %c0_i32_0 = arith.constant 0 : i32
    return %arg0, %c0_i32 : i32, i32
  }
}

</mosaic_0001>

<sc_bundles>
// kernel: kernel.10.cloned.1.call-start
scs
__scs_entry_jumppad:
0x0: {  	(pc) =	sbr.rel $0x88, $3  }
0x1: {  	(tag) =	ssettag $0x0;
	lr =	simm.s32 $0x1  }
0x2: {  	[smem:$0x3F43] =	sst lr;
	_ =	strace $0xD0000000  }
0x3: {  	_ = 	snop  }
0x4: {  	_ = 	snop  }
0x5: {  	_ = 	snop  }
0x6: {  	_ = 	snop  }
0x7: {  	_ = 	snop  }
__scs_overlays_trampoline_lowered:
0x8: {  	[smem:$0x3F52] =	sst s0  }
0x9: {  	[smem:$0x3F53] =	sst s1  }
0xa: {  	[smem:$0x3F54] =	sst s2  }
0xb: {  	[smem:$0x3F55] =	sst s3  }
0xc: {  	[smem:$0x3F56] =	sst s4  }
0xd: {  	[smem:$0x3F57] =	sst s5  }
0xe: {  	[smem:$0x3F58] =	sst s6  }
0xf: {  	[smem:$0x3F59] =	sst s7  }
0x10: {  	[smem:$0x3F5A] =	sst s8  }
0x11: {  	[smem:$0x3F5B] =	sst s9;
	s0 =	simm.s32 @!p0 $0x0  }
0x12: {  	s1 =	sld [smem:$0x3F41];
	s0 =	simm.s32 @p0 $0x1  }
0x13: {  	[smem:$0x3F5C] =	sst s0;
	s0 =	simm.s32 @!p1 $0x0  }
0x14: {  	s2 =	sld [smem:$0x3F40];
	s0 =	simm.s32 @p1 $0x1  }
0x15: {  	[smem:$0x3F5D] =	sst s0;
	s0 =	simm.s32 @!p2 $0x0  }
0x16: {  	s3 =	sld [smem:$0x3FDB];
	s0 =	simm.s32 @p2 $0x1  }
0x17: {  	s4 =	simm.s32 $0x1BF5;
	[smem:$0x3F5F] =	sst s0  }
0x18: {  	s0 =	sld [smem:$0x3F42];
	_ =	swait.ge [sflag:s4], $0x0  }
0x19: {  	s7 =	sld [smem:$0x3F43]  }
0x1a: {  	s8 =	sadd.s32 $0xFFFFE003, lr  }
0x1b: {  	s9 =	sadd.s32 $0xFFFFFEF7, lr;
	s5 =	simm.s32 $0xFFFFFFFF;
	p2 =	slt.u32 s8, $0xFFFFF086  }
0x1c: {  	p1 =	slt.u32 s9, $0xF7A;
	s5 =	simm.s32 @!p2 $0x0  }
0x1d: {  	s5 =	simm.s32 @p1 $0x1;
	p0 =	seq.s32 s7, s2  }
0x1e: {  	s7 =	smul.u32 @!p0 $0xF7A, s2;
	p2 =	seq.s32 @!p0 s5, $0x0  }
0x1f: {  	s9 =	smul.u32 $0xF7A, s1;
	s8 =	simm.s32 @!p0 $0x1BF5;
	p2 =	por !p2, p0  }
0x20: {  	[sflag:s8] =	ssyncset.s32 @!p0 $0xFFFFF086;
	s6 =	sadd.s32 @!p0 s3, s7;
	s7 =	simm.s32 @!p0 $0x108  }
0x21: {  	s3 =	sadd.s32 s3, s9;
	s6 =	sadd.s32 @!p0 $0x88, s6;
	s7 =	simm.s32 @p2 $0x1082  }
0x22: {  	[simem:s7], [sflag:s8] =	dma.local @!p0 [hbm:s6], $0xF7A  }
0x23: {  	s9 =	sor.u32 $0xD0000000, s2;
	s6 =	simm.s32 $0x108;
	_ =	swait.ge @!p0 [sflag:s8], $0x0  }
0x24: {  	s3 =	sadd.s32 $0x88, s3;
	s6 =	simm.s32 @!p1 $0x1082;
	[sflag:s4] =	ssyncset.s32 $0xFFFFF086  }
0x25: {  	[simem:s6], [sflag:s4] =	dma.local [hbm:s3], $0xF7A  }
0x26: {  	[smem:$0x3F43] =	sst s1;
	(tag) =	ssettag s2;
	_ =	strace s9  }
0x27: {  	s1 =	sld [smem:$0x3F53]  }
0x28: {  	s2 =	sld [smem:$0x3F54]  }
0x29: {  	s4 =	sld [smem:$0x3F56]  }
0x2a: {  	p0 =	seq.s32 s5, $0x0;
	s5 =	sld [smem:$0x3F57]  }
0x2b: {  	s6 =	sld [smem:$0x3F58]  }
0x2c: {  	s7 =	sld [smem:$0x3F59]  }
0x2d: {  	s3 =	simm.s32 $0x108;
	s8 =	sld [smem:$0x3F5A]  }
0x2e: {  	s3 =	simm.s32 @!p0 $0x1082;
	s9 =	sld [smem:$0x3F5B]  }
0x2f: {  	lr =	sadd.s32 s0, s3;
	s0 =	sld [smem:$0x3F52]  }
0x30: {  	s3 =	sld [smem:$0x3F55]  }
0x31: {  	[smem:$0x3F5E] =	sst s10  }
0x32: {  	s10 =	sld [smem:$0x3F5C];
	_ =	sdelay $0x3  }
0x33: {  	p0 =	seq.s32 s10, $0x1;
	s10 =	sld [smem:$0x3F5E];
	_ =	sdelay $0x3  }
0x34: {  	[smem:$0x3F5E] =	sst s10  }
0x35: {  	s10 =	sld [smem:$0x3F5D];
	_ =	sdelay $0x3  }
0x36: {  	p1 =	seq.s32 s10, $0x1;
	s10 =	sld [smem:$0x3F5E];
	_ =	sdelay $0x3  }
0x37: {  	[smem:$0x3F5E] =	sst s10  }
0x38: {  	s10 =	sld [smem:$0x3F5F]  }
0x39: {  	_ = 	snop;
	(pc) =	sbr.ind lr, $3  }
0x3a: {  	_ = 	snop  }
0x3b: {  	_ = 	snop  }
0x3c: {  	p2 =	seq.s32 s10, $0x1;
	s10 =	sld [smem:$0x3F5E]  }
0x3d: {  	_ =	shalt  }
0x3e: {  	_ =	shalt  }
0x3f: {  	_ =	shalt  }
0x40: {  	_ =	shalt  }
0x41: {  	_ =	shalt  }
0x42: {  	_ =	shalt  }
0x43: {  	_ =	shalt  }
0x44: {  	_ =	shalt  }
0x45: {  	_ =	shalt  }
0x46: {  	_ =	shalt  }
0x47: {  	_ =	shalt  }
0x48: {  	_ =	shalt  }
0x49: {  	_ =	shalt  }
0x4a: {  	_ =	shalt  }
0x4b: {  	_ =	shalt  }
0x4c: {  	_ =	shalt  }
0x4d: {  	_ =	shalt  }
0x4e: {  	_ =	shalt  }
0x4f: {  	_ =	shalt  }
0x50: {  	_ =	shalt  }
0x51: {  	_ =	shalt  }
0x52: {  	_ =	shalt  }
0x53: {  	_ =	shalt  }
0x54: {  	_ =	shalt  }
0x55: {  	_ =	shalt  }
0x56: {  	_ =	shalt  }
0x57: {  	_ =	shalt  }
0x58: {  	_ =	shalt  }
0x59: {  	_ =	shalt  }
0x5a: {  	_ =	shalt  }
0x5b: {  	_ =	shalt  }
0x5c: {  	_ =	shalt  }
0x5d: {  	_ =	shalt  }
0x5e: {  	_ =	shalt  }
0x5f: {  	_ =	shalt  }
0x60: {  	_ =	shalt  }
0x61: {  	_ =	shalt  }
0x62: {  	_ =	shalt  }
0x63: {  	_ =	shalt  }
0x64: {  	_ =	shalt  }
0x65: {  	_ =	shalt  }
0x66: {  	_ =	shalt  }
0x67: {  	_ =	shalt  }
0x68: {  	_ =	shalt  }
0x69: {  	_ =	shalt  }
0x6a: {  	_ =	shalt  }
0x6b: {  	_ =	shalt  }
0x6c: {  	_ =	shalt  }
0x6d: {  	_ =	shalt  }
0x6e: {  	_ =	shalt  }
0x6f: {  	_ =	shalt  }
0x70: {  	_ =	shalt  }
0x71: {  	_ =	shalt  }
0x72: {  	_ =	shalt  }
0x73: {  	_ =	shalt  }
0x74: {  	_ =	shalt  }
0x75: {  	_ =	shalt  }
0x76: {  	_ =	shalt  }
0x77: {  	_ =	shalt  }
0x78: {  	_ =	shalt  }
0x79: {  	_ =	shalt  }
0x7a: {  	_ =	shalt  }
0x7b: {  	_ =	shalt  }
0x7c: {  	_ =	shalt  }
0x7d: {  	_ =	shalt  }
0x7e: {  	_ =	shalt  }
0x7f: {  	_ =	shalt  }
0x80: {  	_ =	shalt  }
0x81: {  	_ =	shalt  }
0x82: {  	_ =	shalt  }
0x83: {  	_ =	shalt  }
0x84: {  	_ =	shalt  }
0x85: {  	_ =	shalt  }
0x86: {  	_ =	shalt  }
0x87: {  	_ =	shalt  }
.Lfunc_end0:
.L_simem_size_0:
called_computation_lowered:
.L_overlay_start_0:
0x88: {  	s2 =	sld [smem:$0x3FD9]  }
0x89: {  	s3 =	sld [smem:$0x3FFE];
	_ =	sdelay $0x1  }
0x8a: {  	s1 =	srdreg.scid  }
0x8b: {  	s0 =	sand.u32 $0x1, s1  }
0x8c: {  	s17 =	sshll.u32 s0, $0xA;
	s2 =	sadd.s32 s3, s2  }
0x8d: {  	s2 =	sadd.s32 s2, s17  }
0x8e: {  	[smem:$0x3F6A] =	sst s2  }
0x8f: {  	_ = 	snop  }
0x90: {  	s2 =	sld [smem:$0x3FC9];
	(tm) =	ssettm $0x1  }
0x91: {  	s18 =	sld [smem:$0x3FFB];
	_ =	sdelay $0x3  }
0x92: {  	_ =	strace s18  }
0x93: {  	s3 =	sld [smem:$0x3FFC];
	_ =	sdelay $0x3  }
0x94: {  	_ =	strace s3  }
0x95: {  	s3 =	sld [smem:$0x3FFD];
	_ =	sdelay $0x3  }
0x96: {  	_ =	strace s3  }
0x97: {  	_ =	strace $0x8FFFFFFF  }
0x98: {  	s19 =	sld [smem:$0x3FDB];
	_ =	sdelay $0x1  }
0x99: {  	s4 =	simm.s32 $_scs_section_size  }
0x9a: {  	s5 =	simm.s32 $_size__tile_overlayer_lowered;
	s6 =	simm.s32 $_tile_overlayer_lowered  }
0x9b: {  	s22 =	simm.s32 $0x1BFF;
	s21 =	sshll.u32 s6, $0x1;
	s3 =	sadd.s32 s4, s19  }
0x9c: {  	s7 =	simm.s32 $0x0;
	s20 =	sshll.u32 s5, $0x1;
	s5 =	sadd.s32 s21, s3  }
0x9d: {  	[timem:s7], [sflag:s22] =	dma.local [hbm:s5], s20  }
0x9e: {  	_ =	swait.ge [sflag:s22], s20  }
0x9f: {  	s4 =	ssub.s32 $0x0, s20;
	[sflag:s22] =	ssyncset.done $0x0  }
0xa0: {  	[sflag:s22] =	ssyncadd.s32 s4;
	_ =	sdelay $0x1  }
0xa1: {  	s23 =	simm.s32 $0x1B8B  }
0xa2: {  	_ =	swait.ge [sflag:s23], $0x1  }
0xa3: {  	[sflag:s23] =	ssyncset.done $0x0  }
0xa4: {  	s25 =	simm.s32 $0x1B8E;
	s24 =	sld [smem:$0x3FFE];
	[sflag:s23] =	ssyncadd.s32 $0xFFFFFFFF  }
0xa5: {  	s26 =	simm.s32 $execute0_lowered;
	[smem:$0x3FD2] =	sst s25  }
0xa6: {  	s5 =	sshll.u32 s26, $0x1;
	_ =	strace $0x80000046;
	[dreg:$0x1] =	wrdreg $0xFFFFFFFF  }
0xa7: {  	s28 =	simm.s32 $_size_execute0_lowered;
	s3 =	sadd.s32 s3, s5;
	[dreg:$0x0] =	wrdreg $0x0  }
0xa8: {  	s5 =	sshll.u32 s28, $0x1;
	[dreg:$0x2] =	wrdreg s3  }
0xa9: {  	[dreg:$0x3] =	wrdreg s5  }
0xaa: {  	[dreg:$0x4] =	wrdreg $0xC0  }
0xab: {  	_ =	task [dreg:s7], $0x5FFFF  }
0xac: {  	[dreg:$0x1] =	wrdreg $0xFFFFFFFF  }
0xad: {  	[dreg:$0x0] =	wrdreg $0x60  }
0xae: {  	[dreg:$0x2] =	wrdreg s2  }
0xaf: {  	[dreg:$0x3] =	wrdreg s24  }
0xb0: {  	[dreg:$0x4] =	wrdreg $0x9  }
0xb1: {  	_ =	task.clear_ibuf [dreg:s7], $0x5FFFF;
	_ =	strace $0x90000046  }
0xb2: {  	s29 =	simm.s32 $0x9;
	_ =	strace $0x80000048  }
0xb3: {  	_ =	swait.ge [sflag:s29], $0x1  }
0xb4: {  	[sflag:s29] =	ssyncadd.s32 $0xFFFFFFFF  }
0xb5: {  	_ =	strace $0x90000048  }
0xb6: {  	_ =	sfence  }
0xb7: {  	s30 =	sld [smem:$0x0];
	_ =	sdelay $0x2  }
0xb8: {  	s31 =	sshll.u32 s1, $0xD;
	s1 =	sshrl.u32 s1, $0x2  }
0xb9: {  	s3 =	sand.u32 $0x4000, s31;
	s1 =	sadd.s32 s1, s30  }
0xba: {  	s0 =	sor.u32 s3, s0;
	s1 =	sshll.u32 s1, $0x11  }
0xbb: {  	s0 =	sor.u32 s1, s0  }
0xbc: {  	s0 =	sadd.s32 $0x8F2B, s0  }
0xbd: {  	[sflag:s0] =	ssyncadd.remote.s32 $0x1  }
0xbe: {  	_ =	sfence.sel $0xFFFF  }
0xbf: {  	[dreg:$0x0] =	wrdreg $0xFFFFFFFF;
	(pc) =	sbr.abs _section_cstart, $3  }
0xc0: {  	[dreg:$0x1] =	wrdreg $0xFFFFFFFF  }
0xc1: {  	_ =	task.clear_ibuf [dreg:s7], $0x2FFFF;
	_ =	strace $0x9FFFFFFF  }
0xc2: {  	(tm) =	ssettm $0x7FFFFFFF  }
0xc3: {  	_ =	shalt  }
tec
execute0_lowered:
.L_overlay_start_1:
0x0: {  	(tag) =	ssettag $0x1  }
0x1: {  	s2 =	rddreg [dreg:$0x0];
	s1 =	srdreg.scid  }
0x2: {  	s0 =	stileid.u32;
	s4 =	rddreg [dreg:$0x1];
	s3 =	simm.s32 $0x0  }
0x3: {  	s10 =	simm.s32 $0x1;
	s11 =	simm.s32 $0x0;
	s6 =	smul.u32 $0x2710, s0  }
0x4: {  	s5 =	sand.u32 $0x1, s1;
	s1 =	rddreg [dreg:$0x2];
	s8 =	smul.u32 $0x27100, s0  }
0x5: {  	[smem:$0x7FF] =	sst s3;
	s7 =	smul.u32 $0x1388, s5;
	s9 =	ssub.s32 $0x2, s5  }
0x6: {  	_ =	strace $0x80000047;
	s5 =	smul.u32 $0x13880, s5;
	s31 =	sshrl.u32 s9, $0x1  }
0x7: {  	s30 =	sadd.s32 s8, s4;
	s6 =	sadd.s32 s7, s6;
	s8 =	ssub.s32 s9, s31  }
0x8: {  	s5 =	sadd.s32 s5, s30;
	s7 =	simm.s32 $0x2;
	s6 =	sshrl.u32 s6, $0x3  }
0x9: {  	s9 =	simm.s32 $0x100;
	s5 =	sadd.s32 $0x16800, s5;
	s6 =	sadd.s32 s6, s4  }
0xa: {  	s4 =	smax.u32 s8, $0x1;
	s8 =	simm.s32 $0xC8;
	s6 =	sadd.s32 $0x11800, s6  }
.LBB2_1:
0xb: {  	s12 =	sadd.s32 $0x0, s6  }
0xc: {  	[tilespmem:s3], [sflag:$0x2] =	stream.linear.gather [hbm4b:s12+s3], $0xC8, $0x38;
	[tilespmem:$0x6500] =	vst v63  }
0xd: {  	_ =	swait.ge [sflag:s7], $0xC8  }
0xe: {  	[sflag:s7] =	ssyncset.done $0x0  }
0xf: {  	[sflag:s7] =	ssyncadd.s32 $0xFFFFFF38  }
0x10: {  	[tilespmem:s9], [sflag:$0x1] =	stream.indirect.gather [hbm4b:s2+s8], $0x80, s3, s8, $0xb8;
	[tilespmem:$0x6500] =	vst v63  }
0x11: {  	_ =	swait.ge [sflag:s10], $0x6400  }
0x12: {  	[sflag:s10] =	ssyncset.done $0x0  }
0x13: {  	[sflag:s10] =	ssyncadd.s32 $0xFFFF9C00  }
0x14: {  	[hbm4b:s5+s3] =	stream.linear.scatter [tilespmem:s9], [sflag:$0x2], $0x6400, $0x38;
	[tilespmem:$0x6500] =	vst v63  }
0x15: {  	s13 =	simm.s32 $0x19;
	_ =	swait.ge [sflag:s7], $0x6400  }
0x16: {  	s14 =	simm.s32 $0x32;
	s12 =	sadd.s32 $0xC80, s5;
	[sflag:s7] =	ssyncset.done $0x0  }
.LBB2_2:
0x17: {  	s15 =	sadd.s32 s13, s6  }
0x18: {  	[sflag:s7] =	ssyncadd.s32 $0xFFFF9C00;
	s13 =	smov.u32 s14;
	s16 =	sadd.s32 $0x19, s14  }
0x19: {  	[tilespmem:s3], [sflag:$0x2] =	stream.linear.gather [hbm4b:s15+s3], $0xC8, $0x38;
	[tilespmem:$0x6500] =	vst v63  }
0x1a: {  	p0 =	sne.s32 s14, $0x258;
	_ =	swait.ge [sflag:s7], $0xC8  }
0x1b: {  	[sflag:s7] =	ssyncset.done $0x0  }
0x1c: {  	[sflag:s7] =	ssyncadd.s32 $0xFFFFFF38  }
0x1d: {  	[tilespmem:s9], [sflag:$0x1] =	stream.indirect.gather [hbm4b:s2+s8], $0x80, s3, s8, $0xb8;
	[tilespmem:$0x6500] =	vst v63  }
0x1e: {  	_ =	swait.ge [sflag:s10], $0x6400  }
.Ltmp0:
0x1f: {  	[sflag:s10] =	ssyncset.done $0x0;
	(pc) =	sbr.rel @p0 .LBB2_2-.Ltmp0, $4  }
0x20: {  	[sflag:s10] =	ssyncadd.s32 $0xFFFF9C00  }
0x21: {  	[hbm4b:s12+s3] =	stream.linear.scatter [tilespmem:s9], [sflag:$0x2], $0x6400, $0x38;
	[tilespmem:$0x6500] =	vst v63  }
0x22: {  	_ =	swait.ge [sflag:s7], $0x6400  }
0x23: {  	s14 =	smov.u32 s16;
	s12 =	sadd.s32 $0xC80, s12;
	[sflag:s7] =	ssyncset.done $0x0  }
0x24: {  	s13 =	sadd.s32 s13, s6;
	[sflag:s7] =	ssyncadd.s32 $0xFFFF9C00  }
0x25: {  	[tilespmem:s3], [sflag:$0x2] =	stream.linear.gather [hbm4b:s13+s3], $0xC8, $0x38;
	[tilespmem:$0x6500] =	vst v63  }
0x26: {  	_ =	swait.ge [sflag:s7], $0xC8  }
0x27: {  	[sflag:s7] =	ssyncset.done $0x0  }
0x28: {  	[sflag:s7] =	ssyncadd.s32 $0xFFFFFF38  }
0x29: {  	[tilespmem:s9], [sflag:$0x1] =	stream.indirect.gather [hbm4b:s2+s8], $0x80, s3, s8, $0xb8;
	[tilespmem:$0x6500] =	vst v63  }
0x2a: {  	s11 =	sadd.s32 $0x1, s11;
	_ =	swait.ge [sflag:s10], $0x6400  }
0x2b: {  	p0 =	sne.s32 s11, s4;
	[sflag:s10] =	ssyncset.done $0x0  }
.Ltmp1:
0x2c: {  	[sflag:s10] =	ssyncadd.s32 $0xFFFF9C00;
	(pc) =	sbr.rel @p0 .LBB2_1-.Ltmp1, $4  }
0x2d: {  	[hbm4b:s12+s3] =	stream.linear.scatter [tilespmem:s9], [sflag:$0x2], $0x6400, $0x38;
	[tilespmem:$0x6500] =	vst v63  }
0x2e: {  	_ =	swait.ge [sflag:s7], $0x6400  }
0x2f: {  	[sflag:s7] =	ssyncset.done $0x0  }
0x30: {  	[sflag:s7] =	ssyncadd.s32 $0xFFFF9C00  }
0x31: {  	_ =	sfence.sel $0x180000  }
0x32: {  	[bflag:$0x0] =	sbarrier.arrive $0xFFFF  }
0x33: {  	p0 =	sne.s32 s0, $0x0;
	_ =	strace $0x90000047  }
0x34: {  	s0 =	sadd.s32 @!p0 $0x100000, s1;
	[bflag:$0x2] =	sbarrier.arrive $0xFFFF  }
0x35: {  	[sflag:s0] =	ssyncadd.tile.s32 @!p0 $0x1;
	_ =	shalt  }
.Lfunc_end2:
_tile_overlayer_lowered:
.L_overlay_start_2:
0x36: {  	(tag) =	ssettag $0x2  }
0x37: {  	s0 =	rddreg [dreg:$0x0];
	s2 =	stileid.u32  }
0x38: {  	s1 =	rddreg [dreg:$0x1];
	p0 =	sne.s32 s2, $0x0  }
0x39: {  	s3 =	rddreg [dreg:$0x2];
	[bflag:$0x3] =	sbarrier.arrive $0xFFFF;
	s2 =	simm.s32 @!p0 $0x1C02  }
0x3a: {  	[timem:s3], [sflag:s2] =	dma.local @!p0 [hbm:s0], s1  }
0x3b: {  	s0 =	simm.s32 @!p0 $0x2  }
0x3c: {  	_ =	swait.ge @!p0 [sflag:s0], s1  }
0x3d: {  	s1 =	ssub.s32 @!p0 $0x0, s1;
	[sflag:s0] =	ssyncset.done @!p0 $0x0  }
0x3e: {  	[sflag:s0] =	ssyncadd.s32 @!p0 s1  }
0x3f: {  	[bflag:$0x3] =	sbarrier.arrive $0xFFFF  }
0x40: {  	_ =	shalt  }

// kernel: kernel.13.cloned.1.call-start
scs
__scs_entry_jumppad:
0x0: {  	(pc) =	sbr.rel $0x88, $3  }
0x1: {  	(tag) =	ssettag $0x0;
	lr =	simm.s32 $0x1  }
0x2: {  	[smem:$0x3F43] =	sst lr;
	_ =	strace $0xD0000000  }
0x3: {  	_ = 	snop  }
0x4: {  	_ = 	snop  }
0x5: {  	_ = 	snop  }
0x6: {  	_ = 	snop  }
0x7: {  	_ = 	snop  }
__scs_overlays_trampoline_lowered:
0x8: {  	[smem:$0x3F52] =	sst s0  }
0x9: {  	[smem:$0x3F53] =	sst s1  }
0xa: {  	[smem:$0x3F54] =	sst s2  }
0xb: {  	[smem:$0x3F55] =	sst s3  }
0xc: {  	[smem:$0x3F56] =	sst s4  }
0xd: {  	[smem:$0x3F57] =	sst s5  }
0xe: {  	[smem:$0x3F58] =	sst s6  }
0xf: {  	[smem:$0x3F59] =	sst s7  }
0x10: {  	[smem:$0x3F5A] =	sst s8  }
0x11: {  	[smem:$0x3F5B] =	sst s9;
	s0 =	simm.s32 @!p0 $0x0  }
0x12: {  	s1 =	sld [smem:$0x3F41];
	s0 =	simm.s32 @p0 $0x1  }
0x13: {  	[smem:$0x3F5C] =	sst s0;
	s0 =	simm.s32 @!p1 $0x0  }
0x14: {  	s2 =	sld [smem:$0x3F40];
	s0 =	simm.s32 @p1 $0x1  }
0x15: {  	[smem:$0x3F5D] =	sst s0;
	s0 =	simm.s32 @!p2 $0x0  }
0x16: {  	s3 =	sld [smem:$0x3FDB];
	s0 =	simm.s32 @p2 $0x1  }
0x17: {  	s4 =	simm.s32 $0x1BF5;
	[smem:$0x3F5F] =	sst s0  }
0x18: {  	s0 =	sld [smem:$0x3F42];
	_ =	swait.ge [sflag:s4], $0x0  }
0x19: {  	s7 =	sld [smem:$0x3F43]  }
0x1a: {  	s8 =	sadd.s32 $0xFFFFE003, lr  }
0x1b: {  	s9 =	sadd.s32 $0xFFFFFEF7, lr;
	s5 =	simm.s32 $0xFFFFFFFF;
	p2 =	slt.u32 s8, $0xFFFFF086  }
0x1c: {  	p1 =	slt.u32 s9, $0xF7A;
	s5 =	simm.s32 @!p2 $0x0  }
0x1d: {  	s5 =	simm.s32 @p1 $0x1;
	p0 =	seq.s32 s7, s2  }
0x1e: {  	s7 =	smul.u32 @!p0 $0xF7A, s2;
	p2 =	seq.s32 @!p0 s5, $0x0  }
0x1f: {  	s9 =	smul.u32 $0xF7A, s1;
	s8 =	simm.s32 @!p0 $0x1BF5;
	p2 =	por !p2, p0  }
0x20: {  	[sflag:s8] =	ssyncset.s32 @!p0 $0xFFFFF086;
	s6 =	sadd.s32 @!p0 s3, s7;
	s7 =	simm.s32 @!p0 $0x108  }
0x21: {  	s3 =	sadd.s32 s3, s9;
	s6 =	sadd.s32 @!p0 $0x88, s6;
	s7 =	simm.s32 @p2 $0x1082  }
0x22: {  	[simem:s7], [sflag:s8] =	dma.local @!p0 [hbm:s6], $0xF7A  }
0x23: {  	s9 =	sor.u32 $0xD0000000, s2;
	s6 =	simm.s32 $0x108;
	_ =	swait.ge @!p0 [sflag:s8], $0x0  }
0x24: {  	s3 =	sadd.s32 $0x88, s3;
	s6 =	simm.s32 @!p1 $0x1082;
	[sflag:s4] =	ssyncset.s32 $0xFFFFF086  }
0x25: {  	[simem:s6], [sflag:s4] =	dma.local [hbm:s3], $0xF7A  }
0x26: {  	[smem:$0x3F43] =	sst s1;
	(tag) =	ssettag s2;
	_ =	strace s9  }
0x27: {  	s1 =	sld [smem:$0x3F53]  }
0x28: {  	s2 =	sld [smem:$0x3F54]  }
0x29: {  	s4 =	sld [smem:$0x3F56]  }
0x2a: {  	p0 =	seq.s32 s5, $0x0;
	s5 =	sld [smem:$0x3F57]  }
0x2b: {  	s6 =	sld [smem:$0x3F58]  }
0x2c: {  	s7 =	sld [smem:$0x3F59]  }
0x2d: {  	s3 =	simm.s32 $0x108;
	s8 =	sld [smem:$0x3F5A]  }
0x2e: {  	s3 =	simm.s32 @!p0 $0x1082;
	s9 =	sld [smem:$0x3F5B]  }
0x2f: {  	lr =	sadd.s32 s0, s3;
	s0 =	sld [smem:$0x3F52]  }
0x30: {  	s3 =	sld [smem:$0x3F55]  }
0x31: {  	[smem:$0x3F5E] =	sst s10  }
0x32: {  	s10 =	sld [smem:$0x3F5C];
	_ =	sdelay $0x3  }
0x33: {  	p0 =	seq.s32 s10, $0x1;
	s10 =	sld [smem:$0x3F5E];
	_ =	sdelay $0x3  }
0x34: {  	[smem:$0x3F5E] =	sst s10  }
0x35: {  	s10 =	sld [smem:$0x3F5D];
	_ =	sdelay $0x3  }
0x36: {  	p1 =	seq.s32 s10, $0x1;
	s10 =	sld [smem:$0x3F5E];
	_ =	sdelay $0x3  }
0x37: {  	[smem:$0x3F5E] =	sst s10  }
0x38: {  	s10 =	sld [smem:$0x3F5F]  }
0x39: {  	_ = 	snop;
	(pc) =	sbr.ind lr, $3  }
0x3a: {  	_ = 	snop  }
0x3b: {  	_ = 	snop  }
0x3c: {  	p2 =	seq.s32 s10, $0x1;
	s10 =	sld [smem:$0x3F5E]  }
0x3d: {  	_ =	shalt  }
0x3e: {  	_ =	shalt  }
0x3f: {  	_ =	shalt  }
0x40: {  	_ =	shalt  }
0x41: {  	_ =	shalt  }
0x42: {  	_ =	shalt  }
0x43: {  	_ =	shalt  }
0x44: {  	_ =	shalt  }
0x45: {  	_ =	shalt  }
0x46: {  	_ =	shalt  }
0x47: {  	_ =	shalt  }
0x48: {  	_ =	shalt  }
0x49: {  	_ =	shalt  }
0x4a: {  	_ =	shalt  }
0x4b: {  	_ =	shalt  }
0x4c: {  	_ =	shalt  }
0x4d: {  	_ =	shalt  }
0x4e: {  	_ =	shalt  }
0x4f: {  	_ =	shalt  }
0x50: {  	_ =	shalt  }
0x51: {  	_ =	shalt  }
0x52: {  	_ =	shalt  }
0x53: {  	_ =	shalt  }
0x54: {  	_ =	shalt  }
0x55: {  	_ =	shalt  }
0x56: {  	_ =	shalt  }
0x57: {  	_ =	shalt  }
0x58: {  	_ =	shalt  }
0x59: {  	_ =	shalt  }
0x5a: {  	_ =	shalt  }
0x5b: {  	_ =	shalt  }
0x5c: {  	_ =	shalt  }
0x5d: {  	_ =	shalt  }
0x5e: {  	_ =	shalt  }
0x5f: {  	_ =	shalt  }
0x60: {  	_ =	shalt  }
0x61: {  	_ =	shalt  }
0x62: {  	_ =	shalt  }
0x63: {  	_ =	shalt  }
0x64: {  	_ =	shalt  }
0x65: {  	_ =	shalt  }
0x66: {  	_ =	shalt  }
0x67: {  	_ =	shalt  }
0x68: {  	_ =	shalt  }
0x69: {  	_ =	shalt  }
0x6a: {  	_ =	shalt  }
0x6b: {  	_ =	shalt  }
0x6c: {  	_ =	shalt  }
0x6d: {  	_ =	shalt  }
0x6e: {  	_ =	shalt  }
0x6f: {  	_ =	shalt  }
0x70: {  	_ =	shalt  }
0x71: {  	_ =	shalt  }
0x72: {  	_ =	shalt  }
0x73: {  	_ =	shalt  }
0x74: {  	_ =	shalt  }
0x75: {  	_ =	shalt  }
0x76: {  	_ =	shalt  }
0x77: {  	_ =	shalt  }
0x78: {  	_ =	shalt  }
0x79: {  	_ =	shalt  }
0x7a: {  	_ =	shalt  }
0x7b: {  	_ =	shalt  }
0x7c: {  	_ =	shalt  }
0x7d: {  	_ =	shalt  }
0x7e: {  	_ =	shalt  }
0x7f: {  	_ =	shalt  }
0x80: {  	_ =	shalt  }
0x81: {  	_ =	shalt  }
0x82: {  	_ =	shalt  }
0x83: {  	_ =	shalt  }
0x84: {  	_ =	shalt  }
0x85: {  	_ =	shalt  }
0x86: {  	_ =	shalt  }
0x87: {  	_ =	shalt  }
.Lfunc_end0:
.L_simem_size_0:
called_computation.1_lowered:
.L_overlay_start_0:
0x88: {  	s2 =	sld [smem:$0x3FD9]  }
0x89: {  	s3 =	sld [smem:$0x3FFE];
	_ =	sdelay $0x1  }
0x8a: {  	s1 =	srdreg.scid  }
0x8b: {  	s0 =	sand.u32 $0x1, s1  }
0x8c: {  	s14 =	sshll.u32 s0, $0xA;
	s2 =	sadd.s32 s3, s2  }
0x8d: {  	s2 =	sadd.s32 s2, s14  }
0x8e: {  	[smem:$0x3F6A] =	sst s2  }
0x8f: {  	_ = 	snop  }
0x90: {  	s2 =	sld [smem:$0x3FD0];
	_ =	sdelay $0x2  }
0x91: {  	s15 =	simm.s32 $0xA;
	s4 =	simm.s32 $0x10  }
0x92: {  	[smem:s4], [sflag:s15] =	dma.local [hbm:s2], $0x1  }
0x93: {  	_ =	swait.eq [sflag:s15], $0x1  }
0x94: {  	[sflag:s15] =	ssyncset.done $0x0  }
0x95: {  	[sflag:s15] =	ssyncadd.s32 $0xFFFFFFFF  }
0x96: {  	s16 =	sld [smem:$0x11];
	(tm) =	ssettm $0x1  }
0x97: {  	s17 =	sld [smem:$0x3FFB];
	_ =	sdelay $0x3  }
0x98: {  	_ =	strace s17  }
0x99: {  	s3 =	sld [smem:$0x3FFC];
	_ =	sdelay $0x3  }
0x9a: {  	_ =	strace s3  }
0x9b: {  	s3 =	sld [smem:$0x3FFD];
	_ =	sdelay $0x3  }
0x9c: {  	_ =	strace s3  }
0x9d: {  	_ =	strace $0x8FFFFFFF  }
0x9e: {  	s18 =	sld [smem:$0x3FDB];
	_ =	sdelay $0x1  }
0x9f: {  	s19 =	simm.s32 $_scs_section_size  }
0xa0: {  	s5 =	simm.s32 $_size__tile_overlayer_lowered;
	s6 =	simm.s32 $_tile_overlayer_lowered  }
0xa1: {  	s22 =	simm.s32 $0x1BFF;
	s21 =	sshll.u32 s6, $0x1;
	s3 =	sadd.s32 s19, s18  }
0xa2: {  	s7 =	simm.s32 $0x0;
	s20 =	sshll.u32 s5, $0x1;
	s5 =	sadd.s32 s21, s3  }
0xa3: {  	[timem:s7], [sflag:s22] =	dma.local [hbm:s5], s20  }
0xa4: {  	_ =	swait.ge [sflag:s22], s20  }
0xa5: {  	s4 =	ssub.s32 $0x0, s20;
	[sflag:s22] =	ssyncset.done $0x0  }
0xa6: {  	[sflag:s22] =	ssyncadd.s32 s4;
	_ =	sdelay $0x1  }
0xa7: {  	s23 =	simm.s32 $0x1B8B  }
0xa8: {  	_ =	swait.ge [sflag:s23], $0x1  }
0xa9: {  	[sflag:s23] =	ssyncset.done $0x0  }
0xaa: {  	s25 =	simm.s32 $0x1B8E;
	s24 =	sld [smem:$0x3FFE];
	[sflag:s23] =	ssyncadd.s32 $0xFFFFFFFF  }
0xab: {  	s26 =	simm.s32 $execute0_lowered;
	[smem:$0x3FD2] =	sst s25  }
0xac: {  	s5 =	sshll.u32 s26, $0x1;
	_ =	strace $0x80000049;
	[dreg:$0x1] =	wrdreg $0xFFFFFFFF  }
0xad: {  	s28 =	simm.s32 $_size_execute0_lowered;
	s3 =	sadd.s32 s3, s5;
	[dreg:$0x0] =	wrdreg $0x0  }
0xae: {  	s5 =	sshll.u32 s28, $0x1;
	[dreg:$0x2] =	wrdreg s3  }
0xaf: {  	[dreg:$0x3] =	wrdreg s5  }
0xb0: {  	[dreg:$0x4] =	wrdreg $0xC0  }
0xb1: {  	_ =	task [dreg:s7], $0x5FFFF  }
0xb2: {  	[dreg:$0x1] =	wrdreg $0xFFFFFFFF  }
0xb3: {  	[dreg:$0x0] =	wrdreg $0x60  }
0xb4: {  	[dreg:$0x2] =	wrdreg s16  }
0xb5: {  	[dreg:$0x3] =	wrdreg s24  }
0xb6: {  	[dreg:$0x4] =	wrdreg $0x9  }
0xb7: {  	_ =	task.clear_ibuf [dreg:s7], $0x5FFFF;
	_ =	strace $0x90000049  }
0xb8: {  	s29 =	simm.s32 $0x9;
	_ =	strace $0x8000004B  }
0xb9: {  	_ =	swait.ge [sflag:s29], $0x1  }
0xba: {  	[sflag:s29] =	ssyncadd.s32 $0xFFFFFFFF  }
0xbb: {  	_ =	strace $0x9000004B  }
0xbc: {  	_ =	sfence  }
0xbd: {  	s30 =	sld [smem:$0x0];
	_ =	sdelay $0x2  }
0xbe: {  	s31 =	sshll.u32 s1, $0xD;
	s1 =	sshrl.u32 s1, $0x2  }
0xbf: {  	s3 =	sand.u32 $0x4000, s31;
	s1 =	sadd.s32 s1, s30  }
0xc0: {  	s0 =	sor.u32 s3, s0;
	s1 =	sshll.u32 s1, $0x11  }
0xc1: {  	s0 =	sor.u32 s1, s0  }
0xc2: {  	s0 =	sadd.s32 $0x8F2B, s0  }
0xc3: {  	[sflag:s0] =	ssyncadd.remote.s32 $0x1  }
0xc4: {  	_ =	sfence.sel $0xFFFF  }
0xc5: {  	[dreg:$0x0] =	wrdreg $0xFFFFFFFF;
	(pc) =	sbr.abs _section_cstart, $3  }
0xc6: {  	[dreg:$0x1] =	wrdreg $0xFFFFFFFF  }
0xc7: {  	_ =	task.clear_ibuf [dreg:s7], $0x2FFFF;
	_ =	strace $0x9FFFFFFF  }
0xc8: {  	(tm) =	ssettm $0x7FFFFFFF  }
0xc9: {  	_ =	shalt  }
tec
execute0_lowered:
.L_overlay_start_1:
0x0: {  	(tag) =	ssettag $0x1  }
0x1: {  	s2 =	rddreg [dreg:$0x0];
	s1 =	srdreg.scid  }
0x2: {  	s0 =	stileid.u32;
	s4 =	rddreg [dreg:$0x1];
	s3 =	simm.s32 $0x0  }
0x3: {  	s10 =	simm.s32 $0x1;
	s11 =	simm.s32 $0x0;
	s6 =	smul.u32 $0x2710, s0  }
0x4: {  	s5 =	sand.u32 $0x1, s1;
	s1 =	rddreg [dreg:$0x2];
	s8 =	smul.u32 $0x27100, s0  }
0x5: {  	[smem:$0x7FF] =	sst s3;
	s7 =	smul.u32 $0x1388, s5;
	s9 =	ssub.s32 $0x2, s5  }
0x6: {  	_ =	strace $0x8000004A;
	s5 =	smul.u32 $0x13880, s5;
	s31 =	sshrl.u32 s9, $0x1  }
0x7: {  	s30 =	sadd.s32 s8, s4;
	s6 =	sadd.s32 s7, s6;
	s8 =	ssub.s32 s9, s31  }
0x8: {  	s5 =	sadd.s32 s5, s30;
	s7 =	simm.s32 $0x2;
	s6 =	sshrl.u32 s6, $0x3  }
0x9: {  	s9 =	simm.s32 $0x100;
	s5 =	sadd.s32 $0x16800, s5;
	s6 =	sadd.s32 s6, s4  }
0xa: {  	s4 =	smax.u32 s8, $0x1;
	s8 =	simm.s32 $0xC8;
	s6 =	sadd.s32 $0x11800, s6  }
.LBB2_1:
0xb: {  	s12 =	sadd.s32 $0x0, s6  }
0xc: {  	[tilespmem:s3], [sflag:$0x2] =	stream.linear.gather [hbm4b:s12+s3], $0xC8, $0x38;
	[tilespmem:$0x6500] =	vst v63  }
0xd: {  	_ =	swait.ge [sflag:s7], $0xC8  }
0xe: {  	[sflag:s7] =	ssyncset.done $0x0  }
0xf: {  	[sflag:s7] =	ssyncadd.s32 $0xFFFFFF38  }
0x10: {  	[tilespmem:s9], [sflag:$0x1] =	stream.indirect.gather [hbm4b:s2+s8], $0x80, s3, s8, $0xb8;
	[tilespmem:$0x6500] =	vst v63  }
0x11: {  	_ =	swait.ge [sflag:s10], $0x6400  }
0x12: {  	[sflag:s10] =	ssyncset.done $0x0  }
0x13: {  	[sflag:s10] =	ssyncadd.s32 $0xFFFF9C00  }
0x14: {  	[hbm4b:s5+s3] =	stream.linear.scatter [tilespmem:s9], [sflag:$0x2], $0x6400, $0x38;
	[tilespmem:$0x6500] =	vst v63  }
0x15: {  	s13 =	simm.s32 $0x19;
	_ =	swait.ge [sflag:s7], $0x6400  }
0x16: {  	s14 =	simm.s32 $0x32;
	s12 =	sadd.s32 $0xC80, s5;
	[sflag:s7] =	ssyncset.done $0x0  }
.LBB2_2:
0x17: {  	s15 =	sadd.s32 s13, s6  }
0x18: {  	[sflag:s7] =	ssyncadd.s32 $0xFFFF9C00;
	s13 =	smov.u32 s14;
	s16 =	sadd.s32 $0x19, s14  }
0x19: {  	[tilespmem:s3], [sflag:$0x2] =	stream.linear.gather [hbm4b:s15+s3], $0xC8, $0x38;
	[tilespmem:$0x6500] =	vst v63  }
0x1a: {  	p0 =	sne.s32 s14, $0x258;
	_ =	swait.ge [sflag:s7], $0xC8  }
0x1b: {  	[sflag:s7] =	ssyncset.done $0x0  }
0x1c: {  	[sflag:s7] =	ssyncadd.s32 $0xFFFFFF38  }
0x1d: {  	[tilespmem:s9], [sflag:$0x1] =	stream.indirect.gather [hbm4b:s2+s8], $0x80, s3, s8, $0xb8;
	[tilespmem:$0x6500] =	vst v63  }
0x1e: {  	_ =	swait.ge [sflag:s10], $0x6400  }
.Ltmp0:
0x1f: {  	[sflag:s10] =	ssyncset.done $0x0;
	(pc) =	sbr.rel @p0 .LBB2_2-.Ltmp0, $4  }
0x20: {  	[sflag:s10] =	ssyncadd.s32 $0xFFFF9C00  }
0x21: {  	[hbm4b:s12+s3] =	stream.linear.scatter [tilespmem:s9], [sflag:$0x2], $0x6400, $0x38;
	[tilespmem:$0x6500] =	vst v63  }
0x22: {  	_ =	swait.ge [sflag:s7], $0x6400  }
0x23: {  	s14 =	smov.u32 s16;
	s12 =	sadd.s32 $0xC80, s12;
	[sflag:s7] =	ssyncset.done $0x0  }
0x24: {  	s13 =	sadd.s32 s13, s6;
	[sflag:s7] =	ssyncadd.s32 $0xFFFF9C00  }
0x25: {  	[tilespmem:s3], [sflag:$0x2] =	stream.linear.gather [hbm4b:s13+s3], $0xC8, $0x38;
	[tilespmem:$0x6500] =	vst v63  }
0x26: {  	_ =	swait.ge [sflag:s7], $0xC8  }
0x27: {  	[sflag:s7] =	ssyncset.done $0x0  }
0x28: {  	[sflag:s7] =	ssyncadd.s32 $0xFFFFFF38  }
0x29: {  	[tilespmem:s9], [sflag:$0x1] =	stream.indirect.gather [hbm4b:s2+s8], $0x80, s3, s8, $0xb8;
	[tilespmem:$0x6500] =	vst v63  }
0x2a: {  	s11 =	sadd.s32 $0x1, s11;
	_ =	swait.ge [sflag:s10], $0x6400  }
0x2b: {  	p0 =	sne.s32 s11, s4;
	[sflag:s10] =	ssyncset.done $0x0  }
.Ltmp1:
0x2c: {  	[sflag:s10] =	ssyncadd.s32 $0xFFFF9C00;
	(pc) =	sbr.rel @p0 .LBB2_1-.Ltmp1, $4  }
0x2d: {  	[hbm4b:s12+s3] =	stream.linear.scatter [tilespmem:s9], [sflag:$0x2], $0x6400, $0x38;
	[tilespmem:$0x6500] =	vst v63  }
0x2e: {  	_ =	swait.ge [sflag:s7], $0x6400  }
0x2f: {  	[sflag:s7] =	ssyncset.done $0x0  }
0x30: {  	[sflag:s7] =	ssyncadd.s32 $0xFFFF9C00  }
0x31: {  	_ =	sfence.sel $0x180000  }
0x32: {  	[bflag:$0x0] =	sbarrier.arrive $0xFFFF  }
0x33: {  	p0 =	sne.s32 s0, $0x0;
	_ =	strace $0x9000004A  }
0x34: {  	s0 =	sadd.s32 @!p0 $0x100000, s1;
	[bflag:$0x2] =	sbarrier.arrive $0xFFFF  }
0x35: {  	[sflag:s0] =	ssyncadd.tile.s32 @!p0 $0x1;
	_ =	shalt  }
.Lfunc_end2:
_tile_overlayer_lowered:
.L_overlay_start_2:
0x36: {  	(tag) =	ssettag $0x2  }
0x37: {  	s0 =	rddreg [dreg:$0x0];
	s2 =	stileid.u32  }
0x38: {  	s1 =	rddreg [dreg:$0x1];
	p0 =	sne.s32 s2, $0x0  }
0x39: {  	s3 =	rddreg [dreg:$0x2];
	[bflag:$0x3] =	sbarrier.arrive $0xFFFF;
	s2 =	simm.s32 @!p0 $0x1C02  }
0x3a: {  	[timem:s3], [sflag:s2] =	dma.local @!p0 [hbm:s0], s1  }
0x3b: {  	s0 =	simm.s32 @!p0 $0x2  }
0x3c: {  	_ =	swait.ge @!p0 [sflag:s0], s1  }
0x3d: {  	s1 =	ssub.s32 @!p0 $0x0, s1;
	[sflag:s0] =	ssyncset.done @!p0 $0x0  }
0x3e: {  	[sflag:s0] =	ssyncadd.s32 @!p0 s1  }
0x3f: {  	[bflag:$0x3] =	sbarrier.arrive $0xFFFF  }
0x40: {  	_ =	shalt  }

// kernel: kernel.16.cloned.1.call-start
scs
__scs_entry_jumppad:
0x0: {  	(pc) =	sbr.rel $0x88, $3  }
0x1: {  	(tag) =	ssettag $0x0;
	lr =	simm.s32 $0x1  }
0x2: {  	[smem:$0x3F43] =	sst lr;
	_ =	strace $0xD0000000  }
0x3: {  	_ = 	snop  }
0x4: {  	_ = 	snop  }
0x5: {  	_ = 	snop  }
0x6: {  	_ = 	snop  }
0x7: {  	_ = 	snop  }
__scs_overlays_trampoline_lowered:
0x8: {  	[smem:$0x3F52] =	sst s0  }
0x9: {  	[smem:$0x3F53] =	sst s1  }
0xa: {  	[smem:$0x3F54] =	sst s2  }
0xb: {  	[smem:$0x3F55] =	sst s3  }
0xc: {  	[smem:$0x3F56] =	sst s4  }
0xd: {  	[smem:$0x3F57] =	sst s5  }
0xe: {  	[smem:$0x3F58] =	sst s6  }
0xf: {  	[smem:$0x3F59] =	sst s7  }
0x10: {  	[smem:$0x3F5A] =	sst s8  }
0x11: {  	[smem:$0x3F5B] =	sst s9;
	s0 =	simm.s32 @!p0 $0x0  }
0x12: {  	s1 =	sld [smem:$0x3F41];
	s0 =	simm.s32 @p0 $0x1  }
0x13: {  	[smem:$0x3F5C] =	sst s0;
	s0 =	simm.s32 @!p1 $0x0  }
0x14: {  	s2 =	sld [smem:$0x3F40];
	s0 =	simm.s32 @p1 $0x1  }
0x15: {  	[smem:$0x3F5D] =	sst s0;
	s0 =	simm.s32 @!p2 $0x0  }
0x16: {  	s3 =	sld [smem:$0x3FDB];
	s0 =	simm.s32 @p2 $0x1  }
0x17: {  	s4 =	simm.s32 $0x1BF5;
	[smem:$0x3F5F] =	sst s0  }
0x18: {  	s0 =	sld [smem:$0x3F42];
	_ =	swait.ge [sflag:s4], $0x0  }
0x19: {  	s7 =	sld [smem:$0x3F43]  }
0x1a: {  	s8 =	sadd.s32 $0xFFFFE003, lr  }
0x1b: {  	s9 =	sadd.s32 $0xFFFFFEF7, lr;
	s5 =	simm.s32 $0xFFFFFFFF;
	p2 =	slt.u32 s8, $0xFFFFF086  }
0x1c: {  	p1 =	slt.u32 s9, $0xF7A;
	s5 =	simm.s32 @!p2 $0x0  }
0x1d: {  	s5 =	simm.s32 @p1 $0x1;
	p0 =	seq.s32 s7, s2  }
0x1e: {  	s7 =	smul.u32 @!p0 $0xF7A, s2;
	p2 =	seq.s32 @!p0 s5, $0x0  }
0x1f: {  	s9 =	smul.u32 $0xF7A, s1;
	s8 =	simm.s32 @!p0 $0x1BF5;
	p2 =	por !p2, p0  }
0x20: {  	[sflag:s8] =	ssyncset.s32 @!p0 $0xFFFFF086;
	s6 =	sadd.s32 @!p0 s3, s7;
	s7 =	simm.s32 @!p0 $0x108  }
0x21: {  	s3 =	sadd.s32 s3, s9;
	s6 =	sadd.s32 @!p0 $0x88, s6;
	s7 =	simm.s32 @p2 $0x1082  }
0x22: {  	[simem:s7], [sflag:s8] =	dma.local @!p0 [hbm:s6], $0xF7A  }
0x23: {  	s9 =	sor.u32 $0xD0000000, s2;
	s6 =	simm.s32 $0x108;
	_ =	swait.ge @!p0 [sflag:s8], $0x0  }
0x24: {  	s3 =	sadd.s32 $0x88, s3;
	s6 =	simm.s32 @!p1 $0x1082;
	[sflag:s4] =	ssyncset.s32 $0xFFFFF086  }
0x25: {  	[simem:s6], [sflag:s4] =	dma.local [hbm:s3], $0xF7A  }
0x26: {  	[smem:$0x3F43] =	sst s1;
	(tag) =	ssettag s2;
	_ =	strace s9  }
0x27: {  	s1 =	sld [smem:$0x3F53]  }
0x28: {  	s2 =	sld [smem:$0x3F54]  }
0x29: {  	s4 =	sld [smem:$0x3F56]  }
0x2a: {  	p0 =	seq.s32 s5, $0x0;
	s5 =	sld [smem:$0x3F57]  }
0x2b: {  	s6 =	sld [smem:$0x3F58]  }
0x2c: {  	s7 =	sld [smem:$0x3F59]  }
0x2d: {  	s3 =	simm.s32 $0x108;
	s8 =	sld [smem:$0x3F5A]  }
0x2e: {  	s3 =	simm.s32 @!p0 $0x1082;
	s9 =	sld [smem:$0x3F5B]  }
0x2f: {  	lr =	sadd.s32 s0, s3;
	s0 =	sld [smem:$0x3F52]  }
0x30: {  	s3 =	sld [smem:$0x3F55]  }
0x31: {  	[smem:$0x3F5E] =	sst s10  }
0x32: {  	s10 =	sld [smem:$0x3F5C];
	_ =	sdelay $0x3  }
0x33: {  	p0 =	seq.s32 s10, $0x1;
	s10 =	sld [smem:$0x3F5E];
	_ =	sdelay $0x3  }
0x34: {  	[smem:$0x3F5E] =	sst s10  }
0x35: {  	s10 =	sld [smem:$0x3F5D];
	_ =	sdelay $0x3  }
0x36: {  	p1 =	seq.s32 s10, $0x1;
	s10 =	sld [smem:$0x3F5E];
	_ =	sdelay $0x3  }
0x37: {  	[smem:$0x3F5E] =	sst s10  }
0x38: {  	s10 =	sld [smem:$0x3F5F]  }
0x39: {  	_ = 	snop;
	(pc) =	sbr.ind lr, $3  }
0x3a: {  	_ = 	snop  }
0x3b: {  	_ = 	snop  }
0x3c: {  	p2 =	seq.s32 s10, $0x1;
	s10 =	sld [smem:$0x3F5E]  }
0x3d: {  	_ =	shalt  }
0x3e: {  	_ =	shalt  }
0x3f: {  	_ =	shalt  }
0x40: {  	_ =	shalt  }
0x41: {  	_ =	shalt  }
0x42: {  	_ =	shalt  }
0x43: {  	_ =	shalt  }
0x44: {  	_ =	shalt  }
0x45: {  	_ =	shalt  }
0x46: {  	_ =	shalt  }
0x47: {  	_ =	shalt  }
0x48: {  	_ =	shalt  }
0x49: {  	_ =	shalt  }
0x4a: {  	_ =	shalt  }
0x4b: {  	_ =	shalt  }
0x4c: {  	_ =	shalt  }
0x4d: {  	_ =	shalt  }
0x4e: {  	_ =	shalt  }
0x4f: {  	_ =	shalt  }
0x50: {  	_ =	shalt  }
0x51: {  	_ =	shalt  }
0x52: {  	_ =	shalt  }
0x53: {  	_ =	shalt  }
0x54: {  	_ =	shalt  }
0x55: {  	_ =	shalt  }
0x56: {  	_ =	shalt  }
0x57: {  	_ =	shalt  }
0x58: {  	_ =	shalt  }
0x59: {  	_ =	shalt  }
0x5a: {  	_ =	shalt  }
0x5b: {  	_ =	shalt  }
0x5c: {  	_ =	shalt  }
0x5d: {  	_ =	shalt  }
0x5e: {  	_ =	shalt  }
0x5f: {  	_ =	shalt  }
0x60: {  	_ =	shalt  }
0x61: {  	_ =	shalt  }
0x62: {  	_ =	shalt  }
0x63: {  	_ =	shalt  }
0x64: {  	_ =	shalt  }
0x65: {  	_ =	shalt  }
0x66: {  	_ =	shalt  }
0x67: {  	_ =	shalt  }
0x68: {  	_ =	shalt  }
0x69: {  	_ =	shalt  }
0x6a: {  	_ =	shalt  }
0x6b: {  	_ =	shalt  }
0x6c: {  	_ =	shalt  }
0x6d: {  	_ =	shalt  }
0x6e: {  	_ =	shalt  }
0x6f: {  	_ =	shalt  }
0x70: {  	_ =	shalt  }
0x71: {  	_ =	shalt  }
0x72: {  	_ =	shalt  }
0x73: {  	_ =	shalt  }
0x74: {  	_ =	shalt  }
0x75: {  	_ =	shalt  }
0x76: {  	_ =	shalt  }
0x77: {  	_ =	shalt  }
0x78: {  	_ =	shalt  }
0x79: {  	_ =	shalt  }
0x7a: {  	_ =	shalt  }
0x7b: {  	_ =	shalt  }
0x7c: {  	_ =	shalt  }
0x7d: {  	_ =	shalt  }
0x7e: {  	_ =	shalt  }
0x7f: {  	_ =	shalt  }
0x80: {  	_ =	shalt  }
0x81: {  	_ =	shalt  }
0x82: {  	_ =	shalt  }
0x83: {  	_ =	shalt  }
0x84: {  	_ =	shalt  }
0x85: {  	_ =	shalt  }
0x86: {  	_ =	shalt  }
0x87: {  	_ =	shalt  }
.Lfunc_end0:
.L_simem_size_0:
called_computation.2_lowered:
.L_overlay_start_0:
0x88: {  	s2 =	sld [smem:$0x3FD9]  }
0x89: {  	s3 =	sld [smem:$0x3FFE];
	_ =	sdelay $0x1  }
0x8a: {  	s1 =	srdreg.scid  }
0x8b: {  	s0 =	sand.u32 $0x1, s1  }
0x8c: {  	s14 =	sshll.u32 s0, $0xA;
	s2 =	sadd.s32 s3, s2  }
0x8d: {  	s2 =	sadd.s32 s2, s14  }
0x8e: {  	[smem:$0x3F6A] =	sst s2  }
0x8f: {  	_ = 	snop  }
0x90: {  	s2 =	sld [smem:$0x3FD0];
	_ =	sdelay $0x2  }
0x91: {  	s15 =	simm.s32 $0xA;
	s4 =	simm.s32 $0x10  }
0x92: {  	[smem:s4], [sflag:s15] =	dma.local [hbm:s2], $0x1  }
0x93: {  	_ =	swait.eq [sflag:s15], $0x1  }
0x94: {  	[sflag:s15] =	ssyncset.done $0x0  }
0x95: {  	[sflag:s15] =	ssyncadd.s32 $0xFFFFFFFF  }
0x96: {  	s16 =	sld [smem:$0x11];
	(tm) =	ssettm $0x1  }
0x97: {  	s17 =	sld [smem:$0x3FFB];
	_ =	sdelay $0x3  }
0x98: {  	_ =	strace s17  }
0x99: {  	s3 =	sld [smem:$0x3FFC];
	_ =	sdelay $0x3  }
0x9a: {  	_ =	strace s3  }
0x9b: {  	s3 =	sld [smem:$0x3FFD];
	_ =	sdelay $0x3  }
0x9c: {  	_ =	strace s3  }
0x9d: {  	_ =	strace $0x8FFFFFFF  }
0x9e: {  	s18 =	sld [smem:$0x3FDB];
	_ =	sdelay $0x1  }
0x9f: {  	s19 =	simm.s32 $_scs_section_size  }
0xa0: {  	s5 =	simm.s32 $_size__tile_overlayer_lowered;
	s6 =	simm.s32 $_tile_overlayer_lowered  }
0xa1: {  	s22 =	simm.s32 $0x1BFF;
	s21 =	sshll.u32 s6, $0x1;
	s3 =	sadd.s32 s19, s18  }
0xa2: {  	s7 =	simm.s32 $0x0;
	s20 =	sshll.u32 s5, $0x1;
	s5 =	sadd.s32 s21, s3  }
0xa3: {  	[timem:s7], [sflag:s22] =	dma.local [hbm:s5], s20  }
0xa4: {  	_ =	swait.ge [sflag:s22], s20  }
0xa5: {  	s4 =	ssub.s32 $0x0, s20;
	[sflag:s22] =	ssyncset.done $0x0  }
0xa6: {  	[sflag:s22] =	ssyncadd.s32 s4;
	_ =	sdelay $0x1  }
0xa7: {  	s23 =	simm.s32 $0x1B8B  }
0xa8: {  	_ =	swait.ge [sflag:s23], $0x1  }
0xa9: {  	[sflag:s23] =	ssyncset.done $0x0  }
0xaa: {  	s25 =	simm.s32 $0x1B8E;
	s24 =	sld [smem:$0x3FFE];
	[sflag:s23] =	ssyncadd.s32 $0xFFFFFFFF  }
0xab: {  	s26 =	simm.s32 $execute0_lowered;
	[smem:$0x3FD2] =	sst s25  }
0xac: {  	s5 =	sshll.u32 s26, $0x1;
	_ =	strace $0x8000004C;
	[dreg:$0x1] =	wrdreg $0xFFFFFFFF  }
0xad: {  	s28 =	simm.s32 $_size_execute0_lowered;
	s3 =	sadd.s32 s3, s5;
	[dreg:$0x0] =	wrdreg $0x0  }
0xae: {  	s5 =	sshll.u32 s28, $0x1;
	[dreg:$0x2] =	wrdreg s3  }
0xaf: {  	[dreg:$0x3] =	wrdreg s5  }
0xb0: {  	[dreg:$0x4] =	wrdreg $0xC0  }
0xb1: {  	_ =	task [dreg:s7], $0x5FFFF  }
0xb2: {  	[dreg:$0x1] =	wrdreg $0xFFFFFFFF  }
0xb3: {  	[dreg:$0x0] =	wrdreg $0x60  }
0xb4: {  	[dreg:$0x2] =	wrdreg s16  }
0xb5: {  	[dreg:$0x3] =	wrdreg s24  }
0xb6: {  	[dreg:$0x4] =	wrdreg $0x9  }
0xb7: {  	_ =	task.clear_ibuf [dreg:s7], $0x5FFFF;
	_ =	strace $0x9000004C  }
0xb8: {  	s29 =	simm.s32 $0x9;
	_ =	strace $0x8000004E  }
0xb9: {  	_ =	swait.ge [sflag:s29], $0x1  }
0xba: {  	[sflag:s29] =	ssyncadd.s32 $0xFFFFFFFF  }
0xbb: {  	_ =	strace $0x9000004E  }
0xbc: {  	_ =	sfence  }
0xbd: {  	s30 =	sld [smem:$0x0];
	_ =	sdelay $0x2  }
0xbe: {  	s31 =	sshll.u32 s1, $0xD;
	s1 =	sshrl.u32 s1, $0x2  }
0xbf: {  	s3 =	sand.u32 $0x4000, s31;
	s1 =	sadd.s32 s1, s30  }
0xc0: {  	s0 =	sor.u32 s3, s0;
	s1 =	sshll.u32 s1, $0x11  }
0xc1: {  	s0 =	sor.u32 s1, s0  }
0xc2: {  	s0 =	sadd.s32 $0x8F2B, s0  }
0xc3: {  	[sflag:s0] =	ssyncadd.remote.s32 $0x1  }
0xc4: {  	_ =	sfence.sel $0xFFFF  }
0xc5: {  	[dreg:$0x0] =	wrdreg $0xFFFFFFFF;
	(pc) =	sbr.abs _section_cstart, $3  }
0xc6: {  	[dreg:$0x1] =	wrdreg $0xFFFFFFFF  }
0xc7: {  	_ =	task.clear_ibuf [dreg:s7], $0x2FFFF;
	_ =	strace $0x9FFFFFFF  }
0xc8: {  	(tm) =	ssettm $0x7FFFFFFF  }
0xc9: {  	_ =	shalt  }
tec
execute0_lowered:
.L_overlay_start_1:
0x0: {  	(tag) =	ssettag $0x1  }
0x1: {  	s2 =	rddreg [dreg:$0x0];
	s1 =	srdreg.scid  }
0x2: {  	s0 =	stileid.u32;
	s4 =	rddreg [dreg:$0x1];
	s3 =	simm.s32 $0x0  }
0x3: {  	s10 =	simm.s32 $0x1;
	s11 =	simm.s32 $0x0;
	s6 =	smul.u32 $0x2710, s0  }
0x4: {  	s5 =	sand.u32 $0x1, s1;
	s1 =	rddreg [dreg:$0x2];
	s8 =	smul.u32 $0x27100, s0  }
0x5: {  	[smem:$0x7FF] =	sst s3;
	s7 =	smul.u32 $0x1388, s5;
	s9 =	ssub.s32 $0x2, s5  }
0x6: {  	_ =	strace $0x8000004D;
	s5 =	smul.u32 $0x13880, s5;
	s31 =	sshrl.u32 s9, $0x1  }
0x7: {  	s30 =	sadd.s32 s8, s4;
	s6 =	sadd.s32 s7, s6;
	s8 =	ssub.s32 s9, s31  }
0x8: {  	s5 =	sadd.s32 s5, s30;
	s7 =	simm.s32 $0x2;
	s6 =	sshrl.u32 s6, $0x3  }
0x9: {  	s9 =	simm.s32 $0x100;
	s5 =	sadd.s32 $0x16800, s5;
	s6 =	sadd.s32 s6, s4  }
0xa: {  	s4 =	smax.u32 s8, $0x1;
	s8 =	simm.s32 $0xC8;
	s6 =	sadd.s32 $0x11800, s6  }
.LBB2_1:
0xb: {  	s12 =	sadd.s32 $0x0, s6  }
0xc: {  	[tilespmem:s3], [sflag:$0x2] =	stream.linear.gather [hbm4b:s12+s3], $0xC8, $0x38;
	[tilespmem:$0x6500] =	vst v63  }
0xd: {  	_ =	swait.ge [sflag:s7], $0xC8  }
0xe: {  	[sflag:s7] =	ssyncset.done $0x0  }
0xf: {  	[sflag:s7] =	ssyncadd.s32 $0xFFFFFF38  }
0x10: {  	[tilespmem:s9], [sflag:$0x1] =	stream.indirect.gather [hbm4b:s2+s8], $0x80, s3, s8, $0xb8;
	[tilespmem:$0x6500] =	vst v63  }
0x11: {  	_ =	swait.ge [sflag:s10], $0x6400  }
0x12: {  	[sflag:s10] =	ssyncset.done $0x0  }
0x13: {  	[sflag:s10] =	ssyncadd.s32 $0xFFFF9C00  }
0x14: {  	[hbm4b:s5+s3] =	stream.linear.scatter [tilespmem:s9], [sflag:$0x2], $0x6400, $0x38;
	[tilespmem:$0x6500] =	vst v63  }
0x15: {  	s13 =	simm.s32 $0x19;
	_ =	swait.ge [sflag:s7], $0x6400  }
0x16: {  	s14 =	simm.s32 $0x32;
	s12 =	sadd.s32 $0xC80, s5;
	[sflag:s7] =	ssyncset.done $0x0  }
.LBB2_2:
0x17: {  	s15 =	sadd.s32 s13, s6  }
0x18: {  	[sflag:s7] =	ssyncadd.s32 $0xFFFF9C00;
	s13 =	smov.u32 s14;
	s16 =	sadd.s32 $0x19, s14  }
0x19: {  	[tilespmem:s3], [sflag:$0x2] =	stream.linear.gather [hbm4b:s15+s3], $0xC8, $0x38;
	[tilespmem:$0x6500] =	vst v63  }
0x1a: {  	p0 =	sne.s32 s14, $0x258;
	_ =	swait.ge [sflag:s7], $0xC8  }
0x1b: {  	[sflag:s7] =	ssyncset.done $0x0  }
0x1c: {  	[sflag:s7] =	ssyncadd.s32 $0xFFFFFF38  }
0x1d: {  	[tilespmem:s9], [sflag:$0x1] =	stream.indirect.gather [hbm4b:s2+s8], $0x80, s3, s8, $0xb8;
	[tilespmem:$0x6500] =	vst v63  }
0x1e: {  	_ =	swait.ge [sflag:s10], $0x6400  }
.Ltmp0:
0x1f: {  	[sflag:s10] =	ssyncset.done $0x0;
	(pc) =	sbr.rel @p0 .LBB2_2-.Ltmp0, $4  }
0x20: {  	[sflag:s10] =	ssyncadd.s32 $0xFFFF9C00  }
0x21: {  	[hbm4b:s12+s3] =	stream.linear.scatter [tilespmem:s9], [sflag:$0x2], $0x6400, $0x38;
	[tilespmem:$0x6500] =	vst v63  }
0x22: {  	_ =	swait.ge [sflag:s7], $0x6400  }
0x23: {  	s14 =	smov.u32 s16;
	s12 =	sadd.s32 $0xC80, s12;
	[sflag:s7] =	ssyncset.done $0x0  }
0x24: {  	s13 =	sadd.s32 s13, s6;
	[sflag:s7] =	ssyncadd.s32 $0xFFFF9C00  }
0x25: {  	[tilespmem:s3], [sflag:$0x2] =	stream.linear.gather [hbm4b:s13+s3], $0xC8, $0x38;
	[tilespmem:$0x6500] =	vst v63  }
0x26: {  	_ =	swait.ge [sflag:s7], $0xC8  }
0x27: {  	[sflag:s7] =	ssyncset.done $0x0  }
0x28: {  	[sflag:s7] =	ssyncadd.s32 $0xFFFFFF38  }
0x29: {  	[tilespmem:s9], [sflag:$0x1] =	stream.indirect.gather [hbm4b:s2+s8], $0x80, s3, s8, $0xb8;
	[tilespmem:$0x6500] =	vst v63  }
0x2a: {  	s11 =	sadd.s32 $0x1, s11;
	_ =	swait.ge [sflag:s10], $0x6400  }
0x2b: {  	p0 =	sne.s32 s11, s4;
	[sflag:s10] =	ssyncset.done $0x0  }
.Ltmp1:
0x2c: {  	[sflag:s10] =	ssyncadd.s32 $0xFFFF9C00;
	(pc) =	sbr.rel @p0 .LBB2_1-.Ltmp1, $4  }
0x2d: {  	[hbm4b:s12+s3] =	stream.linear.scatter [tilespmem:s9], [sflag:$0x2], $0x6400, $0x38;
	[tilespmem:$0x6500] =	vst v63  }
0x2e: {  	_ =	swait.ge [sflag:s7], $0x6400  }
0x2f: {  	[sflag:s7] =	ssyncset.done $0x0  }
0x30: {  	[sflag:s7] =	ssyncadd.s32 $0xFFFF9C00  }
0x31: {  	_ =	sfence.sel $0x180000  }
0x32: {  	[bflag:$0x0] =	sbarrier.arrive $0xFFFF  }
0x33: {  	p0 =	sne.s32 s0, $0x0;
	_ =	strace $0x9000004D  }
0x34: {  	s0 =	sadd.s32 @!p0 $0x100000, s1;
	[bflag:$0x2] =	sbarrier.arrive $0xFFFF  }
0x35: {  	[sflag:s0] =	ssyncadd.tile.s32 @!p0 $0x1;
	_ =	shalt  }
.Lfunc_end2:
_tile_overlayer_lowered:
.L_overlay_start_2:
0x36: {  	(tag) =	ssettag $0x2  }
0x37: {  	s0 =	rddreg [dreg:$0x0];
	s2 =	stileid.u32  }
0x38: {  	s1 =	rddreg [dreg:$0x1];
	p0 =	sne.s32 s2, $0x0  }
0x39: {  	s3 =	rddreg [dreg:$0x2];
	[bflag:$0x3] =	sbarrier.arrive $0xFFFF;
	s2 =	simm.s32 @!p0 $0x1C02  }
0x3a: {  	[timem:s3], [sflag:s2] =	dma.local @!p0 [hbm:s0], s1  }
0x3b: {  	s0 =	simm.s32 @!p0 $0x2  }
0x3c: {  	_ =	swait.ge @!p0 [sflag:s0], s1  }
0x3d: {  	s1 =	ssub.s32 @!p0 $0x0, s1;
	[sflag:s0] =	ssyncset.done @!p0 $0x0  }
0x3e: {  	[sflag:s0] =	ssyncadd.s32 @!p0 s1  }
0x3f: {  	[bflag:$0x3] =	sbarrier.arrive $0xFFFF  }
0x40: {  	_ =	shalt  }

</sc_bundles>
